<compile_context>
chip_gen: v7x
topology: tpu7x:2x2x1
jax: 0.10.2.dev20260603
libtpu: 0.0.44.dev20260713+nightly
codegen_flags: <defaults>
</compile_context>

<pallas_src>
import functools

import jax
import jax.numpy as jnp
from jax import lax
from jax.experimental import pallas as pl
from jax.experimental.pallas import tpu as pltpu
from jax.experimental.pallas import tpu_sc as plsc

N = 256
B = 8
CH = 64
CENTER1 = 2047

NC = 2
NS = 16
L = 16
NW = NC * NS

P = N * N * B
PAIRS_PER_TILE = P // NW
KCH = 128
NCHUNK = PAIRS_PER_TILE // KCH
NBUF = 4


def _sc_body(i0_hbm, i1_hbm, i0r_hbm, i1r_hbm, pe0_hbm, pe1_hbm, out_hbm,
             i0v, i1v, i0rv, i1rv, idx0s, idx1s, b0s, b1s, pe0_sh, pe1_sh,
             gsem0, gsem1, ssem):
    cid = lax.axis_index("c")
    sid = lax.axis_index("s")
    wid = sid * NC + cid
    pltpu.sync_copy(i0_hbm, i0v)
    pltpu.sync_copy(i1_hbm, i1v)
    pltpu.sync_copy(i0r_hbm, i0rv)
    pltpu.sync_copy(i1r_hbm, i1rv)

    @pl.when(sid == 0)
    def _stage():
        pltpu.sync_copy(pe0_hbm, pe0_sh)
        pltpu.sync_copy(pe1_hbm, pe1_sh)
    plsc.subcore_barrier()

    pair0 = wid * PAIRS_PER_TILE

    def issue(t, j):
        p_base = pair0 + t * KCH
        q = p_base >> 11
        kb0 = p_base & (N * B - 1)
        a0 = i0rv[pl.ds(q * L, L)]
        a1 = i1rv[pl.ds(q * L, L)]
        for v in range(KCH // L):
            c0 = i0v[pl.ds(kb0 + v * L, L)]
            c1 = i1v[pl.ds(kb0 + v * L, L)]
            idx0s[j][pl.ds(v * L, L)] = jnp.maximum(a0 - c0, 0)
            idx1s[j][pl.ds(v * L, L)] = a1 - c1 + CENTER1
        pltpu.make_async_copy(pe0_sh.at[idx0s[j]], b0s[j], gsem0[j]).start()
        pltpu.make_async_copy(pe1_sh.at[idx1s[j]], b1s[j], gsem1[j]).start()

    def complete(t, j):
        pltpu.make_async_copy(pe0_sh.at[idx0s[j]], b0s[j], gsem0[j]).wait()
        pltpu.make_async_copy(pe1_sh.at[idx1s[j]], b1s[j], gsem1[j]).wait()

        def add_body(r, c2):
            for cc in range(CH // L):
                plsc.addupdate(b0s[j].at[r, pl.ds(cc * L, L)],
                               b1s[j][r, pl.ds(cc * L, L)])
            return c2
        lax.fori_loop(0, KCH, add_body, 0, unroll=8)
        p_base = pair0 + t * KCH
        pltpu.make_async_copy(b0s[j], out_hbm.at[pl.ds(p_base, KCH)],
                              ssem[j]).start()

    def wait_scatter(j):
        pltpu.make_async_copy(b0s[j], out_hbm.at[pl.ds(pair0, KCH)],
                              ssem[j]).wait()

    issue(0, 0)
    issue(1, 1)

    def chunk_quad(tq, carry):
        for j in range(NBUF):
            t = tq * NBUF + j
            s2 = (j + 2) % NBUF

            @pl.when(t + 2 < NCHUNK)
            def _issue_ahead():
                @pl.when(t >= 2)
                def _drain():
                    wait_scatter(s2)
                issue(t + 2, s2)

            complete(t, j)
        return carry

    lax.fori_loop(0, NCHUNK // NBUF, chunk_quad, 0)
    for j in range(NBUF):
        wait_scatter(j)


@functools.partial(
    pl.kernel,
    out_type=jax.ShapeDtypeStruct((P, CH), jnp.float32),
    mesh=plsc.VectorSubcoreMesh(core_axis_name="c", subcore_axis_name="s"),
    scratch_types=(
        [pltpu.VMEM((N * B,), jnp.int32)] * 2
        + [pltpu.VMEM((N * L,), jnp.int32)] * 2
        + [pltpu.VMEM((KCH,), jnp.int32)] * (2 * NBUF)
        + [pltpu.VMEM((KCH, CH), jnp.float32)] * (2 * NBUF)
        + [pltpu.VMEM_SHARED((2048, CH), jnp.float32),
           pltpu.VMEM_SHARED((4095, CH), jnp.float32)]
        + [pltpu.SemaphoreType.DMA] * (3 * NBUF)
    ),
    compiler_params=pltpu.CompilerParams(needs_layout_passes=False,
                                         use_tc_tiling_on_sc=False,
                                         disable_bounds_checks=True),
)
def _sc_pe(i0_hbm, i1_hbm, i0r_hbm, i1r_hbm, pe0_hbm, pe1_hbm, out_hbm,
           *scratch):
    i0v, i1v, i0rv, i1rv = scratch[0:4]
    idx0s = scratch[4:4 + NBUF]
    idx1s = scratch[4 + NBUF:4 + 2 * NBUF]
    b0s = scratch[4 + 2 * NBUF:4 + 3 * NBUF]
    b1s = scratch[4 + 3 * NBUF:4 + 4 * NBUF]
    pe0_sh, pe1_sh = scratch[4 + 4 * NBUF:6 + 4 * NBUF]
    sems = scratch[6 + 4 * NBUF:]
    gsem0 = sems[0:NBUF]
    gsem1 = sems[NBUF:2 * NBUF]
    ssem = sems[2 * NBUF:3 * NBUF]
    _sc_body(i0_hbm, i1_hbm, i0r_hbm, i1r_hbm, pe0_hbm, pe1_hbm, out_hbm,
             i0v, i1v, i0rv, i1rv, idx0s, idx1s, b0s, b1s, pe0_sh, pe1_sh,
             gsem0, gsem1, ssem)


def _cm_body(i0_ref, pad_ref, out_ref):
    i0 = i0_ref[:]
    pad = pad_ref[:]
    causal = i0[:, :, None] < i0[:, None, :]
    q = lax.broadcasted_iota(jnp.int32, (B, N, N), 1)
    k = lax.broadcasted_iota(jnp.int32, (B, N, N), 2)
    padm = jnp.maximum(q, k) >= pad[:, :, None]
    out = (causal | padm) & (q != k)
    out_ref[:] = out.astype(jnp.int8)


_cm_call = pl.pallas_call(
    _cm_body,
    out_shape=jax.ShapeDtypeStruct((B, N, N), jnp.int8),
)


def kernel(i, pad, pe0, pe1):
    i0 = i[:, :, 0]
    i1 = i[:, :, 1]
    i0f = i0.reshape(-1)
    i1f = i1.reshape(-1)
    i0r = jnp.tile(i0, (1, 2)).reshape(-1)
    i1r = jnp.tile(i1, (1, 2)).reshape(-1)
    pe_flat = _sc_pe(i0f, i1f, i0r, i1r, pe0, pe1)
    pe = pe_flat.reshape(N, N, B, CH)
    cm8 = _cm_call(i0.T, pad.reshape(B, 1))
    cm = cm8.transpose(1, 2, 0).astype(bool)
    return pe, cm

# --- scband reference (transcript-rebuilt; emitter-appended) ---
"""Pipeline reference for scband-factored-learned-relative-positional-encoding-55989193671082 (READ-ONLY COPY).

The authoritative reference and input builder live on the scoring server;
editing this copy changes nothing except your own understanding.
"""

import jax, jax.numpy as jnp
import numpy as np

N, B, D = 256, 8, 2
CHANNELS = 64
DATA_SHAPE = (2048, 2048)
CAUSAL_DIMS = (0,)
ENCODING_SHAPE = tuple(ds if j in CAUSAL_DIMS else ds * 2 - 1 for j, ds in enumerate(DATA_SHAPE))
CENTER_OFFSET = np.array([0 if j in CAUSAL_DIMS else ds - 1 for j, ds in enumerate(DATA_SHAPE)], dtype=np.int32)


def setup_inputs(seed: int = 0) -> dict:
    key = jax.random.key(seed)
    k1, k2, k3, k4 = jax.random.split(key, 4)
    i = jax.random.randint(k1, (N, B, D), 0, DATA_SHAPE[0], dtype=jnp.int32)
    pad = jax.random.randint(k2, (B,), 1, N, dtype=jnp.int32)
    pe0 = jax.random.normal(k3, (ENCODING_SHAPE[0], CHANNELS), dtype=jnp.float32) * 0.02
    pe1 = jax.random.normal(k4, (ENCODING_SHAPE[1], CHANNELS), dtype=jnp.float32) * 0.02
    return {"i": i, "pad": pad, "pe0": pe0, "pe1": pe1}


def compressed_causal_mask(i, pad, causal_dim):
    ic = i[:, :, causal_dim]  # [n, b]
    n, b = ic.shape
    causal_mask = ic[:, None, :] < ic[None, :, :]  # [n, n, b]
    ar = jnp.arange(n)
    square = jnp.maximum(ar[:, None], ar[None, :])  # [n, n]
    padding_mask = square[:, :, None] >= pad[None, None, :]  # [n, n, b]
    cm = causal_mask | padding_mask
    cm = cm.at[ar, ar, :].set(False)
    return cm


def reference(i, pad, pe0, pe1):
    center = jnp.asarray(CENTER_OFFSET)
    r = i[:, None, :, :] - i[None, :, :, :]  # [n, n, b, d]
    r = r + center[None, None, None, :]
    r = jnp.clip(r, 0, None)
    pe = jnp.take(pe0, r[:, :, :, 0], axis=0) + jnp.take(pe1, r[:, :, :, 1], axis=0)  # [n, n, b, channels]
    cm = compressed_causal_mask(i, pad, CAUSAL_DIMS[0])
    return pe, cm

if __name__ == "__main__":
    import jax
    _d = setup_inputs()
    print(jax.jit(kernel)(*tuple(_d.values())))

</pallas_src>

<mosaic_0001>
#map = affine_map<(d0, d1) -> (0)>
#map1 = affine_map<(d0, d1) -> (0, 0)>
module attributes {stable_mosaic.version = 14 : i64} {
  func.func @_sc_pe(%arg0: i32, %arg1: i32, %arg2: memref<2048xi32, #tpu.memory_space<hbm>>, %arg3: memref<2048xi32, #tpu.memory_space<hbm>>, %arg4: memref<4096xi32, #tpu.memory_space<hbm>>, %arg5: memref<4096xi32, #tpu.memory_space<hbm>>, %arg6: memref<2048x64xf32, #tpu.memory_space<hbm>>, %arg7: memref<4095x64xf32, #tpu.memory_space<hbm>>, %arg8: memref<524288x64xf32, #tpu.memory_space<hbm>>, %arg9: memref<2048xi32, #tpu.memory_space<vmem>>, %arg10: memref<2048xi32, #tpu.memory_space<vmem>>, %arg11: memref<4096xi32, #tpu.memory_space<vmem>>, %arg12: memref<4096xi32, #tpu.memory_space<vmem>>, %arg13: memref<128xi32, #tpu.memory_space<vmem>>, %arg14: memref<128xi32, #tpu.memory_space<vmem>>, %arg15: memref<128xi32, #tpu.memory_space<vmem>>, %arg16: memref<128xi32, #tpu.memory_space<vmem>>, %arg17: memref<128xi32, #tpu.memory_space<vmem>>, %arg18: memref<128xi32, #tpu.memory_space<vmem>>, %arg19: memref<128xi32, #tpu.memory_space<vmem>>, %arg20: memref<128xi32, #tpu.memory_space<vmem>>, %arg21: memref<128x64xf32, #tpu.memory_space<vmem>>, %arg22: memref<128x64xf32, #tpu.memory_space<vmem>>, %arg23: memref<128x64xf32, #tpu.memory_space<vmem>>, %arg24: memref<128x64xf32, #tpu.memory_space<vmem>>, %arg25: memref<128x64xf32, #tpu.memory_space<vmem>>, %arg26: memref<128x64xf32, #tpu.memory_space<vmem>>, %arg27: memref<128x64xf32, #tpu.memory_space<vmem>>, %arg28: memref<128x64xf32, #tpu.memory_space<vmem>>, %arg29: memref<2048x64xf32, #tpu.memory_space<vmem_shared>>, %arg30: memref<4095x64xf32, #tpu.memory_space<vmem_shared>>, %arg31: memref<!tpu.dma_semaphore, #tpu.memory_space<semaphore_mem>>, %arg32: memref<!tpu.dma_semaphore, #tpu.memory_space<semaphore_mem>>, %arg33: memref<!tpu.dma_semaphore, #tpu.memory_space<semaphore_mem>>, %arg34: memref<!tpu.dma_semaphore, #tpu.memory_space<semaphore_mem>>, %arg35: memref<!tpu.dma_semaphore, #tpu.memory_space<semaphore_mem>>, %arg36: memref<!tpu.dma_semaphore, #tpu.memory_space<semaphore_mem>>, %arg37: memref<!tpu.dma_semaphore, #tpu.memory_space<semaphore_mem>>, %arg38: memref<!tpu.dma_semaphore, #tpu.memory_space<semaphore_mem>>, %arg39: memref<!tpu.dma_semaphore, #tpu.memory_space<semaphore_mem>>, %arg40: memref<!tpu.dma_semaphore, #tpu.memory_space<semaphore_mem>>, %arg41: memref<!tpu.dma_semaphore, #tpu.memory_space<semaphore_mem>>, %arg42: memref<!tpu.dma_semaphore, #tpu.memory_space<semaphore_mem>>) attributes {dimension_semantics = [#tpu.dimension_semantics<core_parallel>, #tpu.dimension_semantics<subcore_parallel>], iteration_bounds = array<i64: 2, 16>, scalar_prefetch = 0 : i64, scratch_operands = 34 : i64, tpu.core_type = #tpu.core_type<sc_vector_subcore>, window_params = [{transform_indices = #map}, {transform_indices = #map}, {transform_indices = #map}, {transform_indices = #map}, {transform_indices = #map1}, {transform_indices = #map1}, {transform_indices = #map1}]} {
    %mul3A = arith.constant 2 : i32
    %mul3A_0 = arith.muli %arg1, %mul3A : i32
    %add3A = arith.addi %mul3A_0, %arg0 : i32
    "tpu.region"() ({
      %run_scoped3A = tpu.sem_alloc : memref<!tpu.dma_semaphore, #tpu.memory_space<semaphore_mem>>
      tpu.enqueue_dma source(%arg2 : memref<2048xi32, #tpu.memory_space<hbm>>) target(%arg9 : memref<2048xi32, #tpu.memory_space<vmem>>) target_semaphore(%run_scoped3A : memref<!tpu.dma_semaphore, #tpu.memory_space<semaphore_mem>>)
      tpu.wait_dma2 semaphore(%run_scoped3A : memref<!tpu.dma_semaphore, #tpu.memory_space<semaphore_mem>>) src(%arg2 : memref<2048xi32, #tpu.memory_space<hbm>>) dst(%arg9 : memref<2048xi32, #tpu.memory_space<vmem>>)
      tpu.yield
    }) : () -> ()
    "tpu.region"() ({
      %run_scoped3A = tpu.sem_alloc : memref<!tpu.dma_semaphore, #tpu.memory_space<semaphore_mem>>
      tpu.enqueue_dma source(%arg3 : memref<2048xi32, #tpu.memory_space<hbm>>) target(%arg10 : memref<2048xi32, #tpu.memory_space<vmem>>) target_semaphore(%run_scoped3A : memref<!tpu.dma_semaphore, #tpu.memory_space<semaphore_mem>>)
      tpu.wait_dma2 semaphore(%run_scoped3A : memref<!tpu.dma_semaphore, #tpu.memory_space<semaphore_mem>>) src(%arg3 : memref<2048xi32, #tpu.memory_space<hbm>>) dst(%arg10 : memref<2048xi32, #tpu.memory_space<vmem>>)
      tpu.yield
    }) : () -> ()
    "tpu.region"() ({
      %run_scoped3A = tpu.sem_alloc : memref<!tpu.dma_semaphore, #tpu.memory_space<semaphore_mem>>
      tpu.enqueue_dma source(%arg4 : memref<4096xi32, #tpu.memory_space<hbm>>) target(%arg11 : memref<4096xi32, #tpu.memory_space<vmem>>) target_semaphore(%run_scoped3A : memref<!tpu.dma_semaphore, #tpu.memory_space<semaphore_mem>>)
      tpu.wait_dma2 semaphore(%run_scoped3A : memref<!tpu.dma_semaphore, #tpu.memory_space<semaphore_mem>>) src(%arg4 : memref<4096xi32, #tpu.memory_space<hbm>>) dst(%arg11 : memref<4096xi32, #tpu.memory_space<vmem>>)
      tpu.yield
    }) : () -> ()
    "tpu.region"() ({
      %run_scoped3A = tpu.sem_alloc : memref<!tpu.dma_semaphore, #tpu.memory_space<semaphore_mem>>
      tpu.enqueue_dma source(%arg5 : memref<4096xi32, #tpu.memory_space<hbm>>) target(%arg12 : memref<4096xi32, #tpu.memory_space<vmem>>) target_semaphore(%run_scoped3A : memref<!tpu.dma_semaphore, #tpu.memory_space<semaphore_mem>>)
      tpu.wait_dma2 semaphore(%run_scoped3A : memref<!tpu.dma_semaphore, #tpu.memory_space<semaphore_mem>>) src(%arg5 : memref<4096xi32, #tpu.memory_space<hbm>>) dst(%arg12 : memref<4096xi32, #tpu.memory_space<vmem>>)
      tpu.yield
    }) : () -> ()
    %eq3A = arith.constant 0 : i32
    %eq3A_1 = arith.cmpi eq, %arg1, %eq3A : i32
    %convert_element_type3A = arith.extui %eq3A_1 : i1 to i32
    %cond3A = arith.constant 0 : i32
    %cond3A_2 = arith.cmpi ne, %convert_element_type3A, %cond3A : i32
    scf.if %cond3A_2 {
      "tpu.region"() ({
        %run_scoped3A = tpu.sem_alloc : memref<!tpu.dma_semaphore, #tpu.memory_space<semaphore_mem>>
        tpu.enqueue_dma source(%arg6 : memref<2048x64xf32, #tpu.memory_space<hbm>>) target(%arg29 : memref<2048x64xf32, #tpu.memory_space<vmem_shared>>) target_semaphore(%run_scoped3A : memref<!tpu.dma_semaphore, #tpu.memory_space<semaphore_mem>>)
        tpu.wait_dma2 semaphore(%run_scoped3A : memref<!tpu.dma_semaphore, #tpu.memory_space<semaphore_mem>>) src(%arg6 : memref<2048x64xf32, #tpu.memory_space<hbm>>) dst(%arg29 : memref<2048x64xf32, #tpu.memory_space<vmem_shared>>)
        tpu.yield
      }) : () -> ()
      "tpu.region"() ({
        %run_scoped3A = tpu.sem_alloc : memref<!tpu.dma_semaphore, #tpu.memory_space<semaphore_mem>>
        tpu.enqueue_dma source(%arg7 : memref<4095x64xf32, #tpu.memory_space<hbm>>) target(%arg30 : memref<4095x64xf32, #tpu.memory_space<vmem_shared>>) target_semaphore(%run_scoped3A : memref<!tpu.dma_semaphore, #tpu.memory_space<semaphore_mem>>)
        tpu.wait_dma2 semaphore(%run_scoped3A : memref<!tpu.dma_semaphore, #tpu.memory_space<semaphore_mem>>) src(%arg7 : memref<4095x64xf32, #tpu.memory_space<hbm>>) dst(%arg30 : memref<4095x64xf32, #tpu.memory_space<vmem_shared>>)
        tpu.yield
      }) : () -> ()
    } else {
    }
    %barrier3A = arith.constant 0 : index
    tpu.barrier barrier_id(%barrier3A)
    %mul3A_3 = arith.constant 16384 : i32
    %mul3A_4 = arith.muli %add3A, %mul3A_3 : i32
    %add3A_5 = arith.constant 0 : i32
    %add3A_6 = arith.addi %mul3A_4, %add3A_5 : i32
    %shift_right_arithmetic3A = arith.constant 11 : i32
    %shift_right_arithmetic3A_7 = arith.shrsi %add3A_6, %shift_right_arithmetic3A : i32
    %and3A = arith.constant 2047 : i32
    %and3A_8 = arith.andi %add3A_6, %and3A : i32
    %mul3A_9 = arith.constant 16 : i32
    %mul3A_10 = arith.muli %shift_right_arithmetic3A_7, %mul3A_9 : i32
    %get3A = arith.index_cast %mul3A_10 : i32 to index
    %get3A_11 = tpu.vector_load %arg11[%get3A] {strides = array<i32>} : memref<4096xi32, #tpu.memory_space<vmem>>, vector<16xi32>,
    %mul3A_12 = arith.constant 16 : i32
    %mul3A_13 = arith.muli %shift_right_arithmetic3A_7, %mul3A_12 : i32
    %get3A_14 = arith.index_cast %mul3A_13 : i32 to index
    %get3A_15 = tpu.vector_load %arg12[%get3A_14] {strides = array<i32>} : memref<4096xi32, #tpu.memory_space<vmem>>, vector<16xi32>,
    %add3A_16 = arith.constant 0 : i32
    %add3A_17 = arith.addi %and3A_8, %add3A_16 : i32
    %get3A_18 = arith.index_cast %add3A_17 : i32 to index
    %get3A_19 = tpu.vector_load %arg9[%get3A_18] {strides = array<i32>} : memref<2048xi32, #tpu.memory_space<vmem>>, vector<16xi32>,
    %add3A_20 = arith.constant 0 : i32
    %add3A_21 = arith.addi %and3A_8, %add3A_20 : i32
    %get3A_22 = arith.index_cast %add3A_21 : i32 to index
    %get3A_23 = tpu.vector_load %arg10[%get3A_22] {strides = array<i32>} : memref<2048xi32, #tpu.memory_space<vmem>>, vector<16xi32>,
    %sub3A = arith.subi %get3A_11, %get3A_19 : vector<16xi32>
    %max3A = arith.constant 0 : i32
    %max3A_24 = vector.broadcast %max3A : i32 to vector<16xi32>
    %max3A_25 = arith.maxsi %sub3A, %max3A_24 : vector<16xi32>
    %swap3A = arith.constant 0 : index
    %swap3A_26 = tpu.vector_load %arg13[%swap3A] {strides = array<i32>} : memref<128xi32, #tpu.memory_space<vmem>>, vector<16xi32>,
    tpu.vector_store %arg13[%swap3A], %max3A_25 {strides = array<i32>} : memref<128xi32, #tpu.memory_space<vmem>>, vector<16xi32>,
    %sub3A_27 = arith.subi %get3A_15, %get3A_23 : vector<16xi32>
    %add3A_28 = arith.constant 2047 : i32
    %add3A_29 = vector.broadcast %add3A_28 : i32 to vector<16xi32>
    %add3A_30 = arith.addi %sub3A_27, %add3A_29 : vector<16xi32>
    %swap3A_31 = arith.constant 0 : index
    %swap3A_32 = tpu.vector_load %arg17[%swap3A_31] {strides = array<i32>} : memref<128xi32, #tpu.memory_space<vmem>>, vector<16xi32>,
    tpu.vector_store %arg17[%swap3A_31], %add3A_30 {strides = array<i32>} : memref<128xi32, #tpu.memory_space<vmem>>, vector<16xi32>,
    %add3A_33 = arith.constant 16 : i32
    %add3A_34 = arith.addi %and3A_8, %add3A_33 : i32
    %get3A_35 = arith.index_cast %add3A_34 : i32 to index
    %get3A_36 = tpu.vector_load %arg9[%get3A_35] {strides = array<i32>} : memref<2048xi32, #tpu.memory_space<vmem>>, vector<16xi32>,
    %add3A_37 = arith.constant 16 : i32
    %add3A_38 = arith.addi %and3A_8, %add3A_37 : i32
    %get3A_39 = arith.index_cast %add3A_38 : i32 to index
    %get3A_40 = tpu.vector_load %arg10[%get3A_39] {strides = array<i32>} : memref<2048xi32, #tpu.memory_space<vmem>>, vector<16xi32>,
    %sub3A_41 = arith.subi %get3A_11, %get3A_36 : vector<16xi32>
    %max3A_42 = arith.constant 0 : i32
    %max3A_43 = vector.broadcast %max3A_42 : i32 to vector<16xi32>
    %max3A_44 = arith.maxsi %sub3A_41, %max3A_43 : vector<16xi32>
    %swap3A_45 = arith.constant 16 : index
    %swap3A_46 = tpu.vector_load %arg13[%swap3A_45] {strides = array<i32>} : memref<128xi32, #tpu.memory_space<vmem>>, vector<16xi32>,
    tpu.vector_store %arg13[%swap3A_45], %max3A_44 {strides = array<i32>} : memref<128xi32, #tpu.memory_space<vmem>>, vector<16xi32>,
    %sub3A_47 = arith.subi %get3A_15, %get3A_40 : vector<16xi32>
    %add3A_48 = arith.constant 2047 : i32
    %add3A_49 = vector.broadcast %add3A_48 : i32 to vector<16xi32>
    %add3A_50 = arith.addi %sub3A_47, %add3A_49 : vector<16xi32>
    %swap3A_51 = arith.constant 16 : index
    %swap3A_52 = tpu.vector_load %arg17[%swap3A_51] {strides = array<i32>} : memref<128xi32, #tpu.memory_space<vmem>>, vector<16xi32>,
    tpu.vector_store %arg17[%swap3A_51], %add3A_50 {strides = array<i32>} : memref<128xi32, #tpu.memory_space<vmem>>, vector<16xi32>,
    %add3A_53 = arith.constant 32 : i32
    %add3A_54 = arith.addi %and3A_8, %add3A_53 : i32
    %get3A_55 = arith.index_cast %add3A_54 : i32 to index
    %get3A_56 = tpu.vector_load %arg9[%get3A_55] {strides = array<i32>} : memref<2048xi32, #tpu.memory_space<vmem>>, vector<16xi32>,
    %add3A_57 = arith.constant 32 : i32
    %add3A_58 = arith.addi %and3A_8, %add3A_57 : i32
    %get3A_59 = arith.index_cast %add3A_58 : i32 to index
    %get3A_60 = tpu.vector_load %arg10[%get3A_59] {strides = array<i32>} : memref<2048xi32, #tpu.memory_space<vmem>>, vector<16xi32>,
    %sub3A_61 = arith.subi %get3A_11, %get3A_56 : vector<16xi32>
    %max3A_62 = arith.constant 0 : i32
    %max3A_63 = vector.broadcast %max3A_62 : i32 to vector<16xi32>
    %max3A_64 = arith.maxsi %sub3A_61, %max3A_63 : vector<16xi32>
    %swap3A_65 = arith.constant 32 : index
    %swap3A_66 = tpu.vector_load %arg13[%swap3A_65] {strides = array<i32>} : memref<128xi32, #tpu.memory_space<vmem>>, vector<16xi32>,
    tpu.vector_store %arg13[%swap3A_65], %max3A_64 {strides = array<i32>} : memref<128xi32, #tpu.memory_space<vmem>>, vector<16xi32>,
    %sub3A_67 = arith.subi %get3A_15, %get3A_60 : vector<16xi32>
    %add3A_68 = arith.constant 2047 : i32
    %add3A_69 = vector.broadcast %add3A_68 : i32 to vector<16xi32>
    %add3A_70 = arith.addi %sub3A_67, %add3A_69 : vector<16xi32>
    %swap3A_71 = arith.constant 32 : index
    %swap3A_72 = tpu.vector_load %arg17[%swap3A_71] {strides = array<i32>} : memref<128xi32, #tpu.memory_space<vmem>>, vector<16xi32>,
    tpu.vector_store %arg17[%swap3A_71], %add3A_70 {strides = array<i32>} : memref<128xi32, #tpu.memory_space<vmem>>, vector<16xi32>,
    %add3A_73 = arith.constant 48 : i32
    %add3A_74 = arith.addi %and3A_8, %add3A_73 : i32
    %get3A_75 = arith.index_cast %add3A_74 : i32 to index
    %get3A_76 = tpu.vector_load %arg9[%get3A_75] {strides = array<i32>} : memref<2048xi32, #tpu.memory_space<vmem>>, vector<16xi32>,
    %add3A_77 = arith.constant 48 : i32
    %add3A_78 = arith.addi %and3A_8, %add3A_77 : i32
    %get3A_79 = arith.index_cast %add3A_78 : i32 to index
    %get3A_80 = tpu.vector_load %arg10[%get3A_79] {strides = array<i32>} : memref<2048xi32, #tpu.memory_space<vmem>>, vector<16xi32>,
    %sub3A_81 = arith.subi %get3A_11, %get3A_76 : vector<16xi32>
    %max3A_82 = arith.constant 0 : i32
    %max3A_83 = vector.broadcast %max3A_82 : i32 to vector<16xi32>
    %max3A_84 = arith.maxsi %sub3A_81, %max3A_83 : vector<16xi32>
    %swap3A_85 = arith.constant 48 : index
    %swap3A_86 = tpu.vector_load %arg13[%swap3A_85] {strides = array<i32>} : memref<128xi32, #tpu.memory_space<vmem>>, vector<16xi32>,
    tpu.vector_store %arg13[%swap3A_85], %max3A_84 {strides = array<i32>} : memref<128xi32, #tpu.memory_space<vmem>>, vector<16xi32>,
    %sub3A_87 = arith.subi %get3A_15, %get3A_80 : vector<16xi32>
    %add3A_88 = arith.constant 2047 : i32
    %add3A_89 = vector.broadcast %add3A_88 : i32 to vector<16xi32>
    %add3A_90 = arith.addi %sub3A_87, %add3A_89 : vector<16xi32>
    %swap3A_91 = arith.constant 48 : index
    %swap3A_92 = tpu.vector_load %arg17[%swap3A_91] {strides = array<i32>} : memref<128xi32, #tpu.memory_space<vmem>>, vector<16xi32>,
    tpu.vector_store %arg17[%swap3A_91], %add3A_90 {strides = array<i32>} : memref<128xi32, #tpu.memory_space<vmem>>, vector<16xi32>,
    %add3A_93 = arith.constant 64 : i32
    %add3A_94 = arith.addi %and3A_8, %add3A_93 : i32
    %get3A_95 = arith.index_cast %add3A_94 : i32 to index
    %get3A_96 = tpu.vector_load %arg9[%get3A_95] {strides = array<i32>} : memref<2048xi32, #tpu.memory_space<vmem>>, vector<16xi32>,
    %add3A_97 = arith.constant 64 : i32
    %add3A_98 = arith.addi %and3A_8, %add3A_97 : i32
    %get3A_99 = arith.index_cast %add3A_98 : i32 to index
    %get3A_100 = tpu.vector_load %arg10[%get3A_99] {strides = array<i32>} : memref<2048xi32, #tpu.memory_space<vmem>>, vector<16xi32>,
    %sub3A_101 = arith.subi %get3A_11, %get3A_96 : vector<16xi32>
    %max3A_102 = arith.constant 0 : i32
    %max3A_103 = vector.broadcast %max3A_102 : i32 to vector<16xi32>
    %max3A_104 = arith.maxsi %sub3A_101, %max3A_103 : vector<16xi32>
    %swap3A_105 = arith.constant 64 : index
    %swap3A_106 = tpu.vector_load %arg13[%swap3A_105] {strides = array<i32>} : memref<128xi32, #tpu.memory_space<vmem>>, vector<16xi32>,
    tpu.vector_store %arg13[%swap3A_105], %max3A_104 {strides = array<i32>} : memref<128xi32, #tpu.memory_space<vmem>>, vector<16xi32>,
    %sub3A_107 = arith.subi %get3A_15, %get3A_100 : vector<16xi32>
    %add3A_108 = arith.constant 2047 : i32
    %add3A_109 = vector.broadcast %add3A_108 : i32 to vector<16xi32>
    %add3A_110 = arith.addi %sub3A_107, %add3A_109 : vector<16xi32>
    %swap3A_111 = arith.constant 64 : index
    %swap3A_112 = tpu.vector_load %arg17[%swap3A_111] {strides = array<i32>} : memref<128xi32, #tpu.memory_space<vmem>>, vector<16xi32>,
    tpu.vector_store %arg17[%swap3A_111], %add3A_110 {strides = array<i32>} : memref<128xi32, #tpu.memory_space<vmem>>, vector<16xi32>,
    %add3A_113 = arith.constant 80 : i32
    %add3A_114 = arith.addi %and3A_8, %add3A_113 : i32
    %get3A_115 = arith.index_cast %add3A_114 : i32 to index
    %get3A_116 = tpu.vector_load %arg9[%get3A_115] {strides = array<i32>} : memref<2048xi32, #tpu.memory_space<vmem>>, vector<16xi32>,
    %add3A_117 = arith.constant 80 : i32
    %add3A_118 = arith.addi %and3A_8, %add3A_117 : i32
    %get3A_119 = arith.index_cast %add3A_118 : i32 to index
    %get3A_120 = tpu.vector_load %arg10[%get3A_119] {strides = array<i32>} : memref<2048xi32, #tpu.memory_space<vmem>>, vector<16xi32>,
    %sub3A_121 = arith.subi %get3A_11, %get3A_116 : vector<16xi32>
    %max3A_122 = arith.constant 0 : i32
    %max3A_123 = vector.broadcast %max3A_122 : i32 to vector<16xi32>
    %max3A_124 = arith.maxsi %sub3A_121, %max3A_123 : vector<16xi32>
    %swap3A_125 = arith.constant 80 : index
    %swap3A_126 = tpu.vector_load %arg13[%swap3A_125] {strides = array<i32>} : memref<128xi32, #tpu.memory_space<vmem>>, vector<16xi32>,
    tpu.vector_store %arg13[%swap3A_125], %max3A_124 {strides = array<i32>} : memref<128xi32, #tpu.memory_space<vmem>>, vector<16xi32>,
    %sub3A_127 = arith.subi %get3A_15, %get3A_120 : vector<16xi32>
    %add3A_128 = arith.constant 2047 : i32
    %add3A_129 = vector.broadcast %add3A_128 : i32 to vector<16xi32>
    %add3A_130 = arith.addi %sub3A_127, %add3A_129 : vector<16xi32>
    %swap3A_131 = arith.constant 80 : index
    %swap3A_132 = tpu.vector_load %arg17[%swap3A_131] {strides = array<i32>} : memref<128xi32, #tpu.memory_space<vmem>>, vector<16xi32>,
    tpu.vector_store %arg17[%swap3A_131], %add3A_130 {strides = array<i32>} : memref<128xi32, #tpu.memory_space<vmem>>, vector<16xi32>,
    %add3A_133 = arith.constant 96 : i32
    %add3A_134 = arith.addi %and3A_8, %add3A_133 : i32
    %get3A_135 = arith.index_cast %add3A_134 : i32 to index
    %get3A_136 = tpu.vector_load %arg9[%get3A_135] {strides = array<i32>} : memref<2048xi32, #tpu.memory_space<vmem>>, vector<16xi32>,
    %add3A_137 = arith.constant 96 : i32
    %add3A_138 = arith.addi %and3A_8, %add3A_137 : i32
    %get3A_139 = arith.index_cast %add3A_138 : i32 to index
    %get3A_140 = tpu.vector_load %arg10[%get3A_139] {strides = array<i32>} : memref<2048xi32, #tpu.memory_space<vmem>>, vector<16xi32>,
    %sub3A_141 = arith.subi %get3A_11, %get3A_136 : vector<16xi32>
    %max3A_142 = arith.constant 0 : i32
    %max3A_143 = vector.broadcast %max3A_142 : i32 to vector<16xi32>
    %max3A_144 = arith.maxsi %sub3A_141, %max3A_143 : vector<16xi32>
    %swap3A_145 = arith.constant 96 : index
    %swap3A_146 = tpu.vector_load %arg13[%swap3A_145] {strides = array<i32>} : memref<128xi32, #tpu.memory_space<vmem>>, vector<16xi32>,
    tpu.vector_store %arg13[%swap3A_145], %max3A_144 {strides = array<i32>} : memref<128xi32, #tpu.memory_space<vmem>>, vector<16xi32>,
    %sub3A_147 = arith.subi %get3A_15, %get3A_140 : vector<16xi32>
    %add3A_148 = arith.constant 2047 : i32
    %add3A_149 = vector.broadcast %add3A_148 : i32 to vector<16xi32>
    %add3A_150 = arith.addi %sub3A_147, %add3A_149 : vector<16xi32>
    %swap3A_151 = arith.constant 96 : index
    %swap3A_152 = tpu.vector_load %arg17[%swap3A_151] {strides = array<i32>} : memref<128xi32, #tpu.memory_space<vmem>>, vector<16xi32>,
    tpu.vector_store %arg17[%swap3A_151], %add3A_150 {strides = array<i32>} : memref<128xi32, #tpu.memory_space<vmem>>, vector<16xi32>,
    %add3A_153 = arith.constant 112 : i32
    %add3A_154 = arith.addi %and3A_8, %add3A_153 : i32
    %get3A_155 = arith.index_cast %add3A_154 : i32 to index
    %get3A_156 = tpu.vector_load %arg9[%get3A_155] {strides = array<i32>} : memref<2048xi32, #tpu.memory_space<vmem>>, vector<16xi32>,
    %add3A_157 = arith.constant 112 : i32
    %add3A_158 = arith.addi %and3A_8, %add3A_157 : i32
    %get3A_159 = arith.index_cast %add3A_158 : i32 to index
    %get3A_160 = tpu.vector_load %arg10[%get3A_159] {strides = array<i32>} : memref<2048xi32, #tpu.memory_space<vmem>>, vector<16xi32>,
    %sub3A_161 = arith.subi %get3A_11, %get3A_156 : vector<16xi32>
    %max3A_162 = arith.constant 0 : i32
    %max3A_163 = vector.broadcast %max3A_162 : i32 to vector<16xi32>
    %max3A_164 = arith.maxsi %sub3A_161, %max3A_163 : vector<16xi32>
    %swap3A_165 = arith.constant 112 : index
    %swap3A_166 = tpu.vector_load %arg13[%swap3A_165] {strides = array<i32>} : memref<128xi32, #tpu.memory_space<vmem>>, vector<16xi32>,
    tpu.vector_store %arg13[%swap3A_165], %max3A_164 {strides = array<i32>} : memref<128xi32, #tpu.memory_space<vmem>>, vector<16xi32>,
    %sub3A_167 = arith.subi %get3A_15, %get3A_160 : vector<16xi32>
    %add3A_168 = arith.constant 2047 : i32
    %add3A_169 = vector.broadcast %add3A_168 : i32 to vector<16xi32>
    %add3A_170 = arith.addi %sub3A_167, %add3A_169 : vector<16xi32>
    %swap3A_171 = arith.constant 112 : index
    %swap3A_172 = tpu.vector_load %arg17[%swap3A_171] {strides = array<i32>} : memref<128xi32, #tpu.memory_space<vmem>>, vector<16xi32>,
    tpu.vector_store %arg17[%swap3A_171], %add3A_170 {strides = array<i32>} : memref<128xi32, #tpu.memory_space<vmem>>, vector<16xi32>,
    %dma_start3A = arith.constant 0 : i32
    %dma_start3A_173 = arith.constant 0 : i32
    %dma_start3A_174 = tpu.memref_slice %arg29[%dma_start3A, %dma_start3A_173] : memref<2048x64xf32, #tpu.memory_space<vmem_shared>> -> memref<2048x64xf32, #tpu.memory_space<vmem_shared>>
    tpu.enqueue_indirect_dma source(%dma_start3A_174 : memref<2048x64xf32, #tpu.memory_space<vmem_shared>>) target(%arg21 : memref<128x64xf32, #tpu.memory_space<vmem>>) offsets(%arg13 : memref<128xi32, #tpu.memory_space<vmem>>) semaphore(%arg31 : memref<!tpu.dma_semaphore, #tpu.memory_space<semaphore_mem>>)
    %dma_start3A_175 = arith.constant 0 : i32
    %dma_start3A_176 = arith.constant 0 : i32
    %dma_start3A_177 = tpu.memref_slice %arg30[%dma_start3A_175, %dma_start3A_176] : memref<4095x64xf32, #tpu.memory_space<vmem_shared>> -> memref<4095x64xf32, #tpu.memory_space<vmem_shared>>
    tpu.enqueue_indirect_dma source(%dma_start3A_177 : memref<4095x64xf32, #tpu.memory_space<vmem_shared>>) target(%arg25 : memref<128x64xf32, #tpu.memory_space<vmem>>) offsets(%arg17 : memref<128xi32, #tpu.memory_space<vmem>>) semaphore(%arg35 : memref<!tpu.dma_semaphore, #tpu.memory_space<semaphore_mem>>)
    %add3A_178 = arith.constant 128 : i32
    %add3A_179 = arith.addi %mul3A_4, %add3A_178 : i32
    %shift_right_arithmetic3A_180 = arith.constant 11 : i32
    %shift_right_arithmetic3A_181 = arith.shrsi %add3A_179, %shift_right_arithmetic3A_180 : i32
    %and3A_182 = arith.constant 2047 : i32
    %and3A_183 = arith.andi %add3A_179, %and3A_182 : i32
    %mul3A_184 = arith.constant 16 : i32
    %mul3A_185 = arith.muli %shift_right_arithmetic3A_181, %mul3A_184 : i32
    %get3A_186 = arith.index_cast %mul3A_185 : i32 to index
    %get3A_187 = tpu.vector_load %arg11[%get3A_186] {strides = array<i32>} : memref<4096xi32, #tpu.memory_space<vmem>>, vector<16xi32>,
    %mul3A_188 = arith.constant 16 : i32
    %mul3A_189 = arith.muli %shift_right_arithmetic3A_181, %mul3A_188 : i32
    %get3A_190 = arith.index_cast %mul3A_189 : i32 to index
    %get3A_191 = tpu.vector_load %arg12[%get3A_190] {strides = array<i32>} : memref<4096xi32, #tpu.memory_space<vmem>>, vector<16xi32>,
    %add3A_192 = arith.constant 0 : i32
    %add3A_193 = arith.addi %and3A_183, %add3A_192 : i32
    %get3A_194 = arith.index_cast %add3A_193 : i32 to index
    %get3A_195 = tpu.vector_load %arg9[%get3A_194] {strides = array<i32>} : memref<2048xi32, #tpu.memory_space<vmem>>, vector<16xi32>,
    %add3A_196 = arith.constant 0 : i32
    %add3A_197 = arith.addi %and3A_183, %add3A_196 : i32
    %get3A_198 = arith.index_cast %add3A_197 : i32 to index
    %get3A_199 = tpu.vector_load %arg10[%get3A_198] {strides = array<i32>} : memref<2048xi32, #tpu.memory_space<vmem>>, vector<16xi32>,
    %sub3A_200 = arith.subi %get3A_187, %get3A_195 : vector<16xi32>
    %max3A_201 = arith.constant 0 : i32
    %max3A_202 = vector.broadcast %max3A_201 : i32 to vector<16xi32>
    %max3A_203 = arith.maxsi %sub3A_200, %max3A_202 : vector<16xi32>
    %swap3A_204 = arith.constant 0 : index
    %swap3A_205 = tpu.vector_load %arg14[%swap3A_204] {strides = array<i32>} : memref<128xi32, #tpu.memory_space<vmem>>, vector<16xi32>,
    tpu.vector_store %arg14[%swap3A_204], %max3A_203 {strides = array<i32>} : memref<128xi32, #tpu.memory_space<vmem>>, vector<16xi32>,
    %sub3A_206 = arith.subi %get3A_191, %get3A_199 : vector<16xi32>
    %add3A_207 = arith.constant 2047 : i32
    %add3A_208 = vector.broadcast %add3A_207 : i32 to vector<16xi32>
    %add3A_209 = arith.addi %sub3A_206, %add3A_208 : vector<16xi32>
    %swap3A_210 = arith.constant 0 : index
    %swap3A_211 = tpu.vector_load %arg18[%swap3A_210] {strides = array<i32>} : memref<128xi32, #tpu.memory_space<vmem>>, vector<16xi32>,
    tpu.vector_store %arg18[%swap3A_210], %add3A_209 {strides = array<i32>} : memref<128xi32, #tpu.memory_space<vmem>>, vector<16xi32>,
    %add3A_212 = arith.constant 16 : i32
    %add3A_213 = arith.addi %and3A_183, %add3A_212 : i32
    %get3A_214 = arith.index_cast %add3A_213 : i32 to index
    %get3A_215 = tpu.vector_load %arg9[%get3A_214] {strides = array<i32>} : memref<2048xi32, #tpu.memory_space<vmem>>, vector<16xi32>,
    %add3A_216 = arith.constant 16 : i32
    %add3A_217 = arith.addi %and3A_183, %add3A_216 : i32
    %get3A_218 = arith.index_cast %add3A_217 : i32 to index
    %get3A_219 = tpu.vector_load %arg10[%get3A_218] {strides = array<i32>} : memref<2048xi32, #tpu.memory_space<vmem>>, vector<16xi32>,
    %sub3A_220 = arith.subi %get3A_187, %get3A_215 : vector<16xi32>
    %max3A_221 = arith.constant 0 : i32
    %max3A_222 = vector.broadcast %max3A_221 : i32 to vector<16xi32>
    %max3A_223 = arith.maxsi %sub3A_220, %max3A_222 : vector<16xi32>
    %swap3A_224 = arith.constant 16 : index
    %swap3A_225 = tpu.vector_load %arg14[%swap3A_224] {strides = array<i32>} : memref<128xi32, #tpu.memory_space<vmem>>, vector<16xi32>,
    tpu.vector_store %arg14[%swap3A_224], %max3A_223 {strides = array<i32>} : memref<128xi32, #tpu.memory_space<vmem>>, vector<16xi32>,
    %sub3A_226 = arith.subi %get3A_191, %get3A_219 : vector<16xi32>
    %add3A_227 = arith.constant 2047 : i32
    %add3A_228 = vector.broadcast %add3A_227 : i32 to vector<16xi32>
    %add3A_229 = arith.addi %sub3A_226, %add3A_228 : vector<16xi32>
    %swap3A_230 = arith.constant 16 : index
    %swap3A_231 = tpu.vector_load %arg18[%swap3A_230] {strides = array<i32>} : memref<128xi32, #tpu.memory_space<vmem>>, vector<16xi32>,
    tpu.vector_store %arg18[%swap3A_230], %add3A_229 {strides = array<i32>} : memref<128xi32, #tpu.memory_space<vmem>>, vector<16xi32>,
    %add3A_232 = arith.constant 32 : i32
    %add3A_233 = arith.addi %and3A_183, %add3A_232 : i32
    %get3A_234 = arith.index_cast %add3A_233 : i32 to index
    %get3A_235 = tpu.vector_load %arg9[%get3A_234] {strides = array<i32>} : memref<2048xi32, #tpu.memory_space<vmem>>, vector<16xi32>,
    %add3A_236 = arith.constant 32 : i32
    %add3A_237 = arith.addi %and3A_183, %add3A_236 : i32
    %get3A_238 = arith.index_cast %add3A_237 : i32 to index
    %get3A_239 = tpu.vector_load %arg10[%get3A_238] {strides = array<i32>} : memref<2048xi32, #tpu.memory_space<vmem>>, vector<16xi32>,
    %sub3A_240 = arith.subi %get3A_187, %get3A_235 : vector<16xi32>
    %max3A_241 = arith.constant 0 : i32
    %max3A_242 = vector.broadcast %max3A_241 : i32 to vector<16xi32>
    %max3A_243 = arith.maxsi %sub3A_240, %max3A_242 : vector<16xi32>
    %swap3A_244 = arith.constant 32 : index
    %swap3A_245 = tpu.vector_load %arg14[%swap3A_244] {strides = array<i32>} : memref<128xi32, #tpu.memory_space<vmem>>, vector<16xi32>,
    tpu.vector_store %arg14[%swap3A_244], %max3A_243 {strides = array<i32>} : memref<128xi32, #tpu.memory_space<vmem>>, vector<16xi32>,
    %sub3A_246 = arith.subi %get3A_191, %get3A_239 : vector<16xi32>
    %add3A_247 = arith.constant 2047 : i32
    %add3A_248 = vector.broadcast %add3A_247 : i32 to vector<16xi32>
    %add3A_249 = arith.addi %sub3A_246, %add3A_248 : vector<16xi32>
    %swap3A_250 = arith.constant 32 : index
    %swap3A_251 = tpu.vector_load %arg18[%swap3A_250] {strides = array<i32>} : memref<128xi32, #tpu.memory_space<vmem>>, vector<16xi32>,
    tpu.vector_store %arg18[%swap3A_250], %add3A_249 {strides = array<i32>} : memref<128xi32, #tpu.memory_space<vmem>>, vector<16xi32>,
    %add3A_252 = arith.constant 48 : i32
    %add3A_253 = arith.addi %and3A_183, %add3A_252 : i32
    %get3A_254 = arith.index_cast %add3A_253 : i32 to index
    %get3A_255 = tpu.vector_load %arg9[%get3A_254] {strides = array<i32>} : memref<2048xi32, #tpu.memory_space<vmem>>, vector<16xi32>,
    %add3A_256 = arith.constant 48 : i32
    %add3A_257 = arith.addi %and3A_183, %add3A_256 : i32
    %get3A_258 = arith.index_cast %add3A_257 : i32 to index
    %get3A_259 = tpu.vector_load %arg10[%get3A_258] {strides = array<i32>} : memref<2048xi32, #tpu.memory_space<vmem>>, vector<16xi32>,
    %sub3A_260 = arith.subi %get3A_187, %get3A_255 : vector<16xi32>
    %max3A_261 = arith.constant 0 : i32
    %max3A_262 = vector.broadcast %max3A_261 : i32 to vector<16xi32>
    %max3A_263 = arith.maxsi %sub3A_260, %max3A_262 : vector<16xi32>
    %swap3A_264 = arith.constant 48 : index
    %swap3A_265 = tpu.vector_load %arg14[%swap3A_264] {strides = array<i32>} : memref<128xi32, #tpu.memory_space<vmem>>, vector<16xi32>,
    tpu.vector_store %arg14[%swap3A_264], %max3A_263 {strides = array<i32>} : memref<128xi32, #tpu.memory_space<vmem>>, vector<16xi32>,
    %sub3A_266 = arith.subi %get3A_191, %get3A_259 : vector<16xi32>
    %add3A_267 = arith.constant 2047 : i32
    %add3A_268 = vector.broadcast %add3A_267 : i32 to vector<16xi32>
    %add3A_269 = arith.addi %sub3A_266, %add3A_268 : vector<16xi32>
    %swap3A_270 = arith.constant 48 : index
    %swap3A_271 = tpu.vector_load %arg18[%swap3A_270] {strides = array<i32>} : memref<128xi32, #tpu.memory_space<vmem>>, vector<16xi32>,
    tpu.vector_store %arg18[%swap3A_270], %add3A_269 {strides = array<i32>} : memref<128xi32, #tpu.memory_space<vmem>>, vector<16xi32>,
    %add3A_272 = arith.constant 64 : i32
    %add3A_273 = arith.addi %and3A_183, %add3A_272 : i32
    %get3A_274 = arith.index_cast %add3A_273 : i32 to index
    %get3A_275 = tpu.vector_load %arg9[%get3A_274] {strides = array<i32>} : memref<2048xi32, #tpu.memory_space<vmem>>, vector<16xi32>,
    %add3A_276 = arith.constant 64 : i32
    %add3A_277 = arith.addi %and3A_183, %add3A_276 : i32
    %get3A_278 = arith.index_cast %add3A_277 : i32 to index
    %get3A_279 = tpu.vector_load %arg10[%get3A_278] {strides = array<i32>} : memref<2048xi32, #tpu.memory_space<vmem>>, vector<16xi32>,
    %sub3A_280 = arith.subi %get3A_187, %get3A_275 : vector<16xi32>
    %max3A_281 = arith.constant 0 : i32
    %max3A_282 = vector.broadcast %max3A_281 : i32 to vector<16xi32>
    %max3A_283 = arith.maxsi %sub3A_280, %max3A_282 : vector<16xi32>
    %swap3A_284 = arith.constant 64 : index
    %swap3A_285 = tpu.vector_load %arg14[%swap3A_284] {strides = array<i32>} : memref<128xi32, #tpu.memory_space<vmem>>, vector<16xi32>,
    tpu.vector_store %arg14[%swap3A_284], %max3A_283 {strides = array<i32>} : memref<128xi32, #tpu.memory_space<vmem>>, vector<16xi32>,
    %sub3A_286 = arith.subi %get3A_191, %get3A_279 : vector<16xi32>
    %add3A_287 = arith.constant 2047 : i32
    %add3A_288 = vector.broadcast %add3A_287 : i32 to vector<16xi32>
    %add3A_289 = arith.addi %sub3A_286, %add3A_288 : vector<16xi32>
    %swap3A_290 = arith.constant 64 : index
    %swap3A_291 = tpu.vector_load %arg18[%swap3A_290] {strides = array<i32>} : memref<128xi32, #tpu.memory_space<vmem>>, vector<16xi32>,
    tpu.vector_store %arg18[%swap3A_290], %add3A_289 {strides = array<i32>} : memref<128xi32, #tpu.memory_space<vmem>>, vector<16xi32>,
    %add3A_292 = arith.constant 80 : i32
    %add3A_293 = arith.addi %and3A_183, %add3A_292 : i32
    %get3A_294 = arith.index_cast %add3A_293 : i32 to index
    %get3A_295 = tpu.vector_load %arg9[%get3A_294] {strides = array<i32>} : memref<2048xi32, #tpu.memory_space<vmem>>, vector<16xi32>,
    %add3A_296 = arith.constant 80 : i32
    %add3A_297 = arith.addi %and3A_183, %add3A_296 : i32
    %get3A_298 = arith.index_cast %add3A_297 : i32 to index
    %get3A_299 = tpu.vector_load %arg10[%get3A_298] {strides = array<i32>} : memref<2048xi32, #tpu.memory_space<vmem>>, vector<16xi32>,
    %sub3A_300 = arith.subi %get3A_187, %get3A_295 : vector<16xi32>
    %max3A_301 = arith.constant 0 : i32
    %max3A_302 = vector.broadcast %max3A_301 : i32 to vector<16xi32>
    %max3A_303 = arith.maxsi %sub3A_300, %max3A_302 : vector<16xi32>
    %swap3A_304 = arith.constant 80 : index
    %swap3A_305 = tpu.vector_load %arg14[%swap3A_304] {strides = array<i32>} : memref<128xi32, #tpu.memory_space<vmem>>, vector<16xi32>,
    tpu.vector_store %arg14[%swap3A_304], %max3A_303 {strides = array<i32>} : memref<128xi32, #tpu.memory_space<vmem>>, vector<16xi32>,
    %sub3A_306 = arith.subi %get3A_191, %get3A_299 : vector<16xi32>
    %add3A_307 = arith.constant 2047 : i32
    %add3A_308 = vector.broadcast %add3A_307 : i32 to vector<16xi32>
    %add3A_309 = arith.addi %sub3A_306, %add3A_308 : vector<16xi32>
    %swap3A_310 = arith.constant 80 : index
    %swap3A_311 = tpu.vector_load %arg18[%swap3A_310] {strides = array<i32>} : memref<128xi32, #tpu.memory_space<vmem>>, vector<16xi32>,
    tpu.vector_store %arg18[%swap3A_310], %add3A_309 {strides = array<i32>} : memref<128xi32, #tpu.memory_space<vmem>>, vector<16xi32>,
    %add3A_312 = arith.constant 96 : i32
    %add3A_313 = arith.addi %and3A_183, %add3A_312 : i32
    %get3A_314 = arith.index_cast %add3A_313 : i32 to index
    %get3A_315 = tpu.vector_load %arg9[%get3A_314] {strides = array<i32>} : memref<2048xi32, #tpu.memory_space<vmem>>, vector<16xi32>,
    %add3A_316 = arith.constant 96 : i32
    %add3A_317 = arith.addi %and3A_183, %add3A_316 : i32
    %get3A_318 = arith.index_cast %add3A_317 : i32 to index
    %get3A_319 = tpu.vector_load %arg10[%get3A_318] {strides = array<i32>} : memref<2048xi32, #tpu.memory_space<vmem>>, vector<16xi32>,
    %sub3A_320 = arith.subi %get3A_187, %get3A_315 : vector<16xi32>
    %max3A_321 = arith.constant 0 : i32
    %max3A_322 = vector.broadcast %max3A_321 : i32 to vector<16xi32>
    %max3A_323 = arith.maxsi %sub3A_320, %max3A_322 : vector<16xi32>
    %swap3A_324 = arith.constant 96 : index
    %swap3A_325 = tpu.vector_load %arg14[%swap3A_324] {strides = array<i32>} : memref<128xi32, #tpu.memory_space<vmem>>, vector<16xi32>,
    tpu.vector_store %arg14[%swap3A_324], %max3A_323 {strides = array<i32>} : memref<128xi32, #tpu.memory_space<vmem>>, vector<16xi32>,
    %sub3A_326 = arith.subi %get3A_191, %get3A_319 : vector<16xi32>
    %add3A_327 = arith.constant 2047 : i32
    %add3A_328 = vector.broadcast %add3A_327 : i32 to vector<16xi32>
    %add3A_329 = arith.addi %sub3A_326, %add3A_328 : vector<16xi32>
    %swap3A_330 = arith.constant 96 : index
    %swap3A_331 = tpu.vector_load %arg18[%swap3A_330] {strides = array<i32>} : memref<128xi32, #tpu.memory_space<vmem>>, vector<16xi32>,
    tpu.vector_store %arg18[%swap3A_330], %add3A_329 {strides = array<i32>} : memref<128xi32, #tpu.memory_space<vmem>>, vector<16xi32>,
    %add3A_332 = arith.constant 112 : i32
    %add3A_333 = arith.addi %and3A_183, %add3A_332 : i32
    %get3A_334 = arith.index_cast %add3A_333 : i32 to index
    %get3A_335 = tpu.vector_load %arg9[%get3A_334] {strides = array<i32>} : memref<2048xi32, #tpu.memory_space<vmem>>, vector<16xi32>,
    %add3A_336 = arith.constant 112 : i32
    %add3A_337 = arith.addi %and3A_183, %add3A_336 : i32
    %get3A_338 = arith.index_cast %add3A_337 : i32 to index
    %get3A_339 = tpu.vector_load %arg10[%get3A_338] {strides = array<i32>} : memref<2048xi32, #tpu.memory_space<vmem>>, vector<16xi32>,
    %sub3A_340 = arith.subi %get3A_187, %get3A_335 : vector<16xi32>
    %max3A_341 = arith.constant 0 : i32
    %max3A_342 = vector.broadcast %max3A_341 : i32 to vector<16xi32>
    %max3A_343 = arith.maxsi %sub3A_340, %max3A_342 : vector<16xi32>
    %swap3A_344 = arith.constant 112 : index
    %swap3A_345 = tpu.vector_load %arg14[%swap3A_344] {strides = array<i32>} : memref<128xi32, #tpu.memory_space<vmem>>, vector<16xi32>,
    tpu.vector_store %arg14[%swap3A_344], %max3A_343 {strides = array<i32>} : memref<128xi32, #tpu.memory_space<vmem>>, vector<16xi32>,
    %sub3A_346 = arith.subi %get3A_191, %get3A_339 : vector<16xi32>
    %add3A_347 = arith.constant 2047 : i32
    %add3A_348 = vector.broadcast %add3A_347 : i32 to vector<16xi32>
    %add3A_349 = arith.addi %sub3A_346, %add3A_348 : vector<16xi32>
    %swap3A_350 = arith.constant 112 : index
    %swap3A_351 = tpu.vector_load %arg18[%swap3A_350] {strides = array<i32>} : memref<128xi32, #tpu.memory_space<vmem>>, vector<16xi32>,
    tpu.vector_store %arg18[%swap3A_350], %add3A_349 {strides = array<i32>} : memref<128xi32, #tpu.memory_space<vmem>>, vector<16xi32>,
    %dma_start3A_352 = arith.constant 0 : i32
    %dma_start3A_353 = arith.constant 0 : i32
    %dma_start3A_354 = tpu.memref_slice %arg29[%dma_start3A_352, %dma_start3A_353] : memref<2048x64xf32, #tpu.memory_space<vmem_shared>> -> memref<2048x64xf32, #tpu.memory_space<vmem_shared>>
    tpu.enqueue_indirect_dma source(%dma_start3A_354 : memref<2048x64xf32, #tpu.memory_space<vmem_shared>>) target(%arg22 : memref<128x64xf32, #tpu.memory_space<vmem>>) offsets(%arg14 : memref<128xi32, #tpu.memory_space<vmem>>) semaphore(%arg32 : memref<!tpu.dma_semaphore, #tpu.memory_space<semaphore_mem>>)
    %dma_start3A_355 = arith.constant 0 : i32
    %dma_start3A_356 = arith.constant 0 : i32
    %dma_start3A_357 = tpu.memref_slice %arg30[%dma_start3A_355, %dma_start3A_356] : memref<4095x64xf32, #tpu.memory_space<vmem_shared>> -> memref<4095x64xf32, #tpu.memory_space<vmem_shared>>
    tpu.enqueue_indirect_dma source(%dma_start3A_357 : memref<4095x64xf32, #tpu.memory_space<vmem_shared>>) target(%arg26 : memref<128x64xf32, #tpu.memory_space<vmem>>) offsets(%arg18 : memref<128xi32, #tpu.memory_space<vmem>>) semaphore(%arg36 : memref<!tpu.dma_semaphore, #tpu.memory_space<semaphore_mem>>)
    %scan3A = arith.constant 0 : i32
    %scan3A_358 = arith.constant 0 : i32
    %scan3A_359 = arith.constant 32 : i32
    %scan3A_360 = arith.addi %scan3A_358, %scan3A_359 : i32
    %scan3A_361 = arith.constant 1 : i32
    scf.for %scan3A_378 = %scan3A_358 to %scan3A_360 step %scan3A_361  : i32 {
      %mul3A_379 = arith.constant 4 : i32
      %mul3A_380 = arith.muli %scan3A_378, %mul3A_379 : i32
      %add3A_381 = arith.constant 0 : i32
      %add3A_382 = arith.addi %mul3A_380, %add3A_381 : i32
      %add3A_383 = arith.constant 2 : i32
      %add3A_384 = arith.addi %add3A_382, %add3A_383 : i32
      %lt3A = arith.constant 128 : i32
      %lt3A_385 = arith.cmpi slt, %add3A_384, %lt3A : i32
      %convert_element_type3A_386 = arith.extui %lt3A_385 : i1 to i32
      %cond3A_387 = arith.constant 0 : i32
      %cond3A_388 = arith.cmpi ne, %convert_element_type3A_386, %cond3A_387 : i32
      scf.if %cond3A_388 {
        %ge3A = arith.constant 2 : i32
        %ge3A_498 = arith.cmpi sge, %add3A_382, %ge3A : i32
        %convert_element_type3A_499 = arith.extui %ge3A_498 : i1 to i32
        %cond3A_500 = arith.constant 0 : i32
        %cond3A_501 = arith.cmpi ne, %convert_element_type3A_499, %cond3A_500 : i32
        scf.if %cond3A_501 {
          %dma_wait3A_685 = arith.constant 0 : i32
          %dma_wait3A_686 = tpu.memref_slice %arg8[%mul3A_4, %dma_wait3A_685] : memref<524288x64xf32, #tpu.memory_space<hbm>> -> memref<128x64xf32, #tpu.memory_space<hbm>>
          %dma_wait3A_687 = arith.constant 0 : i32
          %dma_wait3A_688 = tpu.memref_slice %arg8[%mul3A_4, %dma_wait3A_687] : memref<524288x64xf32, #tpu.memory_space<hbm>> -> memref<128x64xf32, #tpu.memory_space<hbm>>
          tpu.wait_dma2 semaphore(%arg41 : memref<!tpu.dma_semaphore, #tpu.memory_space<semaphore_mem>>) src(%arg23 : memref<128x64xf32, #tpu.memory_space<vmem>>) dst(%dma_wait3A_688 : memref<128x64xf32, #tpu.memory_space<hbm>>)
        } else {
        }
        %add3A_502 = arith.constant 2 : i32
        %add3A_503 = arith.addi %add3A_382, %add3A_502 : i32
        %mul3A_504 = arith.constant 128 : i32
        %mul3A_505 = arith.muli %add3A_503, %mul3A_504 : i32
        %add3A_506 = arith.addi %mul3A_4, %mul3A_505 : i32
        %shift_right_arithmetic3A_507 = arith.constant 11 : i32
        %shift_right_arithmetic3A_508 = arith.shrsi %add3A_506, %shift_right_arithmetic3A_507 : i32
        %and3A_509 = arith.constant 2047 : i32
        %and3A_510 = arith.andi %add3A_506, %and3A_509 : i32
        %mul3A_511 = arith.constant 16 : i32
        %mul3A_512 = arith.muli %shift_right_arithmetic3A_508, %mul3A_511 : i32
        %get3A_513 = arith.index_cast %mul3A_512 : i32 to index
        %get3A_514 = tpu.vector_load %arg11[%get3A_513] {strides = array<i32>} : memref<4096xi32, #tpu.memory_space<vmem>>, vector<16xi32>,
        %mul3A_515 = arith.constant 16 : i32
        %mul3A_516 = arith.muli %shift_right_arithmetic3A_508, %mul3A_515 : i32
        %get3A_517 = arith.index_cast %mul3A_516 : i32 to index
        %get3A_518 = tpu.vector_load %arg12[%get3A_517] {strides = array<i32>} : memref<4096xi32, #tpu.memory_space<vmem>>, vector<16xi32>,
        %add3A_519 = arith.constant 0 : i32
        %add3A_520 = arith.addi %and3A_510, %add3A_519 : i32
        %get3A_521 = arith.index_cast %add3A_520 : i32 to index
        %get3A_522 = tpu.vector_load %arg9[%get3A_521] {strides = array<i32>} : memref<2048xi32, #tpu.memory_space<vmem>>, vector<16xi32>,
        %add3A_523 = arith.constant 0 : i32
        %add3A_524 = arith.addi %and3A_510, %add3A_523 : i32
        %get3A_525 = arith.index_cast %add3A_524 : i32 to index
        %get3A_526 = tpu.vector_load %arg10[%get3A_525] {strides = array<i32>} : memref<2048xi32, #tpu.memory_space<vmem>>, vector<16xi32>,
        %sub3A_527 = arith.subi %get3A_514, %get3A_522 : vector<16xi32>
        %max3A_528 = arith.constant 0 : i32
        %max3A_529 = vector.broadcast %max3A_528 : i32 to vector<16xi32>
        %max3A_530 = arith.maxsi %sub3A_527, %max3A_529 : vector<16xi32>
        %swap3A_531 = arith.constant 0 : index
        %swap3A_532 = tpu.vector_load %arg15[%swap3A_531] {strides = array<i32>} : memref<128xi32, #tpu.memory_space<vmem>>, vector<16xi32>,
        tpu.vector_store %arg15[%swap3A_531], %max3A_530 {strides = array<i32>} : memref<128xi32, #tpu.memory_space<vmem>>, vector<16xi32>,
        %sub3A_533 = arith.subi %get3A_518, %get3A_526 : vector<16xi32>
        %add3A_534 = arith.constant 2047 : i32
        %add3A_535 = vector.broadcast %add3A_534 : i32 to vector<16xi32>
        %add3A_536 = arith.addi %sub3A_533, %add3A_535 : vector<16xi32>
        %swap3A_537 = arith.constant 0 : index
        %swap3A_538 = tpu.vector_load %arg19[%swap3A_537] {strides = array<i32>} : memref<128xi32, #tpu.memory_space<vmem>>, vector<16xi32>,
        tpu.vector_store %arg19[%swap3A_537], %add3A_536 {strides = array<i32>} : memref<128xi32, #tpu.memory_space<vmem>>, vector<16xi32>,
        %add3A_539 = arith.constant 16 : i32
        %add3A_540 = arith.addi %and3A_510, %add3A_539 : i32
        %get3A_541 = arith.index_cast %add3A_540 : i32 to index
        %get3A_542 = tpu.vector_load %arg9[%get3A_541] {strides = array<i32>} : memref<2048xi32, #tpu.memory_space<vmem>>, vector<16xi32>,
        %add3A_543 = arith.constant 16 : i32
        %add3A_544 = arith.addi %and3A_510, %add3A_543 : i32
        %get3A_545 = arith.index_cast %add3A_544 : i32 to index
        %get3A_546 = tpu.vector_load %arg10[%get3A_545] {strides = array<i32>} : memref<2048xi32, #tpu.memory_space<vmem>>, vector<16xi32>,
        %sub3A_547 = arith.subi %get3A_514, %get3A_542 : vector<16xi32>
        %max3A_548 = arith.constant 0 : i32
        %max3A_549 = vector.broadcast %max3A_548 : i32 to vector<16xi32>
        %max3A_550 = arith.maxsi %sub3A_547, %max3A_549 : vector<16xi32>
        %swap3A_551 = arith.constant 16 : index
        %swap3A_552 = tpu.vector_load %arg15[%swap3A_551] {strides = array<i32>} : memref<128xi32, #tpu.memory_space<vmem>>, vector<16xi32>,
        tpu.vector_store %arg15[%swap3A_551], %max3A_550 {strides = array<i32>} : memref<128xi32, #tpu.memory_space<vmem>>, vector<16xi32>,
        %sub3A_553 = arith.subi %get3A_518, %get3A_546 : vector<16xi32>
        %add3A_554 = arith.constant 2047 : i32
        %add3A_555 = vector.broadcast %add3A_554 : i32 to vector<16xi32>
        %add3A_556 = arith.addi %sub3A_553, %add3A_555 : vector<16xi32>
        %swap3A_557 = arith.constant 16 : index
        %swap3A_558 = tpu.vector_load %arg19[%swap3A_557] {strides = array<i32>} : memref<128xi32, #tpu.memory_space<vmem>>, vector<16xi32>,
        tpu.vector_store %arg19[%swap3A_557], %add3A_556 {strides = array<i32>} : memref<128xi32, #tpu.memory_space<vmem>>, vector<16xi32>,
        %add3A_559 = arith.constant 32 : i32
        %add3A_560 = arith.addi %and3A_510, %add3A_559 : i32
        %get3A_561 = arith.index_cast %add3A_560 : i32 to index
        %get3A_562 = tpu.vector_load %arg9[%get3A_561] {strides = array<i32>} : memref<2048xi32, #tpu.memory_space<vmem>>, vector<16xi32>,
        %add3A_563 = arith.constant 32 : i32
        %add3A_564 = arith.addi %and3A_510, %add3A_563 : i32
        %get3A_565 = arith.index_cast %add3A_564 : i32 to index
        %get3A_566 = tpu.vector_load %arg10[%get3A_565] {strides = array<i32>} : memref<2048xi32, #tpu.memory_space<vmem>>, vector<16xi32>,
        %sub3A_567 = arith.subi %get3A_514, %get3A_562 : vector<16xi32>
        %max3A_568 = arith.constant 0 : i32
        %max3A_569 = vector.broadcast %max3A_568 : i32 to vector<16xi32>
        %max3A_570 = arith.maxsi %sub3A_567, %max3A_569 : vector<16xi32>
        %swap3A_571 = arith.constant 32 : index
        %swap3A_572 = tpu.vector_load %arg15[%swap3A_571] {strides = array<i32>} : memref<128xi32, #tpu.memory_space<vmem>>, vector<16xi32>,
        tpu.vector_store %arg15[%swap3A_571], %max3A_570 {strides = array<i32>} : memref<128xi32, #tpu.memory_space<vmem>>, vector<16xi32>,
        %sub3A_573 = arith.subi %get3A_518, %get3A_566 : vector<16xi32>
        %add3A_574 = arith.constant 2047 : i32
        %add3A_575 = vector.broadcast %add3A_574 : i32 to vector<16xi32>
        %add3A_576 = arith.addi %sub3A_573, %add3A_575 : vector<16xi32>
        %swap3A_577 = arith.constant 32 : index
        %swap3A_578 = tpu.vector_load %arg19[%swap3A_577] {strides = array<i32>} : memref<128xi32, #tpu.memory_space<vmem>>, vector<16xi32>,
        tpu.vector_store %arg19[%swap3A_577], %add3A_576 {strides = array<i32>} : memref<128xi32, #tpu.memory_space<vmem>>, vector<16xi32>,
        %add3A_579 = arith.constant 48 : i32
        %add3A_580 = arith.addi %and3A_510, %add3A_579 : i32
        %get3A_581 = arith.index_cast %add3A_580 : i32 to index
        %get3A_582 = tpu.vector_load %arg9[%get3A_581] {strides = array<i32>} : memref<2048xi32, #tpu.memory_space<vmem>>, vector<16xi32>,
        %add3A_583 = arith.constant 48 : i32
        %add3A_584 = arith.addi %and3A_510, %add3A_583 : i32
        %get3A_585 = arith.index_cast %add3A_584 : i32 to index
        %get3A_586 = tpu.vector_load %arg10[%get3A_585] {strides = array<i32>} : memref<2048xi32, #tpu.memory_space<vmem>>, vector<16xi32>,
        %sub3A_587 = arith.subi %get3A_514, %get3A_582 : vector<16xi32>
        %max3A_588 = arith.constant 0 : i32
        %max3A_589 = vector.broadcast %max3A_588 : i32 to vector<16xi32>
        %max3A_590 = arith.maxsi %sub3A_587, %max3A_589 : vector<16xi32>
        %swap3A_591 = arith.constant 48 : index
        %swap3A_592 = tpu.vector_load %arg15[%swap3A_591] {strides = array<i32>} : memref<128xi32, #tpu.memory_space<vmem>>, vector<16xi32>,
        tpu.vector_store %arg15[%swap3A_591], %max3A_590 {strides = array<i32>} : memref<128xi32, #tpu.memory_space<vmem>>, vector<16xi32>,
        %sub3A_593 = arith.subi %get3A_518, %get3A_586 : vector<16xi32>
        %add3A_594 = arith.constant 2047 : i32
        %add3A_595 = vector.broadcast %add3A_594 : i32 to vector<16xi32>
        %add3A_596 = arith.addi %sub3A_593, %add3A_595 : vector<16xi32>
        %swap3A_597 = arith.constant 48 : index
        %swap3A_598 = tpu.vector_load %arg19[%swap3A_597] {strides = array<i32>} : memref<128xi32, #tpu.memory_space<vmem>>, vector<16xi32>,
        tpu.vector_store %arg19[%swap3A_597], %add3A_596 {strides = array<i32>} : memref<128xi32, #tpu.memory_space<vmem>>, vector<16xi32>,
        %add3A_599 = arith.constant 64 : i32
        %add3A_600 = arith.addi %and3A_510, %add3A_599 : i32
        %get3A_601 = arith.index_cast %add3A_600 : i32 to index
        %get3A_602 = tpu.vector_load %arg9[%get3A_601] {strides = array<i32>} : memref<2048xi32, #tpu.memory_space<vmem>>, vector<16xi32>,
        %add3A_603 = arith.constant 64 : i32
        %add3A_604 = arith.addi %and3A_510, %add3A_603 : i32
        %get3A_605 = arith.index_cast %add3A_604 : i32 to index
        %get3A_606 = tpu.vector_load %arg10[%get3A_605] {strides = array<i32>} : memref<2048xi32, #tpu.memory_space<vmem>>, vector<16xi32>,
        %sub3A_607 = arith.subi %get3A_514, %get3A_602 : vector<16xi32>
        %max3A_608 = arith.constant 0 : i32
        %max3A_609 = vector.broadcast %max3A_608 : i32 to vector<16xi32>
        %max3A_610 = arith.maxsi %sub3A_607, %max3A_609 : vector<16xi32>
        %swap3A_611 = arith.constant 64 : index
        %swap3A_612 = tpu.vector_load %arg15[%swap3A_611] {strides = array<i32>} : memref<128xi32, #tpu.memory_space<vmem>>, vector<16xi32>,
        tpu.vector_store %arg15[%swap3A_611], %max3A_610 {strides = array<i32>} : memref<128xi32, #tpu.memory_space<vmem>>, vector<16xi32>,
        %sub3A_613 = arith.subi %get3A_518, %get3A_606 : vector<16xi32>
        %add3A_614 = arith.constant 2047 : i32
        %add3A_615 = vector.broadcast %add3A_614 : i32 to vector<16xi32>
        %add3A_616 = arith.addi %sub3A_613, %add3A_615 : vector<16xi32>
        %swap3A_617 = arith.constant 64 : index
        %swap3A_618 = tpu.vector_load %arg19[%swap3A_617] {strides = array<i32>} : memref<128xi32, #tpu.memory_space<vmem>>, vector<16xi32>,
        tpu.vector_store %arg19[%swap3A_617], %add3A_616 {strides = array<i32>} : memref<128xi32, #tpu.memory_space<vmem>>, vector<16xi32>,
        %add3A_619 = arith.constant 80 : i32
        %add3A_620 = arith.addi %and3A_510, %add3A_619 : i32
        %get3A_621 = arith.index_cast %add3A_620 : i32 to index
        %get3A_622 = tpu.vector_load %arg9[%get3A_621] {strides = array<i32>} : memref<2048xi32, #tpu.memory_space<vmem>>, vector<16xi32>,
        %add3A_623 = arith.constant 80 : i32
        %add3A_624 = arith.addi %and3A_510, %add3A_623 : i32
        %get3A_625 = arith.index_cast %add3A_624 : i32 to index
        %get3A_626 = tpu.vector_load %arg10[%get3A_625] {strides = array<i32>} : memref<2048xi32, #tpu.memory_space<vmem>>, vector<16xi32>,
        %sub3A_627 = arith.subi %get3A_514, %get3A_622 : vector<16xi32>
        %max3A_628 = arith.constant 0 : i32
        %max3A_629 = vector.broadcast %max3A_628 : i32 to vector<16xi32>
        %max3A_630 = arith.maxsi %sub3A_627, %max3A_629 : vector<16xi32>
        %swap3A_631 = arith.constant 80 : index
        %swap3A_632 = tpu.vector_load %arg15[%swap3A_631] {strides = array<i32>} : memref<128xi32, #tpu.memory_space<vmem>>, vector<16xi32>,
        tpu.vector_store %arg15[%swap3A_631], %max3A_630 {strides = array<i32>} : memref<128xi32, #tpu.memory_space<vmem>>, vector<16xi32>,
        %sub3A_633 = arith.subi %get3A_518, %get3A_626 : vector<16xi32>
        %add3A_634 = arith.constant 2047 : i32
        %add3A_635 = vector.broadcast %add3A_634 : i32 to vector<16xi32>
        %add3A_636 = arith.addi %sub3A_633, %add3A_635 : vector<16xi32>
        %swap3A_637 = arith.constant 80 : index
        %swap3A_638 = tpu.vector_load %arg19[%swap3A_637] {strides = array<i32>} : memref<128xi32, #tpu.memory_space<vmem>>, vector<16xi32>,
        tpu.vector_store %arg19[%swap3A_637], %add3A_636 {strides = array<i32>} : memref<128xi32, #tpu.memory_space<vmem>>, vector<16xi32>,
        %add3A_639 = arith.constant 96 : i32
        %add3A_640 = arith.addi %and3A_510, %add3A_639 : i32
        %get3A_641 = arith.index_cast %add3A_640 : i32 to index
        %get3A_642 = tpu.vector_load %arg9[%get3A_641] {strides = array<i32>} : memref<2048xi32, #tpu.memory_space<vmem>>, vector<16xi32>,
        %add3A_643 = arith.constant 96 : i32
        %add3A_644 = arith.addi %and3A_510, %add3A_643 : i32
        %get3A_645 = arith.index_cast %add3A_644 : i32 to index
        %get3A_646 = tpu.vector_load %arg10[%get3A_645] {strides = array<i32>} : memref<2048xi32, #tpu.memory_space<vmem>>, vector<16xi32>,
        %sub3A_647 = arith.subi %get3A_514, %get3A_642 : vector<16xi32>
        %max3A_648 = arith.constant 0 : i32
        %max3A_649 = vector.broadcast %max3A_648 : i32 to vector<16xi32>
        %max3A_650 = arith.maxsi %sub3A_647, %max3A_649 : vector<16xi32>
        %swap3A_651 = arith.constant 96 : index
        %swap3A_652 = tpu.vector_load %arg15[%swap3A_651] {strides = array<i32>} : memref<128xi32, #tpu.memory_space<vmem>>, vector<16xi32>,
        tpu.vector_store %arg15[%swap3A_651], %max3A_650 {strides = array<i32>} : memref<128xi32, #tpu.memory_space<vmem>>, vector<16xi32>,
        %sub3A_653 = arith.subi %get3A_518, %get3A_646 : vector<16xi32>
        %add3A_654 = arith.constant 2047 : i32
        %add3A_655 = vector.broadcast %add3A_654 : i32 to vector<16xi32>
        %add3A_656 = arith.addi %sub3A_653, %add3A_655 : vector<16xi32>
        %swap3A_657 = arith.constant 96 : index
        %swap3A_658 = tpu.vector_load %arg19[%swap3A_657] {strides = array<i32>} : memref<128xi32, #tpu.memory_space<vmem>>, vector<16xi32>,
        tpu.vector_store %arg19[%swap3A_657], %add3A_656 {strides = array<i32>} : memref<128xi32, #tpu.memory_space<vmem>>, vector<16xi32>,
        %add3A_659 = arith.constant 112 : i32
        %add3A_660 = arith.addi %and3A_510, %add3A_659 : i32
        %get3A_661 = arith.index_cast %add3A_660 : i32 to index
        %get3A_662 = tpu.vector_load %arg9[%get3A_661] {strides = array<i32>} : memref<2048xi32, #tpu.memory_space<vmem>>, vector<16xi32>,
        %add3A_663 = arith.constant 112 : i32
        %add3A_664 = arith.addi %and3A_510, %add3A_663 : i32
        %get3A_665 = arith.index_cast %add3A_664 : i32 to index
        %get3A_666 = tpu.vector_load %arg10[%get3A_665] {strides = array<i32>} : memref<2048xi32, #tpu.memory_space<vmem>>, vector<16xi32>,
        %sub3A_667 = arith.subi %get3A_514, %get3A_662 : vector<16xi32>
        %max3A_668 = arith.constant 0 : i32
        %max3A_669 = vector.broadcast %max3A_668 : i32 to vector<16xi32>
        %max3A_670 = arith.maxsi %sub3A_667, %max3A_669 : vector<16xi32>
        %swap3A_671 = arith.constant 112 : index
        %swap3A_672 = tpu.vector_load %arg15[%swap3A_671] {strides = array<i32>} : memref<128xi32, #tpu.memory_space<vmem>>, vector<16xi32>,
        tpu.vector_store %arg15[%swap3A_671], %max3A_670 {strides = array<i32>} : memref<128xi32, #tpu.memory_space<vmem>>, vector<16xi32>,
        %sub3A_673 = arith.subi %get3A_518, %get3A_666 : vector<16xi32>
        %add3A_674 = arith.constant 2047 : i32
        %add3A_675 = vector.broadcast %add3A_674 : i32 to vector<16xi32>
        %add3A_676 = arith.addi %sub3A_673, %add3A_675 : vector<16xi32>
        %swap3A_677 = arith.constant 112 : index
        %swap3A_678 = tpu.vector_load %arg19[%swap3A_677] {strides = array<i32>} : memref<128xi32, #tpu.memory_space<vmem>>, vector<16xi32>,
        tpu.vector_store %arg19[%swap3A_677], %add3A_676 {strides = array<i32>} : memref<128xi32, #tpu.memory_space<vmem>>, vector<16xi32>,
        %dma_start3A_679 = arith.constant 0 : i32
        %dma_start3A_680 = arith.constant 0 : i32
        %dma_start3A_681 = tpu.memref_slice %arg29[%dma_start3A_679, %dma_start3A_680] : memref<2048x64xf32, #tpu.memory_space<vmem_shared>> -> memref<2048x64xf32, #tpu.memory_space<vmem_shared>>
        tpu.enqueue_indirect_dma source(%dma_start3A_681 : memref<2048x64xf32, #tpu.memory_space<vmem_shared>>) target(%arg23 : memref<128x64xf32, #tpu.memory_space<vmem>>) offsets(%arg15 : memref<128xi32, #tpu.memory_space<vmem>>) semaphore(%arg33 : memref<!tpu.dma_semaphore, #tpu.memory_space<semaphore_mem>>)
        %dma_start3A_682 = arith.constant 0 : i32
        %dma_start3A_683 = arith.constant 0 : i32
        %dma_start3A_684 = tpu.memref_slice %arg30[%dma_start3A_682, %dma_start3A_683] : memref<4095x64xf32, #tpu.memory_space<vmem_shared>> -> memref<4095x64xf32, #tpu.memory_space<vmem_shared>>
        tpu.enqueue_indirect_dma source(%dma_start3A_684 : memref<4095x64xf32, #tpu.memory_space<vmem_shared>>) target(%arg27 : memref<128x64xf32, #tpu.memory_space<vmem>>) offsets(%arg19 : memref<128xi32, #tpu.memory_space<vmem>>) semaphore(%arg37 : memref<!tpu.dma_semaphore, #tpu.memory_space<semaphore_mem>>)
      } else {
      }
      %dma_wait3A_389 = arith.constant 0 : i32
      %dma_wait3A_390 = arith.constant 0 : i32
      %dma_wait3A_391 = tpu.memref_slice %arg29[%dma_wait3A_389, %dma_wait3A_390] : memref<2048x64xf32, #tpu.memory_space<vmem_shared>> -> memref<2048x64xf32, #tpu.memory_space<vmem_shared>>
      tpu.wait_indirect_dma semaphore(%arg31 : memref<!tpu.dma_semaphore, #tpu.memory_space<semaphore_mem>>) src(%dma_wait3A_391 : memref<2048x64xf32, #tpu.memory_space<vmem_shared>>) dst(%arg21 : memref<128x64xf32, #tpu.memory_space<vmem>>)
      %dma_wait3A_392 = arith.constant 0 : i32
      %dma_wait3A_393 = arith.constant 0 : i32
      %dma_wait3A_394 = tpu.memref_slice %arg30[%dma_wait3A_392, %dma_wait3A_393] : memref<4095x64xf32, #tpu.memory_space<vmem_shared>> -> memref<4095x64xf32, #tpu.memory_space<vmem_shared>>
      tpu.wait_indirect_dma semaphore(%arg35 : memref<!tpu.dma_semaphore, #tpu.memory_space<semaphore_mem>>) src(%dma_wait3A_394 : memref<4095x64xf32, #tpu.memory_space<vmem_shared>>) dst(%arg25 : memref<128x64xf32, #tpu.memory_space<vmem>>)
      %scan3A_395 = arith.constant 0 : i32
      %scan3A_396 = arith.constant 0 : i32
      %scan3A_397 = arith.constant 128 : i32
      %scan3A_398 = arith.addi %scan3A_396, %scan3A_397 : i32
      %scan3A_399 = arith.constant 8 : i32
      scf.for %scan3A_498 = %scan3A_396 to %scan3A_398 step %scan3A_399  : i32 {
        %get3A_499 = arith.index_cast %scan3A_498 : i32 to index
        %get3A_500 = arith.constant 0 : index
        %get3A_501 = tpu.vector_load %arg25[%get3A_499, %get3A_500] {strides = array<i32>} : memref<128x64xf32, #tpu.memory_space<vmem>>, vector<16xf32>,
        %swap3A_502 = arith.index_cast %scan3A_498 : i32 to index
        %swap3A_503 = arith.constant 0 : index
        %swap3A_504 = tpu.vector_load %arg21[%swap3A_502, %swap3A_503] {strides = array<i32>} : memref<128x64xf32, #tpu.memory_space<vmem>>, vector<16xf32>,
        tpu.vector_store %arg21[%swap3A_502, %swap3A_503], %get3A_501 {add = true, strides = array<i32>} : memref<128x64xf32, #tpu.memory_space<vmem>>, vector<16xf32>,
        %get3A_505 = arith.index_cast %scan3A_498 : i32 to index
        %get3A_506 = arith.constant 16 : index
        %get3A_507 = tpu.vector_load %arg25[%get3A_505, %get3A_506] {strides = array<i32>} : memref<128x64xf32, #tpu.memory_space<vmem>>, vector<16xf32>,
        %swap3A_508 = arith.index_cast %scan3A_498 : i32 to index
        %swap3A_509 = arith.constant 16 : index
        %swap3A_510 = tpu.vector_load %arg21[%swap3A_508, %swap3A_509] {strides = array<i32>} : memref<128x64xf32, #tpu.memory_space<vmem>>, vector<16xf32>,
        tpu.vector_store %arg21[%swap3A_508, %swap3A_509], %get3A_507 {add = true, strides = array<i32>} : memref<128x64xf32, #tpu.memory_space<vmem>>, vector<16xf32>,
        %get3A_511 = arith.index_cast %scan3A_498 : i32 to index
        %get3A_512 = arith.constant 32 : index
        %get3A_513 = tpu.vector_load %arg25[%get3A_511, %get3A_512] {strides = array<i32>} : memref<128x64xf32, #tpu.memory_space<vmem>>, vector<16xf32>,
        %swap3A_514 = arith.index_cast %scan3A_498 : i32 to index
        %swap3A_515 = arith.constant 32 : index
        %swap3A_516 = tpu.vector_load %arg21[%swap3A_514, %swap3A_515] {strides = array<i32>} : memref<128x64xf32, #tpu.memory_space<vmem>>, vector<16xf32>,
        tpu.vector_store %arg21[%swap3A_514, %swap3A_515], %get3A_513 {add = true, strides = array<i32>} : memref<128x64xf32, #tpu.memory_space<vmem>>, vector<16xf32>,
        %get3A_517 = arith.index_cast %scan3A_498 : i32 to index
        %get3A_518 = arith.constant 48 : index
        %get3A_519 = tpu.vector_load %arg25[%get3A_517, %get3A_518] {strides = array<i32>} : memref<128x64xf32, #tpu.memory_space<vmem>>, vector<16xf32>,
        %swap3A_520 = arith.index_cast %scan3A_498 : i32 to index
        %swap3A_521 = arith.constant 48 : index
        %swap3A_522 = tpu.vector_load %arg21[%swap3A_520, %swap3A_521] {strides = array<i32>} : memref<128x64xf32, #tpu.memory_space<vmem>>, vector<16xf32>,
        tpu.vector_store %arg21[%swap3A_520, %swap3A_521], %get3A_519 {add = true, strides = array<i32>} : memref<128x64xf32, #tpu.memory_space<vmem>>, vector<16xf32>,
        %scan3A_523 = arith.constant 1 : i32
        %scan3A_524 = arith.addi %scan3A_498, %scan3A_523 : i32
        %get3A_525 = arith.index_cast %scan3A_524 : i32 to index
        %get3A_526 = arith.constant 0 : index
        %get3A_527 = tpu.vector_load %arg25[%get3A_525, %get3A_526] {strides = array<i32>} : memref<128x64xf32, #tpu.memory_space<vmem>>, vector<16xf32>,
        %swap3A_528 = arith.index_cast %scan3A_524 : i32 to index
        %swap3A_529 = arith.constant 0 : index
        %swap3A_530 = tpu.vector_load %arg21[%swap3A_528, %swap3A_529] {strides = array<i32>} : memref<128x64xf32, #tpu.memory_space<vmem>>, vector<16xf32>,
        tpu.vector_store %arg21[%swap3A_528, %swap3A_529], %get3A_527 {add = true, strides = array<i32>} : memref<128x64xf32, #tpu.memory_space<vmem>>, vector<16xf32>,
        %get3A_531 = arith.index_cast %scan3A_524 : i32 to index
        %get3A_532 = arith.constant 16 : index
        %get3A_533 = tpu.vector_load %arg25[%get3A_531, %get3A_532] {strides = array<i32>} : memref<128x64xf32, #tpu.memory_space<vmem>>, vector<16xf32>,
        %swap3A_534 = arith.index_cast %scan3A_524 : i32 to index
        %swap3A_535 = arith.constant 16 : index
        %swap3A_536 = tpu.vector_load %arg21[%swap3A_534, %swap3A_535] {strides = array<i32>} : memref<128x64xf32, #tpu.memory_space<vmem>>, vector<16xf32>,
        tpu.vector_store %arg21[%swap3A_534, %swap3A_535], %get3A_533 {add = true, strides = array<i32>} : memref<128x64xf32, #tpu.memory_space<vmem>>, vector<16xf32>,
        %get3A_537 = arith.index_cast %scan3A_524 : i32 to index
        %get3A_538 = arith.constant 32 : index
        %get3A_539 = tpu.vector_load %arg25[%get3A_537, %get3A_538] {strides = array<i32>} : memref<128x64xf32, #tpu.memory_space<vmem>>, vector<16xf32>,
        %swap3A_540 = arith.index_cast %scan3A_524 : i32 to index
        %swap3A_541 = arith.constant 32 : index
        %swap3A_542 = tpu.vector_load %arg21[%swap3A_540, %swap3A_541] {strides = array<i32>} : memref<128x64xf32, #tpu.memory_space<vmem>>, vector<16xf32>,
        tpu.vector_store %arg21[%swap3A_540, %swap3A_541], %get3A_539 {add = true, strides = array<i32>} : memref<128x64xf32, #tpu.memory_space<vmem>>, vector<16xf32>,
        %get3A_543 = arith.index_cast %scan3A_524 : i32 to index
        %get3A_544 = arith.constant 48 : index
        %get3A_545 = tpu.vector_load %arg25[%get3A_543, %get3A_544] {strides = array<i32>} : memref<128x64xf32, #tpu.memory_space<vmem>>, vector<16xf32>,
        %swap3A_546 = arith.index_cast %scan3A_524 : i32 to index
        %swap3A_547 = arith.constant 48 : index
        %swap3A_548 = tpu.vector_load %arg21[%swap3A_546, %swap3A_547] {strides = array<i32>} : memref<128x64xf32, #tpu.memory_space<vmem>>, vector<16xf32>,
        tpu.vector_store %arg21[%swap3A_546, %swap3A_547], %get3A_545 {add = true, strides = array<i32>} : memref<128x64xf32, #tpu.memory_space<vmem>>, vector<16xf32>,
        %scan3A_549 = arith.constant 2 : i32
        %scan3A_550 = arith.addi %scan3A_498, %scan3A_549 : i32
        %get3A_551 = arith.index_cast %scan3A_550 : i32 to index
        %get3A_552 = arith.constant 0 : index
        %get3A_553 = tpu.vector_load %arg25[%get3A_551, %get3A_552] {strides = array<i32>} : memref<128x64xf32, #tpu.memory_space<vmem>>, vector<16xf32>,
        %swap3A_554 = arith.index_cast %scan3A_550 : i32 to index
        %swap3A_555 = arith.constant 0 : index
        %swap3A_556 = tpu.vector_load %arg21[%swap3A_554, %swap3A_555] {strides = array<i32>} : memref<128x64xf32, #tpu.memory_space<vmem>>, vector<16xf32>,
        tpu.vector_store %arg21[%swap3A_554, %swap3A_555], %get3A_553 {add = true, strides = array<i32>} : memref<128x64xf32, #tpu.memory_space<vmem>>, vector<16xf32>,
        %get3A_557 = arith.index_cast %scan3A_550 : i32 to index
        %get3A_558 = arith.constant 16 : index
        %get3A_559 = tpu.vector_load %arg25[%get3A_557, %get3A_558] {strides = array<i32>} : memref<128x64xf32, #tpu.memory_space<vmem>>, vector<16xf32>,
        %swap3A_560 = arith.index_cast %scan3A_550 : i32 to index
        %swap3A_561 = arith.constant 16 : index
        %swap3A_562 = tpu.vector_load %arg21[%swap3A_560, %swap3A_561] {strides = array<i32>} : memref<128x64xf32, #tpu.memory_space<vmem>>, vector<16xf32>,
        tpu.vector_store %arg21[%swap3A_560, %swap3A_561], %get3A_559 {add = true, strides = array<i32>} : memref<128x64xf32, #tpu.memory_space<vmem>>, vector<16xf32>,
        %get3A_563 = arith.index_cast %scan3A_550 : i32 to index
        %get3A_564 = arith.constant 32 : index
        %get3A_565 = tpu.vector_load %arg25[%get3A_563, %get3A_564] {strides = array<i32>} : memref<128x64xf32, #tpu.memory_space<vmem>>, vector<16xf32>,
        %swap3A_566 = arith.index_cast %scan3A_550 : i32 to index
        %swap3A_567 = arith.constant 32 : index
        %swap3A_568 = tpu.vector_load %arg21[%swap3A_566, %swap3A_567] {strides = array<i32>} : memref<128x64xf32, #tpu.memory_space<vmem>>, vector<16xf32>,
        tpu.vector_store %arg21[%swap3A_566, %swap3A_567], %get3A_565 {add = true, strides = array<i32>} : memref<128x64xf32, #tpu.memory_space<vmem>>, vector<16xf32>,
        %get3A_569 = arith.index_cast %scan3A_550 : i32 to index
        %get3A_570 = arith.constant 48 : index
        %get3A_571 = tpu.vector_load %arg25[%get3A_569, %get3A_570] {strides = array<i32>} : memref<128x64xf32, #tpu.memory_space<vmem>>, vector<16xf32>,
        %swap3A_572 = arith.index_cast %scan3A_550 : i32 to index
        %swap3A_573 = arith.constant 48 : index
        %swap3A_574 = tpu.vector_load %arg21[%swap3A_572, %swap3A_573] {strides = array<i32>} : memref<128x64xf32, #tpu.memory_space<vmem>>, vector<16xf32>,
        tpu.vector_store %arg21[%swap3A_572, %swap3A_573], %get3A_571 {add = true, strides = array<i32>} : memref<128x64xf32, #tpu.memory_space<vmem>>, vector<16xf32>,
        %scan3A_575 = arith.constant 3 : i32
        %scan3A_576 = arith.addi %scan3A_498, %scan3A_575 : i32
        %get3A_577 = arith.index_cast %scan3A_576 : i32 to index
        %get3A_578 = arith.constant 0 : index
        %get3A_579 = tpu.vector_load %arg25[%get3A_577, %get3A_578] {strides = array<i32>} : memref<128x64xf32, #tpu.memory_space<vmem>>, vector<16xf32>,
        %swap3A_580 = arith.index_cast %scan3A_576 : i32 to index
        %swap3A_581 = arith.constant 0 : index
        %swap3A_582 = tpu.vector_load %arg21[%swap3A_580, %swap3A_581] {strides = array<i32>} : memref<128x64xf32, #tpu.memory_space<vmem>>, vector<16xf32>,
        tpu.vector_store %arg21[%swap3A_580, %swap3A_581], %get3A_579 {add = true, strides = array<i32>} : memref<128x64xf32, #tpu.memory_space<vmem>>, vector<16xf32>,
        %get3A_583 = arith.index_cast %scan3A_576 : i32 to index
        %get3A_584 = arith.constant 16 : index
        %get3A_585 = tpu.vector_load %arg25[%get3A_583, %get3A_584] {strides = array<i32>} : memref<128x64xf32, #tpu.memory_space<vmem>>, vector<16xf32>,
        %swap3A_586 = arith.index_cast %scan3A_576 : i32 to index
        %swap3A_587 = arith.constant 16 : index
        %swap3A_588 = tpu.vector_load %arg21[%swap3A_586, %swap3A_587] {strides = array<i32>} : memref<128x64xf32, #tpu.memory_space<vmem>>, vector<16xf32>,
        tpu.vector_store %arg21[%swap3A_586, %swap3A_587], %get3A_585 {add = true, strides = array<i32>} : memref<128x64xf32, #tpu.memory_space<vmem>>, vector<16xf32>,
        %get3A_589 = arith.index_cast %scan3A_576 : i32 to index
        %get3A_590 = arith.constant 32 : index
        %get3A_591 = tpu.vector_load %arg25[%get3A_589, %get3A_590] {strides = array<i32>} : memref<128x64xf32, #tpu.memory_space<vmem>>, vector<16xf32>,
        %swap3A_592 = arith.index_cast %scan3A_576 : i32 to index
        %swap3A_593 = arith.constant 32 : index
        %swap3A_594 = tpu.vector_load %arg21[%swap3A_592, %swap3A_593] {strides = array<i32>} : memref<128x64xf32, #tpu.memory_space<vmem>>, vector<16xf32>,
        tpu.vector_store %arg21[%swap3A_592, %swap3A_593], %get3A_591 {add = true, strides = array<i32>} : memref<128x64xf32, #tpu.memory_space<vmem>>, vector<16xf32>,
        %get3A_595 = arith.index_cast %scan3A_576 : i32 to index
        %get3A_596 = arith.constant 48 : index
        %get3A_597 = tpu.vector_load %arg25[%get3A_595, %get3A_596] {strides = array<i32>} : memref<128x64xf32, #tpu.memory_space<vmem>>, vector<16xf32>,
        %swap3A_598 = arith.index_cast %scan3A_576 : i32 to index
        %swap3A_599 = arith.constant 48 : index
        %swap3A_600 = tpu.vector_load %arg21[%swap3A_598, %swap3A_599] {strides = array<i32>} : memref<128x64xf32, #tpu.memory_space<vmem>>, vector<16xf32>,
        tpu.vector_store %arg21[%swap3A_598, %swap3A_599], %get3A_597 {add = true, strides = array<i32>} : memref<128x64xf32, #tpu.memory_space<vmem>>, vector<16xf32>,
        %scan3A_601 = arith.constant 4 : i32
        %scan3A_602 = arith.addi %scan3A_498, %scan3A_601 : i32
        %get3A_603 = arith.index_cast %scan3A_602 : i32 to index
        %get3A_604 = arith.constant 0 : index
        %get3A_605 = tpu.vector_load %arg25[%get3A_603, %get3A_604] {strides = array<i32>} : memref<128x64xf32, #tpu.memory_space<vmem>>, vector<16xf32>,
        %swap3A_606 = arith.index_cast %scan3A_602 : i32 to index
        %swap3A_607 = arith.constant 0 : index
        %swap3A_608 = tpu.vector_load %arg21[%swap3A_606, %swap3A_607] {strides = array<i32>} : memref<128x64xf32, #tpu.memory_space<vmem>>, vector<16xf32>,
        tpu.vector_store %arg21[%swap3A_606, %swap3A_607], %get3A_605 {add = true, strides = array<i32>} : memref<128x64xf32, #tpu.memory_space<vmem>>, vector<16xf32>,
        %get3A_609 = arith.index_cast %scan3A_602 : i32 to index
        %get3A_610 = arith.constant 16 : index
        %get3A_611 = tpu.vector_load %arg25[%get3A_609, %get3A_610] {strides = array<i32>} : memref<128x64xf32, #tpu.memory_space<vmem>>, vector<16xf32>,
        %swap3A_612 = arith.index_cast %scan3A_602 : i32 to index
        %swap3A_613 = arith.constant 16 : index
        %swap3A_614 = tpu.vector_load %arg21[%swap3A_612, %swap3A_613] {strides = array<i32>} : memref<128x64xf32, #tpu.memory_space<vmem>>, vector<16xf32>,
        tpu.vector_store %arg21[%swap3A_612, %swap3A_613], %get3A_611 {add = true, strides = array<i32>} : memref<128x64xf32, #tpu.memory_space<vmem>>, vector<16xf32>,
        %get3A_615 = arith.index_cast %scan3A_602 : i32 to index
        %get3A_616 = arith.constant 32 : index
        %get3A_617 = tpu.vector_load %arg25[%get3A_615, %get3A_616] {strides = array<i32>} : memref<128x64xf32, #tpu.memory_space<vmem>>, vector<16xf32>,
        %swap3A_618 = arith.index_cast %scan3A_602 : i32 to index
        %swap3A_619 = arith.constant 32 : index
        %swap3A_620 = tpu.vector_load %arg21[%swap3A_618, %swap3A_619] {strides = array<i32>} : memref<128x64xf32, #tpu.memory_space<vmem>>, vector<16xf32>,
        tpu.vector_store %arg21[%swap3A_618, %swap3A_619], %get3A_617 {add = true, strides = array<i32>} : memref<128x64xf32, #tpu.memory_space<vmem>>, vector<16xf32>,
        %get3A_621 = arith.index_cast %scan3A_602 : i32 to index
        %get3A_622 = arith.constant 48 : index
        %get3A_623 = tpu.vector_load %arg25[%get3A_621, %get3A_622] {strides = array<i32>} : memref<128x64xf32, #tpu.memory_space<vmem>>, vector<16xf32>,
        %swap3A_624 = arith.index_cast %scan3A_602 : i32 to index
        %swap3A_625 = arith.constant 48 : index
        %swap3A_626 = tpu.vector_load %arg21[%swap3A_624, %swap3A_625] {strides = array<i32>} : memref<128x64xf32, #tpu.memory_space<vmem>>, vector<16xf32>,
        tpu.vector_store %arg21[%swap3A_624, %swap3A_625], %get3A_623 {add = true, strides = array<i32>} : memref<128x64xf32, #tpu.memory_space<vmem>>, vector<16xf32>,
        %scan3A_627 = arith.constant 5 : i32
        %scan3A_628 = arith.addi %scan3A_498, %scan3A_627 : i32
        %get3A_629 = arith.index_cast %scan3A_628 : i32 to index
        %get3A_630 = arith.constant 0 : index
        %get3A_631 = tpu.vector_load %arg25[%get3A_629, %get3A_630] {strides = array<i32>} : memref<128x64xf32, #tpu.memory_space<vmem>>, vector<16xf32>,
        %swap3A_632 = arith.index_cast %scan3A_628 : i32 to index
        %swap3A_633 = arith.constant 0 : index
        %swap3A_634 = tpu.vector_load %arg21[%swap3A_632, %swap3A_633] {strides = array<i32>} : memref<128x64xf32, #tpu.memory_space<vmem>>, vector<16xf32>,
        tpu.vector_store %arg21[%swap3A_632, %swap3A_633], %get3A_631 {add = true, strides = array<i32>} : memref<128x64xf32, #tpu.memory_space<vmem>>, vector<16xf32>,
        %get3A_635 = arith.index_cast %scan3A_628 : i32 to index
        %get3A_636 = arith.constant 16 : index
        %get3A_637 = tpu.vector_load %arg25[%get3A_635, %get3A_636] {strides = array<i32>} : memref<128x64xf32, #tpu.memory_space<vmem>>, vector<16xf32>,
        %swap3A_638 = arith.index_cast %scan3A_628 : i32 to index
        %swap3A_639 = arith.constant 16 : index
        %swap3A_640 = tpu.vector_load %arg21[%swap3A_638, %swap3A_639] {strides = array<i32>} : memref<128x64xf32, #tpu.memory_space<vmem>>, vector<16xf32>,
        tpu.vector_store %arg21[%swap3A_638, %swap3A_639], %get3A_637 {add = true, strides = array<i32>} : memref<128x64xf32, #tpu.memory_space<vmem>>, vector<16xf32>,
        %get3A_641 = arith.index_cast %scan3A_628 : i32 to index
        %get3A_642 = arith.constant 32 : index
        %get3A_643 = tpu.vector_load %arg25[%get3A_641, %get3A_642] {strides = array<i32>} : memref<128x64xf32, #tpu.memory_space<vmem>>, vector<16xf32>,
        %swap3A_644 = arith.index_cast %scan3A_628 : i32 to index
        %swap3A_645 = arith.constant 32 : index
        %swap3A_646 = tpu.vector_load %arg21[%swap3A_644, %swap3A_645] {strides = array<i32>} : memref<128x64xf32, #tpu.memory_space<vmem>>, vector<16xf32>,
        tpu.vector_store %arg21[%swap3A_644, %swap3A_645], %get3A_643 {add = true, strides = array<i32>} : memref<128x64xf32, #tpu.memory_space<vmem>>, vector<16xf32>,
        %get3A_647 = arith.index_cast %scan3A_628 : i32 to index
        %get3A_648 = arith.constant 48 : index
        %get3A_649 = tpu.vector_load %arg25[%get3A_647, %get3A_648] {strides = array<i32>} : memref<128x64xf32, #tpu.memory_space<vmem>>, vector<16xf32>,
        %swap3A_650 = arith.index_cast %scan3A_628 : i32 to index
        %swap3A_651 = arith.constant 48 : index
        %swap3A_652 = tpu.vector_load %arg21[%swap3A_650, %swap3A_651] {strides = array<i32>} : memref<128x64xf32, #tpu.memory_space<vmem>>, vector<16xf32>,
        tpu.vector_store %arg21[%swap3A_650, %swap3A_651], %get3A_649 {add = true, strides = array<i32>} : memref<128x64xf32, #tpu.memory_space<vmem>>, vector<16xf32>,
        %scan3A_653 = arith.constant 6 : i32
        %scan3A_654 = arith.addi %scan3A_498, %scan3A_653 : i32
        %get3A_655 = arith.index_cast %scan3A_654 : i32 to index
        %get3A_656 = arith.constant 0 : index
        %get3A_657 = tpu.vector_load %arg25[%get3A_655, %get3A_656] {strides = array<i32>} : memref<128x64xf32, #tpu.memory_space<vmem>>, vector<16xf32>,
        %swap3A_658 = arith.index_cast %scan3A_654 : i32 to index
        %swap3A_659 = arith.constant 0 : index
        %swap3A_660 = tpu.vector_load %arg21[%swap3A_658, %swap3A_659] {strides = array<i32>} : memref<128x64xf32, #tpu.memory_space<vmem>>, vector<16xf32>,
        tpu.vector_store %arg21[%swap3A_658, %swap3A_659], %get3A_657 {add = true, strides = array<i32>} : memref<128x64xf32, #tpu.memory_space<vmem>>, vector<16xf32>,
        %get3A_661 = arith.index_cast %scan3A_654 : i32 to index
        %get3A_662 = arith.constant 16 : index
        %get3A_663 = tpu.vector_load %arg25[%get3A_661, %get3A_662] {strides = array<i32>} : memref<128x64xf32, #tpu.memory_space<vmem>>, vector<16xf32>,
        %swap3A_664 = arith.index_cast %scan3A_654 : i32 to index
        %swap3A_665 = arith.constant 16 : index
        %swap3A_666 = tpu.vector_load %arg21[%swap3A_664, %swap3A_665] {strides = array<i32>} : memref<128x64xf32, #tpu.memory_space<vmem>>, vector<16xf32>,
        tpu.vector_store %arg21[%swap3A_664, %swap3A_665], %get3A_663 {add = true, strides = array<i32>} : memref<128x64xf32, #tpu.memory_space<vmem>>, vector<16xf32>,
        %get3A_667 = arith.index_cast %scan3A_654 : i32 to index
        %get3A_668 = arith.constant 32 : index
        %get3A_669 = tpu.vector_load %arg25[%get3A_667, %get3A_668] {strides = array<i32>} : memref<128x64xf32, #tpu.memory_space<vmem>>, vector<16xf32>,
        %swap3A_670 = arith.index_cast %scan3A_654 : i32 to index
        %swap3A_671 = arith.constant 32 : index
        %swap3A_672 = tpu.vector_load %arg21[%swap3A_670, %swap3A_671] {strides = array<i32>} : memref<128x64xf32, #tpu.memory_space<vmem>>, vector<16xf32>,
        tpu.vector_store %arg21[%swap3A_670, %swap3A_671], %get3A_669 {add = true, strides = array<i32>} : memref<128x64xf32, #tpu.memory_space<vmem>>, vector<16xf32>,
        %get3A_673 = arith.index_cast %scan3A_654 : i32 to index
        %get3A_674 = arith.constant 48 : index
        %get3A_675 = tpu.vector_load %arg25[%get3A_673, %get3A_674] {strides = array<i32>} : memref<128x64xf32, #tpu.memory_space<vmem>>, vector<16xf32>,
        %swap3A_676 = arith.index_cast %scan3A_654 : i32 to index
        %swap3A_677 = arith.constant 48 : index
        %swap3A_678 = tpu.vector_load %arg21[%swap3A_676, %swap3A_677] {strides = array<i32>} : memref<128x64xf32, #tpu.memory_space<vmem>>, vector<16xf32>,
        tpu.vector_store %arg21[%swap3A_676, %swap3A_677], %get3A_675 {add = true, strides = array<i32>} : memref<128x64xf32, #tpu.memory_space<vmem>>, vector<16xf32>,
        %scan3A_679 = arith.constant 7 : i32
        %scan3A_680 = arith.addi %scan3A_498, %scan3A_679 : i32
        %get3A_681 = arith.index_cast %scan3A_680 : i32 to index
        %get3A_682 = arith.constant 0 : index
        %get3A_683 = tpu.vector_load %arg25[%get3A_681, %get3A_682] {strides = array<i32>} : memref<128x64xf32, #tpu.memory_space<vmem>>, vector<16xf32>,
        %swap3A_684 = arith.index_cast %scan3A_680 : i32 to index
        %swap3A_685 = arith.constant 0 : index
        %swap3A_686 = tpu.vector_load %arg21[%swap3A_684, %swap3A_685] {strides = array<i32>} : memref<128x64xf32, #tpu.memory_space<vmem>>, vector<16xf32>,
        tpu.vector_store %arg21[%swap3A_684, %swap3A_685], %get3A_683 {add = true, strides = array<i32>} : memref<128x64xf32, #tpu.memory_space<vmem>>, vector<16xf32>,
        %get3A_687 = arith.index_cast %scan3A_680 : i32 to index
        %get3A_688 = arith.constant 16 : index
        %get3A_689 = tpu.vector_load %arg25[%get3A_687, %get3A_688] {strides = array<i32>} : memref<128x64xf32, #tpu.memory_space<vmem>>, vector<16xf32>,
        %swap3A_690 = arith.index_cast %scan3A_680 : i32 to index
        %swap3A_691 = arith.constant 16 : index
        %swap3A_692 = tpu.vector_load %arg21[%swap3A_690, %swap3A_691] {strides = array<i32>} : memref<128x64xf32, #tpu.memory_space<vmem>>, vector<16xf32>,
        tpu.vector_store %arg21[%swap3A_690, %swap3A_691], %get3A_689 {add = true, strides = array<i32>} : memref<128x64xf32, #tpu.memory_space<vmem>>, vector<16xf32>,
        %get3A_693 = arith.index_cast %scan3A_680 : i32 to index
        %get3A_694 = arith.constant 32 : index
        %get3A_695 = tpu.vector_load %arg25[%get3A_693, %get3A_694] {strides = array<i32>} : memref<128x64xf32, #tpu.memory_space<vmem>>, vector<16xf32>,
        %swap3A_696 = arith.index_cast %scan3A_680 : i32 to index
        %swap3A_697 = arith.constant 32 : index
        %swap3A_698 = tpu.vector_load %arg21[%swap3A_696, %swap3A_697] {strides = array<i32>} : memref<128x64xf32, #tpu.memory_space<vmem>>, vector<16xf32>,
        tpu.vector_store %arg21[%swap3A_696, %swap3A_697], %get3A_695 {add = true, strides = array<i32>} : memref<128x64xf32, #tpu.memory_space<vmem>>, vector<16xf32>,
        %get3A_699 = arith.index_cast %scan3A_680 : i32 to index
        %get3A_700 = arith.constant 48 : index
        %get3A_701 = tpu.vector_load %arg25[%get3A_699, %get3A_700] {strides = array<i32>} : memref<128x64xf32, #tpu.memory_space<vmem>>, vector<16xf32>,
        %swap3A_702 = arith.index_cast %scan3A_680 : i32 to index
        %swap3A_703 = arith.constant 48 : index
        %swap3A_704 = tpu.vector_load %arg21[%swap3A_702, %swap3A_703] {strides = array<i32>} : memref<128x64xf32, #tpu.memory_space<vmem>>, vector<16xf32>,
        tpu.vector_store %arg21[%swap3A_702, %swap3A_703], %get3A_701 {add = true, strides = array<i32>} : memref<128x64xf32, #tpu.memory_space<vmem>>, vector<16xf32>,
      }
      %scan3A_400 = arith.constant 128 : i32
      %mul3A_401 = arith.constant 128 : i32
      %mul3A_402 = arith.muli %add3A_382, %mul3A_401 : i32
      %add3A_403 = arith.addi %mul3A_4, %mul3A_402 : i32
      %dma_start3A_404 = arith.constant 0 : i32
      %dma_start3A_405 = tpu.memref_slice %arg8[%add3A_403, %dma_start3A_404] : memref<524288x64xf32, #tpu.memory_space<hbm>> -> memref<128x64xf32, #tpu.memory_space<hbm>>
      %dma_start3A_406 = arith.constant 0 : i32
      %dma_start3A_407 = tpu.memref_slice %arg8[%add3A_403, %dma_start3A_406] : memref<524288x64xf32, #tpu.memory_space<hbm>> -> memref<128x64xf32, #tpu.memory_space<hbm>>
      tpu.enqueue_dma source(%arg21 : memref<128x64xf32, #tpu.memory_space<vmem>>) target(%dma_start3A_407 : memref<128x64xf32, #tpu.memory_space<hbm>>) target_semaphore(%arg39 : memref<!tpu.dma_semaphore, #tpu.memory_space<semaphore_mem>>)
      %mul3A_408 = arith.constant 4 : i32
      %mul3A_409 = arith.muli %scan3A_378, %mul3A_408 : i32
      %add3A_410 = arith.constant 1 : i32
      %add3A_411 = arith.addi %mul3A_409, %add3A_410 : i32
      %add3A_412 = arith.constant 2 : i32
      %add3A_413 = arith.addi %add3A_411, %add3A_412 : i32
      %lt3A_414 = arith.constant 128 : i32
      %lt3A_415 = arith.cmpi slt, %add3A_413, %lt3A_414 : i32
      %convert_element_type3A_416 = arith.extui %lt3A_415 : i1 to i32
      %cond3A_417 = arith.constant 0 : i32
      %cond3A_418 = arith.cmpi ne, %convert_element_type3A_416, %cond3A_417 : i32
      scf.if %cond3A_418 {
        %ge3A = arith.constant 2 : i32
        %ge3A_498 = arith.cmpi sge, %add3A_411, %ge3A : i32
        %convert_element_type3A_499 = arith.extui %ge3A_498 : i1 to i32
        %cond3A_500 = arith.constant 0 : i32
        %cond3A_501 = arith.cmpi ne, %convert_element_type3A_499, %cond3A_500 : i32
        scf.if %cond3A_501 {
          %dma_wait3A_685 = arith.constant 0 : i32
          %dma_wait3A_686 = tpu.memref_slice %arg8[%mul3A_4, %dma_wait3A_685] : memref<524288x64xf32, #tpu.memory_space<hbm>> -> memref<128x64xf32, #tpu.memory_space<hbm>>
          %dma_wait3A_687 = arith.constant 0 : i32
          %dma_wait3A_688 = tpu.memref_slice %arg8[%mul3A_4, %dma_wait3A_687] : memref<524288x64xf32, #tpu.memory_space<hbm>> -> memref<128x64xf32, #tpu.memory_space<hbm>>
          tpu.wait_dma2 semaphore(%arg42 : memref<!tpu.dma_semaphore, #tpu.memory_space<semaphore_mem>>) src(%arg24 : memref<128x64xf32, #tpu.memory_space<vmem>>) dst(%dma_wait3A_688 : memref<128x64xf32, #tpu.memory_space<hbm>>)
        } else {
        }
        %add3A_502 = arith.constant 2 : i32
        %add3A_503 = arith.addi %add3A_411, %add3A_502 : i32
        %mul3A_504 = arith.constant 128 : i32
        %mul3A_505 = arith.muli %add3A_503, %mul3A_504 : i32
        %add3A_506 = arith.addi %mul3A_4, %mul3A_505 : i32
        %shift_right_arithmetic3A_507 = arith.constant 11 : i32
        %shift_right_arithmetic3A_508 = arith.shrsi %add3A_506, %shift_right_arithmetic3A_507 : i32
        %and3A_509 = arith.constant 2047 : i32
        %and3A_510 = arith.andi %add3A_506, %and3A_509 : i32
        %mul3A_511 = arith.constant 16 : i32
        %mul3A_512 = arith.muli %shift_right_arithmetic3A_508, %mul3A_511 : i32
        %get3A_513 = arith.index_cast %mul3A_512 : i32 to index
        %get3A_514 = tpu.vector_load %arg11[%get3A_513] {strides = array<i32>} : memref<4096xi32, #tpu.memory_space<vmem>>, vector<16xi32>,
        %mul3A_515 = arith.constant 16 : i32
        %mul3A_516 = arith.muli %shift_right_arithmetic3A_508, %mul3A_515 : i32
        %get3A_517 = arith.index_cast %mul3A_516 : i32 to index
        %get3A_518 = tpu.vector_load %arg12[%get3A_517] {strides = array<i32>} : memref<4096xi32, #tpu.memory_space<vmem>>, vector<16xi32>,
        %add3A_519 = arith.constant 0 : i32
        %add3A_520 = arith.addi %and3A_510, %add3A_519 : i32
        %get3A_521 = arith.index_cast %add3A_520 : i32 to index
        %get3A_522 = tpu.vector_load %arg9[%get3A_521] {strides = array<i32>} : memref<2048xi32, #tpu.memory_space<vmem>>, vector<16xi32>,
        %add3A_523 = arith.constant 0 : i32
        %add3A_524 = arith.addi %and3A_510, %add3A_523 : i32
        %get3A_525 = arith.index_cast %add3A_524 : i32 to index
        %get3A_526 = tpu.vector_load %arg10[%get3A_525] {strides = array<i32>} : memref<2048xi32, #tpu.memory_space<vmem>>, vector<16xi32>,
        %sub3A_527 = arith.subi %get3A_514, %get3A_522 : vector<16xi32>
        %max3A_528 = arith.constant 0 : i32
        %max3A_529 = vector.broadcast %max3A_528 : i32 to vector<16xi32>
        %max3A_530 = arith.maxsi %sub3A_527, %max3A_529 : vector<16xi32>
        %swap3A_531 = arith.constant 0 : index
        %swap3A_532 = tpu.vector_load %arg16[%swap3A_531] {strides = array<i32>} : memref<128xi32, #tpu.memory_space<vmem>>, vector<16xi32>,
        tpu.vector_store %arg16[%swap3A_531], %max3A_530 {strides = array<i32>} : memref<128xi32, #tpu.memory_space<vmem>>, vector<16xi32>,
        %sub3A_533 = arith.subi %get3A_518, %get3A_526 : vector<16xi32>
        %add3A_534 = arith.constant 2047 : i32
        %add3A_535 = vector.broadcast %add3A_534 : i32 to vector<16xi32>
        %add3A_536 = arith.addi %sub3A_533, %add3A_535 : vector<16xi32>
        %swap3A_537 = arith.constant 0 : index
        %swap3A_538 = tpu.vector_load %arg20[%swap3A_537] {strides = array<i32>} : memref<128xi32, #tpu.memory_space<vmem>>, vector<16xi32>,
        tpu.vector_store %arg20[%swap3A_537], %add3A_536 {strides = array<i32>} : memref<128xi32, #tpu.memory_space<vmem>>, vector<16xi32>,
        %add3A_539 = arith.constant 16 : i32
        %add3A_540 = arith.addi %and3A_510, %add3A_539 : i32
        %get3A_541 = arith.index_cast %add3A_540 : i32 to index
        %get3A_542 = tpu.vector_load %arg9[%get3A_541] {strides = array<i32>} : memref<2048xi32, #tpu.memory_space<vmem>>, vector<16xi32>,
        %add3A_543 = arith.constant 16 : i32
        %add3A_544 = arith.addi %and3A_510, %add3A_543 : i32
        %get3A_545 = arith.index_cast %add3A_544 : i32 to index
        %get3A_546 = tpu.vector_load %arg10[%get3A_545] {strides = array<i32>} : memref<2048xi32, #tpu.memory_space<vmem>>, vector<16xi32>,
        %sub3A_547 = arith.subi %get3A_514, %get3A_542 : vector<16xi32>
        %max3A_548 = arith.constant 0 : i32
        %max3A_549 = vector.broadcast %max3A_548 : i32 to vector<16xi32>
        %max3A_550 = arith.maxsi %sub3A_547, %max3A_549 : vector<16xi32>
        %swap3A_551 = arith.constant 16 : index
        %swap3A_552 = tpu.vector_load %arg16[%swap3A_551] {strides = array<i32>} : memref<128xi32, #tpu.memory_space<vmem>>, vector<16xi32>,
        tpu.vector_store %arg16[%swap3A_551], %max3A_550 {strides = array<i32>} : memref<128xi32, #tpu.memory_space<vmem>>, vector<16xi32>,
        %sub3A_553 = arith.subi %get3A_518, %get3A_546 : vector<16xi32>
        %add3A_554 = arith.constant 2047 : i32
        %add3A_555 = vector.broadcast %add3A_554 : i32 to vector<16xi32>
        %add3A_556 = arith.addi %sub3A_553, %add3A_555 : vector<16xi32>
        %swap3A_557 = arith.constant 16 : index
        %swap3A_558 = tpu.vector_load %arg20[%swap3A_557] {strides = array<i32>} : memref<128xi32, #tpu.memory_space<vmem>>, vector<16xi32>,
        tpu.vector_store %arg20[%swap3A_557], %add3A_556 {strides = array<i32>} : memref<128xi32, #tpu.memory_space<vmem>>, vector<16xi32>,
        %add3A_559 = arith.constant 32 : i32
        %add3A_560 = arith.addi %and3A_510, %add3A_559 : i32
        %get3A_561 = arith.index_cast %add3A_560 : i32 to index
        %get3A_562 = tpu.vector_load %arg9[%get3A_561] {strides = array<i32>} : memref<2048xi32, #tpu.memory_space<vmem>>, vector<16xi32>,
        %add3A_563 = arith.constant 32 : i32
        %add3A_564 = arith.addi %and3A_510, %add3A_563 : i32
        %get3A_565 = arith.index_cast %add3A_564 : i32 to index
        %get3A_566 = tpu.vector_load %arg10[%get3A_565] {strides = array<i32>} : memref<2048xi32, #tpu.memory_space<vmem>>, vector<16xi32>,
        %sub3A_567 = arith.subi %get3A_514, %get3A_562 : vector<16xi32>
        %max3A_568 = arith.constant 0 : i32
        %max3A_569 = vector.broadcast %max3A_568 : i32 to vector<16xi32>
        %max3A_570 = arith.maxsi %sub3A_567, %max3A_569 : vector<16xi32>
        %swap3A_571 = arith.constant 32 : index
        %swap3A_572 = tpu.vector_load %arg16[%swap3A_571] {strides = array<i32>} : memref<128xi32, #tpu.memory_space<vmem>>, vector<16xi32>,
        tpu.vector_store %arg16[%swap3A_571], %max3A_570 {strides = array<i32>} : memref<128xi32, #tpu.memory_space<vmem>>, vector<16xi32>,
        %sub3A_573 = arith.subi %get3A_518, %get3A_566 : vector<16xi32>
        %add3A_574 = arith.constant 2047 : i32
        %add3A_575 = vector.broadcast %add3A_574 : i32 to vector<16xi32>
        %add3A_576 = arith.addi %sub3A_573, %add3A_575 : vector<16xi32>
        %swap3A_577 = arith.constant 32 : index
        %swap3A_578 = tpu.vector_load %arg20[%swap3A_577] {strides = array<i32>} : memref<128xi32, #tpu.memory_space<vmem>>, vector<16xi32>,
        tpu.vector_store %arg20[%swap3A_577], %add3A_576 {strides = array<i32>} : memref<128xi32, #tpu.memory_space<vmem>>, vector<16xi32>,
        %add3A_579 = arith.constant 48 : i32
        %add3A_580 = arith.addi %and3A_510, %add3A_579 : i32
        %get3A_581 = arith.index_cast %add3A_580 : i32 to index
        %get3A_582 = tpu.vector_load %arg9[%get3A_581] {strides = array<i32>} : memref<2048xi32, #tpu.memory_space<vmem>>, vector<16xi32>,
        %add3A_583 = arith.constant 48 : i32
        %add3A_584 = arith.addi %and3A_510, %add3A_583 : i32
        %get3A_585 = arith.index_cast %add3A_584 : i32 to index
        %get3A_586 = tpu.vector_load %arg10[%get3A_585] {strides = array<i32>} : memref<2048xi32, #tpu.memory_space<vmem>>, vector<16xi32>,
        %sub3A_587 = arith.subi %get3A_514, %get3A_582 : vector<16xi32>
        %max3A_588 = arith.constant 0 : i32
        %max3A_589 = vector.broadcast %max3A_588 : i32 to vector<16xi32>
        %max3A_590 = arith.maxsi %sub3A_587, %max3A_589 : vector<16xi32>
        %swap3A_591 = arith.constant 48 : index
        %swap3A_592 = tpu.vector_load %arg16[%swap3A_591] {strides = array<i32>} : memref<128xi32, #tpu.memory_space<vmem>>, vector<16xi32>,
        tpu.vector_store %arg16[%swap3A_591], %max3A_590 {strides = array<i32>} : memref<128xi32, #tpu.memory_space<vmem>>, vector<16xi32>,
        %sub3A_593 = arith.subi %get3A_518, %get3A_586 : vector<16xi32>
        %add3A_594 = arith.constant 2047 : i32
        %add3A_595 = vector.broadcast %add3A_594 : i32 to vector<16xi32>
        %add3A_596 = arith.addi %sub3A_593, %add3A_595 : vector<16xi32>
        %swap3A_597 = arith.constant 48 : index
        %swap3A_598 = tpu.vector_load %arg20[%swap3A_597] {strides = array<i32>} : memref<128xi32, #tpu.memory_space<vmem>>, vector<16xi32>,
        tpu.vector_store %arg20[%swap3A_597], %add3A_596 {strides = array<i32>} : memref<128xi32, #tpu.memory_space<vmem>>, vector<16xi32>,
        %add3A_599 = arith.constant 64 : i32
        %add3A_600 = arith.addi %and3A_510, %add3A_599 : i32
        %get3A_601 = arith.index_cast %add3A_600 : i32 to index
        %get3A_602 = tpu.vector_load %arg9[%get3A_601] {strides = array<i32>} : memref<2048xi32, #tpu.memory_space<vmem>>, vector<16xi32>,
        %add3A_603 = arith.constant 64 : i32
        %add3A_604 = arith.addi %and3A_510, %add3A_603 : i32
        %get3A_605 = arith.index_cast %add3A_604 : i32 to index
        %get3A_606 = tpu.vector_load %arg10[%get3A_605] {strides = array<i32>} : memref<2048xi32, #tpu.memory_space<vmem>>, vector<16xi32>,
        %sub3A_607 = arith.subi %get3A_514, %get3A_602 : vector<16xi32>
        %max3A_608 = arith.constant 0 : i32
        %max3A_609 = vector.broadcast %max3A_608 : i32 to vector<16xi32>
        %max3A_610 = arith.maxsi %sub3A_607, %max3A_609 : vector<16xi32>
        %swap3A_611 = arith.constant 64 : index
        %swap3A_612 = tpu.vector_load %arg16[%swap3A_611] {strides = array<i32>} : memref<128xi32, #tpu.memory_space<vmem>>, vector<16xi32>,
        tpu.vector_store %arg16[%swap3A_611], %max3A_610 {strides = array<i32>} : memref<128xi32, #tpu.memory_space<vmem>>, vector<16xi32>,
        %sub3A_613 = arith.subi %get3A_518, %get3A_606 : vector<16xi32>
        %add3A_614 = arith.constant 2047 : i32
        %add3A_615 = vector.broadcast %add3A_614 : i32 to vector<16xi32>
        %add3A_616 = arith.addi %sub3A_613, %add3A_615 : vector<16xi32>
        %swap3A_617 = arith.constant 64 : index
        %swap3A_618 = tpu.vector_load %arg20[%swap3A_617] {strides = array<i32>} : memref<128xi32, #tpu.memory_space<vmem>>, vector<16xi32>,
        tpu.vector_store %arg20[%swap3A_617], %add3A_616 {strides = array<i32>} : memref<128xi32, #tpu.memory_space<vmem>>, vector<16xi32>,
        %add3A_619 = arith.constant 80 : i32
        %add3A_620 = arith.addi %and3A_510, %add3A_619 : i32
        %get3A_621 = arith.index_cast %add3A_620 : i32 to index
        %get3A_622 = tpu.vector_load %arg9[%get3A_621] {strides = array<i32>} : memref<2048xi32, #tpu.memory_space<vmem>>, vector<16xi32>,
        %add3A_623 = arith.constant 80 : i32
        %add3A_624 = arith.addi %and3A_510, %add3A_623 : i32
        %get3A_625 = arith.index_cast %add3A_624 : i32 to index
        %get3A_626 = tpu.vector_load %arg10[%get3A_625] {strides = array<i32>} : memref<2048xi32, #tpu.memory_space<vmem>>, vector<16xi32>,
        %sub3A_627 = arith.subi %get3A_514, %get3A_622 : vector<16xi32>
        %max3A_628 = arith.constant 0 : i32
        %max3A_629 = vector.broadcast %max3A_628 : i32 to vector<16xi32>
        %max3A_630 = arith.maxsi %sub3A_627, %max3A_629 : vector<16xi32>
        %swap3A_631 = arith.constant 80 : index
        %swap3A_632 = tpu.vector_load %arg16[%swap3A_631] {strides = array<i32>} : memref<128xi32, #tpu.memory_space<vmem>>, vector<16xi32>,
        tpu.vector_store %arg16[%swap3A_631], %max3A_630 {strides = array<i32>} : memref<128xi32, #tpu.memory_space<vmem>>, vector<16xi32>,
        %sub3A_633 = arith.subi %get3A_518, %get3A_626 : vector<16xi32>
        %add3A_634 = arith.constant 2047 : i32
        %add3A_635 = vector.broadcast %add3A_634 : i32 to vector<16xi32>
        %add3A_636 = arith.addi %sub3A_633, %add3A_635 : vector<16xi32>
        %swap3A_637 = arith.constant 80 : index
        %swap3A_638 = tpu.vector_load %arg20[%swap3A_637] {strides = array<i32>} : memref<128xi32, #tpu.memory_space<vmem>>, vector<16xi32>,
        tpu.vector_store %arg20[%swap3A_637], %add3A_636 {strides = array<i32>} : memref<128xi32, #tpu.memory_space<vmem>>, vector<16xi32>,
        %add3A_639 = arith.constant 96 : i32
        %add3A_640 = arith.addi %and3A_510, %add3A_639 : i32
        %get3A_641 = arith.index_cast %add3A_640 : i32 to index
        %get3A_642 = tpu.vector_load %arg9[%get3A_641] {strides = array<i32>} : memref<2048xi32, #tpu.memory_space<vmem>>, vector<16xi32>,
        %add3A_643 = arith.constant 96 : i32
        %add3A_644 = arith.addi %and3A_510, %add3A_643 : i32
        %get3A_645 = arith.index_cast %add3A_644 : i32 to index
        %get3A_646 = tpu.vector_load %arg10[%get3A_645] {strides = array<i32>} : memref<2048xi32, #tpu.memory_space<vmem>>, vector<16xi32>,
        %sub3A_647 = arith.subi %get3A_514, %get3A_642 : vector<16xi32>
        %max3A_648 = arith.constant 0 : i32
        %max3A_649 = vector.broadcast %max3A_648 : i32 to vector<16xi32>
        %max3A_650 = arith.maxsi %sub3A_647, %max3A_649 : vector<16xi32>
        %swap3A_651 = arith.constant 96 : index
        %swap3A_652 = tpu.vector_load %arg16[%swap3A_651] {strides = array<i32>} : memref<128xi32, #tpu.memory_space<vmem>>, vector<16xi32>,
        tpu.vector_store %arg16[%swap3A_651], %max3A_650 {strides = array<i32>} : memref<128xi32, #tpu.memory_space<vmem>>, vector<16xi32>,
        %sub3A_653 = arith.subi %get3A_518, %get3A_646 : vector<16xi32>
        %add3A_654 = arith.constant 2047 : i32
        %add3A_655 = vector.broadcast %add3A_654 : i32 to vector<16xi32>
        %add3A_656 = arith.addi %sub3A_653, %add3A_655 : vector<16xi32>
        %swap3A_657 = arith.constant 96 : index
        %swap3A_658 = tpu.vector_load %arg20[%swap3A_657] {strides = array<i32>} : memref<128xi32, #tpu.memory_space<vmem>>, vector<16xi32>,
        tpu.vector_store %arg20[%swap3A_657], %add3A_656 {strides = array<i32>} : memref<128xi32, #tpu.memory_space<vmem>>, vector<16xi32>,
        %add3A_659 = arith.constant 112 : i32
        %add3A_660 = arith.addi %and3A_510, %add3A_659 : i32
        %get3A_661 = arith.index_cast %add3A_660 : i32 to index
        %get3A_662 = tpu.vector_load %arg9[%get3A_661] {strides = array<i32>} : memref<2048xi32, #tpu.memory_space<vmem>>, vector<16xi32>,
        %add3A_663 = arith.constant 112 : i32
        %add3A_664 = arith.addi %and3A_510, %add3A_663 : i32
        %get3A_665 = arith.index_cast %add3A_664 : i32 to index
        %get3A_666 = tpu.vector_load %arg10[%get3A_665] {strides = array<i32>} : memref<2048xi32, #tpu.memory_space<vmem>>, vector<16xi32>,
        %sub3A_667 = arith.subi %get3A_514, %get3A_662 : vector<16xi32>
        %max3A_668 = arith.constant 0 : i32
        %max3A_669 = vector.broadcast %max3A_668 : i32 to vector<16xi32>
        %max3A_670 = arith.maxsi %sub3A_667, %max3A_669 : vector<16xi32>
        %swap3A_671 = arith.constant 112 : index
        %swap3A_672 = tpu.vector_load %arg16[%swap3A_671] {strides = array<i32>} : memref<128xi32, #tpu.memory_space<vmem>>, vector<16xi32>,
        tpu.vector_store %arg16[%swap3A_671], %max3A_670 {strides = array<i32>} : memref<128xi32, #tpu.memory_space<vmem>>, vector<16xi32>,
        %sub3A_673 = arith.subi %get3A_518, %get3A_666 : vector<16xi32>
        %add3A_674 = arith.constant 2047 : i32
        %add3A_675 = vector.broadcast %add3A_674 : i32 to vector<16xi32>
        %add3A_676 = arith.addi %sub3A_673, %add3A_675 : vector<16xi32>
        %swap3A_677 = arith.constant 112 : index
        %swap3A_678 = tpu.vector_load %arg20[%swap3A_677] {strides = array<i32>} : memref<128xi32, #tpu.memory_space<vmem>>, vector<16xi32>,
        tpu.vector_store %arg20[%swap3A_677], %add3A_676 {strides = array<i32>} : memref<128xi32, #tpu.memory_space<vmem>>, vector<16xi32>,
        %dma_start3A_679 = arith.constant 0 : i32
        %dma_start3A_680 = arith.constant 0 : i32
        %dma_start3A_681 = tpu.memref_slice %arg29[%dma_start3A_679, %dma_start3A_680] : memref<2048x64xf32, #tpu.memory_space<vmem_shared>> -> memref<2048x64xf32, #tpu.memory_space<vmem_shared>>
        tpu.enqueue_indirect_dma source(%dma_start3A_681 : memref<2048x64xf32, #tpu.memory_space<vmem_shared>>) target(%arg24 : memref<128x64xf32, #tpu.memory_space<vmem>>) offsets(%arg16 : memref<128xi32, #tpu.memory_space<vmem>>) semaphore(%arg34 : memref<!tpu.dma_semaphore, #tpu.memory_space<semaphore_mem>>)
        %dma_start3A_682 = arith.constant 0 : i32
        %dma_start3A_683 = arith.constant 0 : i32
        %dma_start3A_684 = tpu.memref_slice %arg30[%dma_start3A_682, %dma_start3A_683] : memref<4095x64xf32, #tpu.memory_space<vmem_shared>> -> memref<4095x64xf32, #tpu.memory_space<vmem_shared>>
        tpu.enqueue_indirect_dma source(%dma_start3A_684 : memref<4095x64xf32, #tpu.memory_space<vmem_shared>>) target(%arg28 : memref<128x64xf32, #tpu.memory_space<vmem>>) offsets(%arg20 : memref<128xi32, #tpu.memory_space<vmem>>) semaphore(%arg38 : memref<!tpu.dma_semaphore, #tpu.memory_space<semaphore_mem>>)
      } else {
      }
      %dma_wait3A_419 = arith.constant 0 : i32
      %dma_wait3A_420 = arith.constant 0 : i32
      %dma_wait3A_421 = tpu.memref_slice %arg29[%dma_wait3A_419, %dma_wait3A_420] : memref<2048x64xf32, #tpu.memory_space<vmem_shared>> -> memref<2048x64xf32, #tpu.memory_space<vmem_shared>>
      tpu.wait_indirect_dma semaphore(%arg32 : memref<!tpu.dma_semaphore, #tpu.memory_space<semaphore_mem>>) src(%dma_wait3A_421 : memref<2048x64xf32, #tpu.memory_space<vmem_shared>>) dst(%arg22 : memref<128x64xf32, #tpu.memory_space<vmem>>)
      %dma_wait3A_422 = arith.constant 0 : i32
      %dma_wait3A_423 = arith.constant 0 : i32
      %dma_wait3A_424 = tpu.memref_slice %arg30[%dma_wait3A_422, %dma_wait3A_423] : memref<4095x64xf32, #tpu.memory_space<vmem_shared>> -> memref<4095x64xf32, #tpu.memory_space<vmem_shared>>
      tpu.wait_indirect_dma semaphore(%arg36 : memref<!tpu.dma_semaphore, #tpu.memory_space<semaphore_mem>>) src(%dma_wait3A_424 : memref<4095x64xf32, #tpu.memory_space<vmem_shared>>) dst(%arg26 : memref<128x64xf32, #tpu.memory_space<vmem>>)
      %scan3A_425 = arith.constant 0 : i32
      %scan3A_426 = arith.constant 0 : i32
      %scan3A_427 = arith.constant 128 : i32
      %scan3A_428 = arith.addi %scan3A_426, %scan3A_427 : i32
      %scan3A_429 = arith.constant 8 : i32
      scf.for %scan3A_498 = %scan3A_426 to %scan3A_428 step %scan3A_429  : i32 {
        %get3A_499 = arith.index_cast %scan3A_498 : i32 to index
        %get3A_500 = arith.constant 0 : index
        %get3A_501 = tpu.vector_load %arg26[%get3A_499, %get3A_500] {strides = array<i32>} : memref<128x64xf32, #tpu.memory_space<vmem>>, vector<16xf32>,
        %swap3A_502 = arith.index_cast %scan3A_498 : i32 to index
        %swap3A_503 = arith.constant 0 : index
        %swap3A_504 = tpu.vector_load %arg22[%swap3A_502, %swap3A_503] {strides = array<i32>} : memref<128x64xf32, #tpu.memory_space<vmem>>, vector<16xf32>,
        tpu.vector_store %arg22[%swap3A_502, %swap3A_503], %get3A_501 {add = true, strides = array<i32>} : memref<128x64xf32, #tpu.memory_space<vmem>>, vector<16xf32>,
        %get3A_505 = arith.index_cast %scan3A_498 : i32 to index
        %get3A_506 = arith.constant 16 : index
        %get3A_507 = tpu.vector_load %arg26[%get3A_505, %get3A_506] {strides = array<i32>} : memref<128x64xf32, #tpu.memory_space<vmem>>, vector<16xf32>,
        %swap3A_508 = arith.index_cast %scan3A_498 : i32 to index
        %swap3A_509 = arith.constant 16 : index
        %swap3A_510 = tpu.vector_load %arg22[%swap3A_508, %swap3A_509] {strides = array<i32>} : memref<128x64xf32, #tpu.memory_space<vmem>>, vector<16xf32>,
        tpu.vector_store %arg22[%swap3A_508, %swap3A_509], %get3A_507 {add = true, strides = array<i32>} : memref<128x64xf32, #tpu.memory_space<vmem>>, vector<16xf32>,
        %get3A_511 = arith.index_cast %scan3A_498 : i32 to index
        %get3A_512 = arith.constant 32 : index
        %get3A_513 = tpu.vector_load %arg26[%get3A_511, %get3A_512] {strides = array<i32>} : memref<128x64xf32, #tpu.memory_space<vmem>>, vector<16xf32>,
        %swap3A_514 = arith.index_cast %scan3A_498 : i32 to index
        %swap3A_515 = arith.constant 32 : index
        %swap3A_516 = tpu.vector_load %arg22[%swap3A_514, %swap3A_515] {strides = array<i32>} : memref<128x64xf32, #tpu.memory_space<vmem>>, vector<16xf32>,
        tpu.vector_store %arg22[%swap3A_514, %swap3A_515], %get3A_513 {add = true, strides = array<i32>} : memref<128x64xf32, #tpu.memory_space<vmem>>, vector<16xf32>,
        %get3A_517 = arith.index_cast %scan3A_498 : i32 to index
        %get3A_518 = arith.constant 48 : index
        %get3A_519 = tpu.vector_load %arg26[%get3A_517, %get3A_518] {strides = array<i32>} : memref<128x64xf32, #tpu.memory_space<vmem>>, vector<16xf32>,
        %swap3A_520 = arith.index_cast %scan3A_498 : i32 to index
        %swap3A_521 = arith.constant 48 : index
        %swap3A_522 = tpu.vector_load %arg22[%swap3A_520, %swap3A_521] {strides = array<i32>} : memref<128x64xf32, #tpu.memory_space<vmem>>, vector<16xf32>,
        tpu.vector_store %arg22[%swap3A_520, %swap3A_521], %get3A_519 {add = true, strides = array<i32>} : memref<128x64xf32, #tpu.memory_space<vmem>>, vector<16xf32>,
        %scan3A_523 = arith.constant 1 : i32
        %scan3A_524 = arith.addi %scan3A_498, %scan3A_523 : i32
        %get3A_525 = arith.index_cast %scan3A_524 : i32 to index
        %get3A_526 = arith.constant 0 : index
        %get3A_527 = tpu.vector_load %arg26[%get3A_525, %get3A_526] {strides = array<i32>} : memref<128x64xf32, #tpu.memory_space<vmem>>, vector<16xf32>,
        %swap3A_528 = arith.index_cast %scan3A_524 : i32 to index
        %swap3A_529 = arith.constant 0 : index
        %swap3A_530 = tpu.vector_load %arg22[%swap3A_528, %swap3A_529] {strides = array<i32>} : memref<128x64xf32, #tpu.memory_space<vmem>>, vector<16xf32>,
        tpu.vector_store %arg22[%swap3A_528, %swap3A_529], %get3A_527 {add = true, strides = array<i32>} : memref<128x64xf32, #tpu.memory_space<vmem>>, vector<16xf32>,
        %get3A_531 = arith.index_cast %scan3A_524 : i32 to index
        %get3A_532 = arith.constant 16 : index
        %get3A_533 = tpu.vector_load %arg26[%get3A_531, %get3A_532] {strides = array<i32>} : memref<128x64xf32, #tpu.memory_space<vmem>>, vector<16xf32>,
        %swap3A_534 = arith.index_cast %scan3A_524 : i32 to index
        %swap3A_535 = arith.constant 16 : index
        %swap3A_536 = tpu.vector_load %arg22[%swap3A_534, %swap3A_535] {strides = array<i32>} : memref<128x64xf32, #tpu.memory_space<vmem>>, vector<16xf32>,
        tpu.vector_store %arg22[%swap3A_534, %swap3A_535], %get3A_533 {add = true, strides = array<i32>} : memref<128x64xf32, #tpu.memory_space<vmem>>, vector<16xf32>,
        %get3A_537 = arith.index_cast %scan3A_524 : i32 to index
        %get3A_538 = arith.constant 32 : index
        %get3A_539 = tpu.vector_load %arg26[%get3A_537, %get3A_538] {strides = array<i32>} : memref<128x64xf32, #tpu.memory_space<vmem>>, vector<16xf32>,
        %swap3A_540 = arith.index_cast %scan3A_524 : i32 to index
        %swap3A_541 = arith.constant 32 : index
        %swap3A_542 = tpu.vector_load %arg22[%swap3A_540, %swap3A_541] {strides = array<i32>} : memref<128x64xf32, #tpu.memory_space<vmem>>, vector<16xf32>,
        tpu.vector_store %arg22[%swap3A_540, %swap3A_541], %get3A_539 {add = true, strides = array<i32>} : memref<128x64xf32, #tpu.memory_space<vmem>>, vector<16xf32>,
        %get3A_543 = arith.index_cast %scan3A_524 : i32 to index
        %get3A_544 = arith.constant 48 : index
        %get3A_545 = tpu.vector_load %arg26[%get3A_543, %get3A_544] {strides = array<i32>} : memref<128x64xf32, #tpu.memory_space<vmem>>, vector<16xf32>,
        %swap3A_546 = arith.index_cast %scan3A_524 : i32 to index
        %swap3A_547 = arith.constant 48 : index
        %swap3A_548 = tpu.vector_load %arg22[%swap3A_546, %swap3A_547] {strides = array<i32>} : memref<128x64xf32, #tpu.memory_space<vmem>>, vector<16xf32>,
        tpu.vector_store %arg22[%swap3A_546, %swap3A_547], %get3A_545 {add = true, strides = array<i32>} : memref<128x64xf32, #tpu.memory_space<vmem>>, vector<16xf32>,
        %scan3A_549 = arith.constant 2 : i32
        %scan3A_550 = arith.addi %scan3A_498, %scan3A_549 : i32
        %get3A_551 = arith.index_cast %scan3A_550 : i32 to index
        %get3A_552 = arith.constant 0 : index
        %get3A_553 = tpu.vector_load %arg26[%get3A_551, %get3A_552] {strides = array<i32>} : memref<128x64xf32, #tpu.memory_space<vmem>>, vector<16xf32>,
        %swap3A_554 = arith.index_cast %scan3A_550 : i32 to index
        %swap3A_555 = arith.constant 0 : index
        %swap3A_556 = tpu.vector_load %arg22[%swap3A_554, %swap3A_555] {strides = array<i32>} : memref<128x64xf32, #tpu.memory_space<vmem>>, vector<16xf32>,
        tpu.vector_store %arg22[%swap3A_554, %swap3A_555], %get3A_553 {add = true, strides = array<i32>} : memref<128x64xf32, #tpu.memory_space<vmem>>, vector<16xf32>,
        %get3A_557 = arith.index_cast %scan3A_550 : i32 to index
        %get3A_558 = arith.constant 16 : index
        %get3A_559 = tpu.vector_load %arg26[%get3A_557, %get3A_558] {strides = array<i32>} : memref<128x64xf32, #tpu.memory_space<vmem>>, vector<16xf32>,
        %swap3A_560 = arith.index_cast %scan3A_550 : i32 to index
        %swap3A_561 = arith.constant 16 : index
        %swap3A_562 = tpu.vector_load %arg22[%swap3A_560, %swap3A_561] {strides = array<i32>} : memref<128x64xf32, #tpu.memory_space<vmem>>, vector<16xf32>,
        tpu.vector_store %arg22[%swap3A_560, %swap3A_561], %get3A_559 {add = true, strides = array<i32>} : memref<128x64xf32, #tpu.memory_space<vmem>>, vector<16xf32>,
        %get3A_563 = arith.index_cast %scan3A_550 : i32 to index
        %get3A_564 = arith.constant 32 : index
        %get3A_565 = tpu.vector_load %arg26[%get3A_563, %get3A_564] {strides = array<i32>} : memref<128x64xf32, #tpu.memory_space<vmem>>, vector<16xf32>,
        %swap3A_566 = arith.index_cast %scan3A_550 : i32 to index
        %swap3A_567 = arith.constant 32 : index
        %swap3A_568 = tpu.vector_load %arg22[%swap3A_566, %swap3A_567] {strides = array<i32>} : memref<128x64xf32, #tpu.memory_space<vmem>>, vector<16xf32>,
        tpu.vector_store %arg22[%swap3A_566, %swap3A_567], %get3A_565 {add = true, strides = array<i32>} : memref<128x64xf32, #tpu.memory_space<vmem>>, vector<16xf32>,
        %get3A_569 = arith.index_cast %scan3A_550 : i32 to index
        %get3A_570 = arith.constant 48 : index
        %get3A_571 = tpu.vector_load %arg26[%get3A_569, %get3A_570] {strides = array<i32>} : memref<128x64xf32, #tpu.memory_space<vmem>>, vector<16xf32>,
        %swap3A_572 = arith.index_cast %scan3A_550 : i32 to index
        %swap3A_573 = arith.constant 48 : index
        %swap3A_574 = tpu.vector_load %arg22[%swap3A_572, %swap3A_573] {strides = array<i32>} : memref<128x64xf32, #tpu.memory_space<vmem>>, vector<16xf32>,
        tpu.vector_store %arg22[%swap3A_572, %swap3A_573], %get3A_571 {add = true, strides = array<i32>} : memref<128x64xf32, #tpu.memory_space<vmem>>, vector<16xf32>,
        %scan3A_575 = arith.constant 3 : i32
        %scan3A_576 = arith.addi %scan3A_498, %scan3A_575 : i32
        %get3A_577 = arith.index_cast %scan3A_576 : i32 to index
        %get3A_578 = arith.constant 0 : index
        %get3A_579 = tpu.vector_load %arg26[%get3A_577, %get3A_578] {strides = array<i32>} : memref<128x64xf32, #tpu.memory_space<vmem>>, vector<16xf32>,
        %swap3A_580 = arith.index_cast %scan3A_576 : i32 to index
        %swap3A_581 = arith.constant 0 : index
        %swap3A_582 = tpu.vector_load %arg22[%swap3A_580, %swap3A_581] {strides = array<i32>} : memref<128x64xf32, #tpu.memory_space<vmem>>, vector<16xf32>,
        tpu.vector_store %arg22[%swap3A_580, %swap3A_581], %get3A_579 {add = true, strides = array<i32>} : memref<128x64xf32, #tpu.memory_space<vmem>>, vector<16xf32>,
        %get3A_583 = arith.index_cast %scan3A_576 : i32 to index
        %get3A_584 = arith.constant 16 : index
        %get3A_585 = tpu.vector_load %arg26[%get3A_583, %get3A_584] {strides = array<i32>} : memref<128x64xf32, #tpu.memory_space<vmem>>, vector<16xf32>,
        %swap3A_586 = arith.index_cast %scan3A_576 : i32 to index
        %swap3A_587 = arith.constant 16 : index
        %swap3A_588 = tpu.vector_load %arg22[%swap3A_586, %swap3A_587] {strides = array<i32>} : memref<128x64xf32, #tpu.memory_space<vmem>>, vector<16xf32>,
        tpu.vector_store %arg22[%swap3A_586, %swap3A_587], %get3A_585 {add = true, strides = array<i32>} : memref<128x64xf32, #tpu.memory_space<vmem>>, vector<16xf32>,
        %get3A_589 = arith.index_cast %scan3A_576 : i32 to index
        %get3A_590 = arith.constant 32 : index
        %get3A_591 = tpu.vector_load %arg26[%get3A_589, %get3A_590] {strides = array<i32>} : memref<128x64xf32, #tpu.memory_space<vmem>>, vector<16xf32>,
        %swap3A_592 = arith.index_cast %scan3A_576 : i32 to index
        %swap3A_593 = arith.constant 32 : index
        %swap3A_594 = tpu.vector_load %arg22[%swap3A_592, %swap3A_593] {strides = array<i32>} : memref<128x64xf32, #tpu.memory_space<vmem>>, vector<16xf32>,
        tpu.vector_store %arg22[%swap3A_592, %swap3A_593], %get3A_591 {add = true, strides = array<i32>} : memref<128x64xf32, #tpu.memory_space<vmem>>, vector<16xf32>,
        %get3A_595 = arith.index_cast %scan3A_576 : i32 to index
        %get3A_596 = arith.constant 48 : index
        %get3A_597 = tpu.vector_load %arg26[%get3A_595, %get3A_596] {strides = array<i32>} : memref<128x64xf32, #tpu.memory_space<vmem>>, vector<16xf32>,
        %swap3A_598 = arith.index_cast %scan3A_576 : i32 to index
        %swap3A_599 = arith.constant 48 : index
        %swap3A_600 = tpu.vector_load %arg22[%swap3A_598, %swap3A_599] {strides = array<i32>} : memref<128x64xf32, #tpu.memory_space<vmem>>, vector<16xf32>,
        tpu.vector_store %arg22[%swap3A_598, %swap3A_599], %get3A_597 {add = true, strides = array<i32>} : memref<128x64xf32, #tpu.memory_space<vmem>>, vector<16xf32>,
        %scan3A_601 = arith.constant 4 : i32
        %scan3A_602 = arith.addi %scan3A_498, %scan3A_601 : i32
        %get3A_603 = arith.index_cast %scan3A_602 : i32 to index
        %get3A_604 = arith.constant 0 : index
        %get3A_605 = tpu.vector_load %arg26[%get3A_603, %get3A_604] {strides = array<i32>} : memref<128x64xf32, #tpu.memory_space<vmem>>, vector<16xf32>,
        %swap3A_606 = arith.index_cast %scan3A_602 : i32 to index
        %swap3A_607 = arith.constant 0 : index
        %swap3A_608 = tpu.vector_load %arg22[%swap3A_606, %swap3A_607] {strides = array<i32>} : memref<128x64xf32, #tpu.memory_space<vmem>>, vector<16xf32>,
        tpu.vector_store %arg22[%swap3A_606, %swap3A_607], %get3A_605 {add = true, strides = array<i32>} : memref<128x64xf32, #tpu.memory_space<vmem>>, vector<16xf32>,
        %get3A_609 = arith.index_cast %scan3A_602 : i32 to index
        %get3A_610 = arith.constant 16 : index
        %get3A_611 = tpu.vector_load %arg26[%get3A_609, %get3A_610] {strides = array<i32>} : memref<128x64xf32, #tpu.memory_space<vmem>>, vector<16xf32>,
        %swap3A_612 = arith.index_cast %scan3A_602 : i32 to index
        %swap3A_613 = arith.constant 16 : index
        %swap3A_614 = tpu.vector_load %arg22[%swap3A_612, %swap3A_613] {strides = array<i32>} : memref<128x64xf32, #tpu.memory_space<vmem>>, vector<16xf32>,
        tpu.vector_store %arg22[%swap3A_612, %swap3A_613], %get3A_611 {add = true, strides = array<i32>} : memref<128x64xf32, #tpu.memory_space<vmem>>, vector<16xf32>,
        %get3A_615 = arith.index_cast %scan3A_602 : i32 to index
        %get3A_616 = arith.constant 32 : index
        %get3A_617 = tpu.vector_load %arg26[%get3A_615, %get3A_616] {strides = array<i32>} : memref<128x64xf32, #tpu.memory_space<vmem>>, vector<16xf32>,
        %swap3A_618 = arith.index_cast %scan3A_602 : i32 to index
        %swap3A_619 = arith.constant 32 : index
        %swap3A_620 = tpu.vector_load %arg22[%swap3A_618, %swap3A_619] {strides = array<i32>} : memref<128x64xf32, #tpu.memory_space<vmem>>, vector<16xf32>,
        tpu.vector_store %arg22[%swap3A_618, %swap3A_619], %get3A_617 {add = true, strides = array<i32>} : memref<128x64xf32, #tpu.memory_space<vmem>>, vector<16xf32>,
        %get3A_621 = arith.index_cast %scan3A_602 : i32 to index
        %get3A_622 = arith.constant 48 : index
        %get3A_623 = tpu.vector_load %arg26[%get3A_621, %get3A_622] {strides = array<i32>} : memref<128x64xf32, #tpu.memory_space<vmem>>, vector<16xf32>,
        %swap3A_624 = arith.index_cast %scan3A_602 : i32 to index
        %swap3A_625 = arith.constant 48 : index
        %swap3A_626 = tpu.vector_load %arg22[%swap3A_624, %swap3A_625] {strides = array<i32>} : memref<128x64xf32, #tpu.memory_space<vmem>>, vector<16xf32>,
        tpu.vector_store %arg22[%swap3A_624, %swap3A_625], %get3A_623 {add = true, strides = array<i32>} : memref<128x64xf32, #tpu.memory_space<vmem>>, vector<16xf32>,
        %scan3A_627 = arith.constant 5 : i32
        %scan3A_628 = arith.addi %scan3A_498, %scan3A_627 : i32
        %get3A_629 = arith.index_cast %scan3A_628 : i32 to index
        %get3A_630 = arith.constant 0 : index
        %get3A_631 = tpu.vector_load %arg26[%get3A_629, %get3A_630] {strides = array<i32>} : memref<128x64xf32, #tpu.memory_space<vmem>>, vector<16xf32>,
        %swap3A_632 = arith.index_cast %scan3A_628 : i32 to index
        %swap3A_633 = arith.constant 0 : index
        %swap3A_634 = tpu.vector_load %arg22[%swap3A_632, %swap3A_633] {strides = array<i32>} : memref<128x64xf32, #tpu.memory_space<vmem>>, vector<16xf32>,
        tpu.vector_store %arg22[%swap3A_632, %swap3A_633], %get3A_631 {add = true, strides = array<i32>} : memref<128x64xf32, #tpu.memory_space<vmem>>, vector<16xf32>,
        %get3A_635 = arith.index_cast %scan3A_628 : i32 to index
        %get3A_636 = arith.constant 16 : index
        %get3A_637 = tpu.vector_load %arg26[%get3A_635, %get3A_636] {strides = array<i32>} : memref<128x64xf32, #tpu.memory_space<vmem>>, vector<16xf32>,
        %swap3A_638 = arith.index_cast %scan3A_628 : i32 to index
        %swap3A_639 = arith.constant 16 : index
        %swap3A_640 = tpu.vector_load %arg22[%swap3A_638, %swap3A_639] {strides = array<i32>} : memref<128x64xf32, #tpu.memory_space<vmem>>, vector<16xf32>,
        tpu.vector_store %arg22[%swap3A_638, %swap3A_639], %get3A_637 {add = true, strides = array<i32>} : memref<128x64xf32, #tpu.memory_space<vmem>>, vector<16xf32>,
        %get3A_641 = arith.index_cast %scan3A_628 : i32 to index
        %get3A_642 = arith.constant 32 : index
        %get3A_643 = tpu.vector_load %arg26[%get3A_641, %get3A_642] {strides = array<i32>} : memref<128x64xf32, #tpu.memory_space<vmem>>, vector<16xf32>,
        %swap3A_644 = arith.index_cast %scan3A_628 : i32 to index
        %swap3A_645 = arith.constant 32 : index
        %swap3A_646 = tpu.vector_load %arg22[%swap3A_644, %swap3A_645] {strides = array<i32>} : memref<128x64xf32, #tpu.memory_space<vmem>>, vector<16xf32>,
        tpu.vector_store %arg22[%swap3A_644, %swap3A_645], %get3A_643 {add = true, strides = array<i32>} : memref<128x64xf32, #tpu.memory_space<vmem>>, vector<16xf32>,
        %get3A_647 = arith.index_cast %scan3A_628 : i32 to index
        %get3A_648 = arith.constant 48 : index
        %get3A_649 = tpu.vector_load %arg26[%get3A_647, %get3A_648] {strides = array<i32>} : memref<128x64xf32, #tpu.memory_space<vmem>>, vector<16xf32>,
        %swap3A_650 = arith.index_cast %scan3A_628 : i32 to index
        %swap3A_651 = arith.constant 48 : index
        %swap3A_652 = tpu.vector_load %arg22[%swap3A_650, %swap3A_651] {strides = array<i32>} : memref<128x64xf32, #tpu.memory_space<vmem>>, vector<16xf32>,
        tpu.vector_store %arg22[%swap3A_650, %swap3A_651], %get3A_649 {add = true, strides = array<i32>} : memref<128x64xf32, #tpu.memory_space<vmem>>, vector<16xf32>,
        %scan3A_653 = arith.constant 6 : i32
        %scan3A_654 = arith.addi %scan3A_498, %scan3A_653 : i32
        %get3A_655 = arith.index_cast %scan3A_654 : i32 to index
        %get3A_656 = arith.constant 0 : index
        %get3A_657 = tpu.vector_load %arg26[%get3A_655, %get3A_656] {strides = array<i32>} : memref<128x64xf32, #tpu.memory_space<vmem>>, vector<16xf32>,
        %swap3A_658 = arith.index_cast %scan3A_654 : i32 to index
        %swap3A_659 = arith.constant 0 : index
        %swap3A_660 = tpu.vector_load %arg22[%swap3A_658, %swap3A_659] {strides = array<i32>} : memref<128x64xf32, #tpu.memory_space<vmem>>, vector<16xf32>,
        tpu.vector_store %arg22[%swap3A_658, %swap3A_659], %get3A_657 {add = true, strides = array<i32>} : memref<128x64xf32, #tpu.memory_space<vmem>>, vector<16xf32>,
        %get3A_661 = arith.index_cast %scan3A_654 : i32 to index
        %get3A_662 = arith.constant 16 : index
        %get3A_663 = tpu.vector_load %arg26[%get3A_661, %get3A_662] {strides = array<i32>} : memref<128x64xf32, #tpu.memory_space<vmem>>, vector<16xf32>,
        %swap3A_664 = arith.index_cast %scan3A_654 : i32 to index
        %swap3A_665 = arith.constant 16 : index
        %swap3A_666 = tpu.vector_load %arg22[%swap3A_664, %swap3A_665] {strides = array<i32>} : memref<128x64xf32, #tpu.memory_space<vmem>>, vector<16xf32>,
        tpu.vector_store %arg22[%swap3A_664, %swap3A_665], %get3A_663 {add = true, strides = array<i32>} : memref<128x64xf32, #tpu.memory_space<vmem>>, vector<16xf32>,
        %get3A_667 = arith.index_cast %scan3A_654 : i32 to index
        %get3A_668 = arith.constant 32 : index
        %get3A_669 = tpu.vector_load %arg26[%get3A_667, %get3A_668] {strides = array<i32>} : memref<128x64xf32, #tpu.memory_space<vmem>>, vector<16xf32>,
        %swap3A_670 = arith.index_cast %scan3A_654 : i32 to index
        %swap3A_671 = arith.constant 32 : index
        %swap3A_672 = tpu.vector_load %arg22[%swap3A_670, %swap3A_671] {strides = array<i32>} : memref<128x64xf32, #tpu.memory_space<vmem>>, vector<16xf32>,
        tpu.vector_store %arg22[%swap3A_670, %swap3A_671], %get3A_669 {add = true, strides = array<i32>} : memref<128x64xf32, #tpu.memory_space<vmem>>, vector<16xf32>,
        %get3A_673 = arith.index_cast %scan3A_654 : i32 to index
        %get3A_674 = arith.constant 48 : index
        %get3A_675 = tpu.vector_load %arg26[%get3A_673, %get3A_674] {strides = array<i32>} : memref<128x64xf32, #tpu.memory_space<vmem>>, vector<16xf32>,
        %swap3A_676 = arith.index_cast %scan3A_654 : i32 to index
        %swap3A_677 = arith.constant 48 : index
        %swap3A_678 = tpu.vector_load %arg22[%swap3A_676, %swap3A_677] {strides = array<i32>} : memref<128x64xf32, #tpu.memory_space<vmem>>, vector<16xf32>,
        tpu.vector_store %arg22[%swap3A_676, %swap3A_677], %get3A_675 {add = true, strides = array<i32>} : memref<128x64xf32, #tpu.memory_space<vmem>>, vector<16xf32>,
        %scan3A_679 = arith.constant 7 : i32
        %scan3A_680 = arith.addi %scan3A_498, %scan3A_679 : i32
        %get3A_681 = arith.index_cast %scan3A_680 : i32 to index
        %get3A_682 = arith.constant 0 : index
        %get3A_683 = tpu.vector_load %arg26[%get3A_681, %get3A_682] {strides = array<i32>} : memref<128x64xf32, #tpu.memory_space<vmem>>, vector<16xf32>,
        %swap3A_684 = arith.index_cast %scan3A_680 : i32 to index
        %swap3A_685 = arith.constant 0 : index
        %swap3A_686 = tpu.vector_load %arg22[%swap3A_684, %swap3A_685] {strides = array<i32>} : memref<128x64xf32, #tpu.memory_space<vmem>>, vector<16xf32>,
        tpu.vector_store %arg22[%swap3A_684, %swap3A_685], %get3A_683 {add = true, strides = array<i32>} : memref<128x64xf32, #tpu.memory_space<vmem>>, vector<16xf32>,
        %get3A_687 = arith.index_cast %scan3A_680 : i32 to index
        %get3A_688 = arith.constant 16 : index
        %get3A_689 = tpu.vector_load %arg26[%get3A_687, %get3A_688] {strides = array<i32>} : memref<128x64xf32, #tpu.memory_space<vmem>>, vector<16xf32>,
        %swap3A_690 = arith.index_cast %scan3A_680 : i32 to index
        %swap3A_691 = arith.constant 16 : index
        %swap3A_692 = tpu.vector_load %arg22[%swap3A_690, %swap3A_691] {strides = array<i32>} : memref<128x64xf32, #tpu.memory_space<vmem>>, vector<16xf32>,
        tpu.vector_store %arg22[%swap3A_690, %swap3A_691], %get3A_689 {add = true, strides = array<i32>} : memref<128x64xf32, #tpu.memory_space<vmem>>, vector<16xf32>,
        %get3A_693 = arith.index_cast %scan3A_680 : i32 to index
        %get3A_694 = arith.constant 32 : index
        %get3A_695 = tpu.vector_load %arg26[%get3A_693, %get3A_694] {strides = array<i32>} : memref<128x64xf32, #tpu.memory_space<vmem>>, vector<16xf32>,
        %swap3A_696 = arith.index_cast %scan3A_680 : i32 to index
        %swap3A_697 = arith.constant 32 : index
        %swap3A_698 = tpu.vector_load %arg22[%swap3A_696, %swap3A_697] {strides = array<i32>} : memref<128x64xf32, #tpu.memory_space<vmem>>, vector<16xf32>,
        tpu.vector_store %arg22[%swap3A_696, %swap3A_697], %get3A_695 {add = true, strides = array<i32>} : memref<128x64xf32, #tpu.memory_space<vmem>>, vector<16xf32>,
        %get3A_699 = arith.index_cast %scan3A_680 : i32 to index
        %get3A_700 = arith.constant 48 : index
        %get3A_701 = tpu.vector_load %arg26[%get3A_699, %get3A_700] {strides = array<i32>} : memref<128x64xf32, #tpu.memory_space<vmem>>, vector<16xf32>,
        %swap3A_702 = arith.index_cast %scan3A_680 : i32 to index
        %swap3A_703 = arith.constant 48 : index
        %swap3A_704 = tpu.vector_load %arg22[%swap3A_702, %swap3A_703] {strides = array<i32>} : memref<128x64xf32, #tpu.memory_space<vmem>>, vector<16xf32>,
        tpu.vector_store %arg22[%swap3A_702, %swap3A_703], %get3A_701 {add = true, strides = array<i32>} : memref<128x64xf32, #tpu.memory_space<vmem>>, vector<16xf32>,
      }
      %scan3A_430 = arith.constant 128 : i32
      %mul3A_431 = arith.constant 128 : i32
      %mul3A_432 = arith.muli %add3A_411, %mul3A_431 : i32
      %add3A_433 = arith.addi %mul3A_4, %mul3A_432 : i32
      %dma_start3A_434 = arith.constant 0 : i32
      %dma_start3A_435 = tpu.memref_slice %arg8[%add3A_433, %dma_start3A_434] : memref<524288x64xf32, #tpu.memory_space<hbm>> -> memref<128x64xf32, #tpu.memory_space<hbm>>
      %dma_start3A_436 = arith.constant 0 : i32
      %dma_start3A_437 = tpu.memref_slice %arg8[%add3A_433, %dma_start3A_436] : memref<524288x64xf32, #tpu.memory_space<hbm>> -> memref<128x64xf32, #tpu.memory_space<hbm>>
      tpu.enqueue_dma source(%arg22 : memref<128x64xf32, #tpu.memory_space<vmem>>) target(%dma_start3A_437 : memref<128x64xf32, #tpu.memory_space<hbm>>) target_semaphore(%arg40 : memref<!tpu.dma_semaphore, #tpu.memory_space<semaphore_mem>>)
      %mul3A_438 = arith.constant 4 : i32
      %mul3A_439 = arith.muli %scan3A_378, %mul3A_438 : i32
      %add3A_440 = arith.constant 2 : i32
      %add3A_441 = arith.addi %mul3A_439, %add3A_440 : i32
      %add3A_442 = arith.constant 2 : i32
      %add3A_443 = arith.addi %add3A_441, %add3A_442 : i32
      %lt3A_444 = arith.constant 128 : i32
      %lt3A_445 = arith.cmpi slt, %add3A_443, %lt3A_444 : i32
      %convert_element_type3A_446 = arith.extui %lt3A_445 : i1 to i32
      %cond3A_447 = arith.constant 0 : i32
      %cond3A_448 = arith.cmpi ne, %convert_element_type3A_446, %cond3A_447 : i32
      scf.if %cond3A_448 {
        %ge3A = arith.constant 2 : i32
        %ge3A_498 = arith.cmpi sge, %add3A_441, %ge3A : i32
        %convert_element_type3A_499 = arith.extui %ge3A_498 : i1 to i32
        %cond3A_500 = arith.constant 0 : i32
        %cond3A_501 = arith.cmpi ne, %convert_element_type3A_499, %cond3A_500 : i32
        scf.if %cond3A_501 {
          %dma_wait3A_685 = arith.constant 0 : i32
          %dma_wait3A_686 = tpu.memref_slice %arg8[%mul3A_4, %dma_wait3A_685] : memref<524288x64xf32, #tpu.memory_space<hbm>> -> memref<128x64xf32, #tpu.memory_space<hbm>>
          %dma_wait3A_687 = arith.constant 0 : i32
          %dma_wait3A_688 = tpu.memref_slice %arg8[%mul3A_4, %dma_wait3A_687] : memref<524288x64xf32, #tpu.memory_space<hbm>> -> memref<128x64xf32, #tpu.memory_space<hbm>>
          tpu.wait_dma2 semaphore(%arg39 : memref<!tpu.dma_semaphore, #tpu.memory_space<semaphore_mem>>) src(%arg21 : memref<128x64xf32, #tpu.memory_space<vmem>>) dst(%dma_wait3A_688 : memref<128x64xf32, #tpu.memory_space<hbm>>)
        } else {
        }
        %add3A_502 = arith.constant 2 : i32
        %add3A_503 = arith.addi %add3A_441, %add3A_502 : i32
        %mul3A_504 = arith.constant 128 : i32
        %mul3A_505 = arith.muli %add3A_503, %mul3A_504 : i32
        %add3A_506 = arith.addi %mul3A_4, %mul3A_505 : i32
        %shift_right_arithmetic3A_507 = arith.constant 11 : i32
        %shift_right_arithmetic3A_508 = arith.shrsi %add3A_506, %shift_right_arithmetic3A_507 : i32
        %and3A_509 = arith.constant 2047 : i32
        %and3A_510 = arith.andi %add3A_506, %and3A_509 : i32
        %mul3A_511 = arith.constant 16 : i32
        %mul3A_512 = arith.muli %shift_right_arithmetic3A_508, %mul3A_511 : i32
        %get3A_513 = arith.index_cast %mul3A_512 : i32 to index
        %get3A_514 = tpu.vector_load %arg11[%get3A_513] {strides = array<i32>} : memref<4096xi32, #tpu.memory_space<vmem>>, vector<16xi32>,
        %mul3A_515 = arith.constant 16 : i32
        %mul3A_516 = arith.muli %shift_right_arithmetic3A_508, %mul3A_515 : i32
        %get3A_517 = arith.index_cast %mul3A_516 : i32 to index
        %get3A_518 = tpu.vector_load %arg12[%get3A_517] {strides = array<i32>} : memref<4096xi32, #tpu.memory_space<vmem>>, vector<16xi32>,
        %add3A_519 = arith.constant 0 : i32
        %add3A_520 = arith.addi %and3A_510, %add3A_519 : i32
        %get3A_521 = arith.index_cast %add3A_520 : i32 to index
        %get3A_522 = tpu.vector_load %arg9[%get3A_521] {strides = array<i32>} : memref<2048xi32, #tpu.memory_space<vmem>>, vector<16xi32>,
        %add3A_523 = arith.constant 0 : i32
        %add3A_524 = arith.addi %and3A_510, %add3A_523 : i32
        %get3A_525 = arith.index_cast %add3A_524 : i32 to index
        %get3A_526 = tpu.vector_load %arg10[%get3A_525] {strides = array<i32>} : memref<2048xi32, #tpu.memory_space<vmem>>, vector<16xi32>,
        %sub3A_527 = arith.subi %get3A_514, %get3A_522 : vector<16xi32>
        %max3A_528 = arith.constant 0 : i32
        %max3A_529 = vector.broadcast %max3A_528 : i32 to vector<16xi32>
        %max3A_530 = arith.maxsi %sub3A_527, %max3A_529 : vector<16xi32>
        %swap3A_531 = arith.constant 0 : index
        %swap3A_532 = tpu.vector_load %arg13[%swap3A_531] {strides = array<i32>} : memref<128xi32, #tpu.memory_space<vmem>>, vector<16xi32>,
        tpu.vector_store %arg13[%swap3A_531], %max3A_530 {strides = array<i32>} : memref<128xi32, #tpu.memory_space<vmem>>, vector<16xi32>,
        %sub3A_533 = arith.subi %get3A_518, %get3A_526 : vector<16xi32>
        %add3A_534 = arith.constant 2047 : i32
        %add3A_535 = vector.broadcast %add3A_534 : i32 to vector<16xi32>
        %add3A_536 = arith.addi %sub3A_533, %add3A_535 : vector<16xi32>
        %swap3A_537 = arith.constant 0 : index
        %swap3A_538 = tpu.vector_load %arg17[%swap3A_537] {strides = array<i32>} : memref<128xi32, #tpu.memory_space<vmem>>, vector<16xi32>,
        tpu.vector_store %arg17[%swap3A_537], %add3A_536 {strides = array<i32>} : memref<128xi32, #tpu.memory_space<vmem>>, vector<16xi32>,
        %add3A_539 = arith.constant 16 : i32
        %add3A_540 = arith.addi %and3A_510, %add3A_539 : i32
        %get3A_541 = arith.index_cast %add3A_540 : i32 to index
        %get3A_542 = tpu.vector_load %arg9[%get3A_541] {strides = array<i32>} : memref<2048xi32, #tpu.memory_space<vmem>>, vector<16xi32>,
        %add3A_543 = arith.constant 16 : i32
        %add3A_544 = arith.addi %and3A_510, %add3A_543 : i32
        %get3A_545 = arith.index_cast %add3A_544 : i32 to index
        %get3A_546 = tpu.vector_load %arg10[%get3A_545] {strides = array<i32>} : memref<2048xi32, #tpu.memory_space<vmem>>, vector<16xi32>,
        %sub3A_547 = arith.subi %get3A_514, %get3A_542 : vector<16xi32>
        %max3A_548 = arith.constant 0 : i32
        %max3A_549 = vector.broadcast %max3A_548 : i32 to vector<16xi32>
        %max3A_550 = arith.maxsi %sub3A_547, %max3A_549 : vector<16xi32>
        %swap3A_551 = arith.constant 16 : index
        %swap3A_552 = tpu.vector_load %arg13[%swap3A_551] {strides = array<i32>} : memref<128xi32, #tpu.memory_space<vmem>>, vector<16xi32>,
        tpu.vector_store %arg13[%swap3A_551], %max3A_550 {strides = array<i32>} : memref<128xi32, #tpu.memory_space<vmem>>, vector<16xi32>,
        %sub3A_553 = arith.subi %get3A_518, %get3A_546 : vector<16xi32>
        %add3A_554 = arith.constant 2047 : i32
        %add3A_555 = vector.broadcast %add3A_554 : i32 to vector<16xi32>
        %add3A_556 = arith.addi %sub3A_553, %add3A_555 : vector<16xi32>
        %swap3A_557 = arith.constant 16 : index
        %swap3A_558 = tpu.vector_load %arg17[%swap3A_557] {strides = array<i32>} : memref<128xi32, #tpu.memory_space<vmem>>, vector<16xi32>,
        tpu.vector_store %arg17[%swap3A_557], %add3A_556 {strides = array<i32>} : memref<128xi32, #tpu.memory_space<vmem>>, vector<16xi32>,
        %add3A_559 = arith.constant 32 : i32
        %add3A_560 = arith.addi %and3A_510, %add3A_559 : i32
        %get3A_561 = arith.index_cast %add3A_560 : i32 to index
        %get3A_562 = tpu.vector_load %arg9[%get3A_561] {strides = array<i32>} : memref<2048xi32, #tpu.memory_space<vmem>>, vector<16xi32>,
        %add3A_563 = arith.constant 32 : i32
        %add3A_564 = arith.addi %and3A_510, %add3A_563 : i32
        %get3A_565 = arith.index_cast %add3A_564 : i32 to index
        %get3A_566 = tpu.vector_load %arg10[%get3A_565] {strides = array<i32>} : memref<2048xi32, #tpu.memory_space<vmem>>, vector<16xi32>,
        %sub3A_567 = arith.subi %get3A_514, %get3A_562 : vector<16xi32>
        %max3A_568 = arith.constant 0 : i32
        %max3A_569 = vector.broadcast %max3A_568 : i32 to vector<16xi32>
        %max3A_570 = arith.maxsi %sub3A_567, %max3A_569 : vector<16xi32>
        %swap3A_571 = arith.constant 32 : index
        %swap3A_572 = tpu.vector_load %arg13[%swap3A_571] {strides = array<i32>} : memref<128xi32, #tpu.memory_space<vmem>>, vector<16xi32>,
        tpu.vector_store %arg13[%swap3A_571], %max3A_570 {strides = array<i32>} : memref<128xi32, #tpu.memory_space<vmem>>, vector<16xi32>,
        %sub3A_573 = arith.subi %get3A_518, %get3A_566 : vector<16xi32>
        %add3A_574 = arith.constant 2047 : i32
        %add3A_575 = vector.broadcast %add3A_574 : i32 to vector<16xi32>
        %add3A_576 = arith.addi %sub3A_573, %add3A_575 : vector<16xi32>
        %swap3A_577 = arith.constant 32 : index
        %swap3A_578 = tpu.vector_load %arg17[%swap3A_577] {strides = array<i32>} : memref<128xi32, #tpu.memory_space<vmem>>, vector<16xi32>,
        tpu.vector_store %arg17[%swap3A_577], %add3A_576 {strides = array<i32>} : memref<128xi32, #tpu.memory_space<vmem>>, vector<16xi32>,
        %add3A_579 = arith.constant 48 : i32
        %add3A_580 = arith.addi %and3A_510, %add3A_579 : i32
        %get3A_581 = arith.index_cast %add3A_580 : i32 to index
        %get3A_582 = tpu.vector_load %arg9[%get3A_581] {strides = array<i32>} : memref<2048xi32, #tpu.memory_space<vmem>>, vector<16xi32>,
        %add3A_583 = arith.constant 48 : i32
        %add3A_584 = arith.addi %and3A_510, %add3A_583 : i32
        %get3A_585 = arith.index_cast %add3A_584 : i32 to index
        %get3A_586 = tpu.vector_load %arg10[%get3A_585] {strides = array<i32>} : memref<2048xi32, #tpu.memory_space<vmem>>, vector<16xi32>,
        %sub3A_587 = arith.subi %get3A_514, %get3A_582 : vector<16xi32>
        %max3A_588 = arith.constant 0 : i32
        %max3A_589 = vector.broadcast %max3A_588 : i32 to vector<16xi32>
        %max3A_590 = arith.maxsi %sub3A_587, %max3A_589 : vector<16xi32>
        %swap3A_591 = arith.constant 48 : index
        %swap3A_592 = tpu.vector_load %arg13[%swap3A_591] {strides = array<i32>} : memref<128xi32, #tpu.memory_space<vmem>>, vector<16xi32>,
        tpu.vector_store %arg13[%swap3A_591], %max3A_590 {strides = array<i32>} : memref<128xi32, #tpu.memory_space<vmem>>, vector<16xi32>,
        %sub3A_593 = arith.subi %get3A_518, %get3A_586 : vector<16xi32>
        %add3A_594 = arith.constant 2047 : i32
        %add3A_595 = vector.broadcast %add3A_594 : i32 to vector<16xi32>
        %add3A_596 = arith.addi %sub3A_593, %add3A_595 : vector<16xi32>
        %swap3A_597 = arith.constant 48 : index
        %swap3A_598 = tpu.vector_load %arg17[%swap3A_597] {strides = array<i32>} : memref<128xi32, #tpu.memory_space<vmem>>, vector<16xi32>,
        tpu.vector_store %arg17[%swap3A_597], %add3A_596 {strides = array<i32>} : memref<128xi32, #tpu.memory_space<vmem>>, vector<16xi32>,
        %add3A_599 = arith.constant 64 : i32
        %add3A_600 = arith.addi %and3A_510, %add3A_599 : i32
        %get3A_601 = arith.index_cast %add3A_600 : i32 to index
        %get3A_602 = tpu.vector_load %arg9[%get3A_601] {strides = array<i32>} : memref<2048xi32, #tpu.memory_space<vmem>>, vector<16xi32>,
        %add3A_603 = arith.constant 64 : i32
        %add3A_604 = arith.addi %and3A_510, %add3A_603 : i32
        %get3A_605 = arith.index_cast %add3A_604 : i32 to index
        %get3A_606 = tpu.vector_load %arg10[%get3A_605] {strides = array<i32>} : memref<2048xi32, #tpu.memory_space<vmem>>, vector<16xi32>,
        %sub3A_607 = arith.subi %get3A_514, %get3A_602 : vector<16xi32>
        %max3A_608 = arith.constant 0 : i32
        %max3A_609 = vector.broadcast %max3A_608 : i32 to vector<16xi32>
        %max3A_610 = arith.maxsi %sub3A_607, %max3A_609 : vector<16xi32>
        %swap3A_611 = arith.constant 64 : index
        %swap3A_612 = tpu.vector_load %arg13[%swap3A_611] {strides = array<i32>} : memref<128xi32, #tpu.memory_space<vmem>>, vector<16xi32>,
        tpu.vector_store %arg13[%swap3A_611], %max3A_610 {strides = array<i32>} : memref<128xi32, #tpu.memory_space<vmem>>, vector<16xi32>,
        %sub3A_613 = arith.subi %get3A_518, %get3A_606 : vector<16xi32>
        %add3A_614 = arith.constant 2047 : i32
        %add3A_615 = vector.broadcast %add3A_614 : i32 to vector<16xi32>
        %add3A_616 = arith.addi %sub3A_613, %add3A_615 : vector<16xi32>
        %swap3A_617 = arith.constant 64 : index
        %swap3A_618 = tpu.vector_load %arg17[%swap3A_617] {strides = array<i32>} : memref<128xi32, #tpu.memory_space<vmem>>, vector<16xi32>,
        tpu.vector_store %arg17[%swap3A_617], %add3A_616 {strides = array<i32>} : memref<128xi32, #tpu.memory_space<vmem>>, vector<16xi32>,
        %add3A_619 = arith.constant 80 : i32
        %add3A_620 = arith.addi %and3A_510, %add3A_619 : i32
        %get3A_621 = arith.index_cast %add3A_620 : i32 to index
        %get3A_622 = tpu.vector_load %arg9[%get3A_621] {strides = array<i32>} : memref<2048xi32, #tpu.memory_space<vmem>>, vector<16xi32>,
        %add3A_623 = arith.constant 80 : i32
        %add3A_624 = arith.addi %and3A_510, %add3A_623 : i32
        %get3A_625 = arith.index_cast %add3A_624 : i32 to index
        %get3A_626 = tpu.vector_load %arg10[%get3A_625] {strides = array<i32>} : memref<2048xi32, #tpu.memory_space<vmem>>, vector<16xi32>,
        %sub3A_627 = arith.subi %get3A_514, %get3A_622 : vector<16xi32>
        %max3A_628 = arith.constant 0 : i32
        %max3A_629 = vector.broadcast %max3A_628 : i32 to vector<16xi32>
        %max3A_630 = arith.maxsi %sub3A_627, %max3A_629 : vector<16xi32>
        %swap3A_631 = arith.constant 80 : index
        %swap3A_632 = tpu.vector_load %arg13[%swap3A_631] {strides = array<i32>} : memref<128xi32, #tpu.memory_space<vmem>>, vector<16xi32>,
        tpu.vector_store %arg13[%swap3A_631], %max3A_630 {strides = array<i32>} : memref<128xi32, #tpu.memory_space<vmem>>, vector<16xi32>,
        %sub3A_633 = arith.subi %get3A_518, %get3A_626 : vector<16xi32>
        %add3A_634 = arith.constant 2047 : i32
        %add3A_635 = vector.broadcast %add3A_634 : i32 to vector<16xi32>
        %add3A_636 = arith.addi %sub3A_633, %add3A_635 : vector<16xi32>
        %swap3A_637 = arith.constant 80 : index
        %swap3A_638 = tpu.vector_load %arg17[%swap3A_637] {strides = array<i32>} : memref<128xi32, #tpu.memory_space<vmem>>, vector<16xi32>,
        tpu.vector_store %arg17[%swap3A_637], %add3A_636 {strides = array<i32>} : memref<128xi32, #tpu.memory_space<vmem>>, vector<16xi32>,
        %add3A_639 = arith.constant 96 : i32
        %add3A_640 = arith.addi %and3A_510, %add3A_639 : i32
        %get3A_641 = arith.index_cast %add3A_640 : i32 to index
        %get3A_642 = tpu.vector_load %arg9[%get3A_641] {strides = array<i32>} : memref<2048xi32, #tpu.memory_space<vmem>>, vector<16xi32>,
        %add3A_643 = arith.constant 96 : i32
        %add3A_644 = arith.addi %and3A_510, %add3A_643 : i32
        %get3A_645 = arith.index_cast %add3A_644 : i32 to index
        %get3A_646 = tpu.vector_load %arg10[%get3A_645] {strides = array<i32>} : memref<2048xi32, #tpu.memory_space<vmem>>, vector<16xi32>,
        %sub3A_647 = arith.subi %get3A_514, %get3A_642 : vector<16xi32>
        %max3A_648 = arith.constant 0 : i32
        %max3A_649 = vector.broadcast %max3A_648 : i32 to vector<16xi32>
        %max3A_650 = arith.maxsi %sub3A_647, %max3A_649 : vector<16xi32>
        %swap3A_651 = arith.constant 96 : index
        %swap3A_652 = tpu.vector_load %arg13[%swap3A_651] {strides = array<i32>} : memref<128xi32, #tpu.memory_space<vmem>>, vector<16xi32>,
        tpu.vector_store %arg13[%swap3A_651], %max3A_650 {strides = array<i32>} : memref<128xi32, #tpu.memory_space<vmem>>, vector<16xi32>,
        %sub3A_653 = arith.subi %get3A_518, %get3A_646 : vector<16xi32>
        %add3A_654 = arith.constant 2047 : i32
        %add3A_655 = vector.broadcast %add3A_654 : i32 to vector<16xi32>
        %add3A_656 = arith.addi %sub3A_653, %add3A_655 : vector<16xi32>
        %swap3A_657 = arith.constant 96 : index
        %swap3A_658 = tpu.vector_load %arg17[%swap3A_657] {strides = array<i32>} : memref<128xi32, #tpu.memory_space<vmem>>, vector<16xi32>,
        tpu.vector_store %arg17[%swap3A_657], %add3A_656 {strides = array<i32>} : memref<128xi32, #tpu.memory_space<vmem>>, vector<16xi32>,
        %add3A_659 = arith.constant 112 : i32
        %add3A_660 = arith.addi %and3A_510, %add3A_659 : i32
        %get3A_661 = arith.index_cast %add3A_660 : i32 to index
        %get3A_662 = tpu.vector_load %arg9[%get3A_661] {strides = array<i32>} : memref<2048xi32, #tpu.memory_space<vmem>>, vector<16xi32>,
        %add3A_663 = arith.constant 112 : i32
        %add3A_664 = arith.addi %and3A_510, %add3A_663 : i32
        %get3A_665 = arith.index_cast %add3A_664 : i32 to index
        %get3A_666 = tpu.vector_load %arg10[%get3A_665] {strides = array<i32>} : memref<2048xi32, #tpu.memory_space<vmem>>, vector<16xi32>,
        %sub3A_667 = arith.subi %get3A_514, %get3A_662 : vector<16xi32>
        %max3A_668 = arith.constant 0 : i32
        %max3A_669 = vector.broadcast %max3A_668 : i32 to vector<16xi32>
        %max3A_670 = arith.maxsi %sub3A_667, %max3A_669 : vector<16xi32>
        %swap3A_671 = arith.constant 112 : index
        %swap3A_672 = tpu.vector_load %arg13[%swap3A_671] {strides = array<i32>} : memref<128xi32, #tpu.memory_space<vmem>>, vector<16xi32>,
        tpu.vector_store %arg13[%swap3A_671], %max3A_670 {strides = array<i32>} : memref<128xi32, #tpu.memory_space<vmem>>, vector<16xi32>,
        %sub3A_673 = arith.subi %get3A_518, %get3A_666 : vector<16xi32>
        %add3A_674 = arith.constant 2047 : i32
        %add3A_675 = vector.broadcast %add3A_674 : i32 to vector<16xi32>
        %add3A_676 = arith.addi %sub3A_673, %add3A_675 : vector<16xi32>
        %swap3A_677 = arith.constant 112 : index
        %swap3A_678 = tpu.vector_load %arg17[%swap3A_677] {strides = array<i32>} : memref<128xi32, #tpu.memory_space<vmem>>, vector<16xi32>,
        tpu.vector_store %arg17[%swap3A_677], %add3A_676 {strides = array<i32>} : memref<128xi32, #tpu.memory_space<vmem>>, vector<16xi32>,
        %dma_start3A_679 = arith.constant 0 : i32
        %dma_start3A_680 = arith.constant 0 : i32
        %dma_start3A_681 = tpu.memref_slice %arg29[%dma_start3A_679, %dma_start3A_680] : memref<2048x64xf32, #tpu.memory_space<vmem_shared>> -> memref<2048x64xf32, #tpu.memory_space<vmem_shared>>
        tpu.enqueue_indirect_dma source(%dma_start3A_681 : memref<2048x64xf32, #tpu.memory_space<vmem_shared>>) target(%arg21 : memref<128x64xf32, #tpu.memory_space<vmem>>) offsets(%arg13 : memref<128xi32, #tpu.memory_space<vmem>>) semaphore(%arg31 : memref<!tpu.dma_semaphore, #tpu.memory_space<semaphore_mem>>)
        %dma_start3A_682 = arith.constant 0 : i32
        %dma_start3A_683 = arith.constant 0 : i32
        %dma_start3A_684 = tpu.memref_slice %arg30[%dma_start3A_682, %dma_start3A_683] : memref<4095x64xf32, #tpu.memory_space<vmem_shared>> -> memref<4095x64xf32, #tpu.memory_space<vmem_shared>>
        tpu.enqueue_indirect_dma source(%dma_start3A_684 : memref<4095x64xf32, #tpu.memory_space<vmem_shared>>) target(%arg25 : memref<128x64xf32, #tpu.memory_space<vmem>>) offsets(%arg17 : memref<128xi32, #tpu.memory_space<vmem>>) semaphore(%arg35 : memref<!tpu.dma_semaphore, #tpu.memory_space<semaphore_mem>>)
      } else {
      }
      %dma_wait3A_449 = arith.constant 0 : i32
      %dma_wait3A_450 = arith.constant 0 : i32
      %dma_wait3A_451 = tpu.memref_slice %arg29[%dma_wait3A_449, %dma_wait3A_450] : memref<2048x64xf32, #tpu.memory_space<vmem_shared>> -> memref<2048x64xf32, #tpu.memory_space<vmem_shared>>
      tpu.wait_indirect_dma semaphore(%arg33 : memref<!tpu.dma_semaphore, #tpu.memory_space<semaphore_mem>>) src(%dma_wait3A_451 : memref<2048x64xf32, #tpu.memory_space<vmem_shared>>) dst(%arg23 : memref<128x64xf32, #tpu.memory_space<vmem>>)
      %dma_wait3A_452 = arith.constant 0 : i32
      %dma_wait3A_453 = arith.constant 0 : i32
      %dma_wait3A_454 = tpu.memref_slice %arg30[%dma_wait3A_452, %dma_wait3A_453] : memref<4095x64xf32, #tpu.memory_space<vmem_shared>> -> memref<4095x64xf32, #tpu.memory_space<vmem_shared>>
      tpu.wait_indirect_dma semaphore(%arg37 : memref<!tpu.dma_semaphore, #tpu.memory_space<semaphore_mem>>) src(%dma_wait3A_454 : memref<4095x64xf32, #tpu.memory_space<vmem_shared>>) dst(%arg27 : memref<128x64xf32, #tpu.memory_space<vmem>>)
      %scan3A_455 = arith.constant 0 : i32
      %scan3A_456 = arith.constant 0 : i32
      %scan3A_457 = arith.constant 128 : i32
      %scan3A_458 = arith.addi %scan3A_456, %scan3A_457 : i32
      %scan3A_459 = arith.constant 8 : i32
      scf.for %scan3A_498 = %scan3A_456 to %scan3A_458 step %scan3A_459  : i32 {
        %get3A_499 = arith.index_cast %scan3A_498 : i32 to index
        %get3A_500 = arith.constant 0 : index
        %get3A_501 = tpu.vector_load %arg27[%get3A_499, %get3A_500] {strides = array<i32>} : memref<128x64xf32, #tpu.memory_space<vmem>>, vector<16xf32>,
        %swap3A_502 = arith.index_cast %scan3A_498 : i32 to index
        %swap3A_503 = arith.constant 0 : index
        %swap3A_504 = tpu.vector_load %arg23[%swap3A_502, %swap3A_503] {strides = array<i32>} : memref<128x64xf32, #tpu.memory_space<vmem>>, vector<16xf32>,
        tpu.vector_store %arg23[%swap3A_502, %swap3A_503], %get3A_501 {add = true, strides = array<i32>} : memref<128x64xf32, #tpu.memory_space<vmem>>, vector<16xf32>,
        %get3A_505 = arith.index_cast %scan3A_498 : i32 to index
        %get3A_506 = arith.constant 16 : index
        %get3A_507 = tpu.vector_load %arg27[%get3A_505, %get3A_506] {strides = array<i32>} : memref<128x64xf32, #tpu.memory_space<vmem>>, vector<16xf32>,
        %swap3A_508 = arith.index_cast %scan3A_498 : i32 to index
        %swap3A_509 = arith.constant 16 : index
        %swap3A_510 = tpu.vector_load %arg23[%swap3A_508, %swap3A_509] {strides = array<i32>} : memref<128x64xf32, #tpu.memory_space<vmem>>, vector<16xf32>,
        tpu.vector_store %arg23[%swap3A_508, %swap3A_509], %get3A_507 {add = true, strides = array<i32>} : memref<128x64xf32, #tpu.memory_space<vmem>>, vector<16xf32>,
        %get3A_511 = arith.index_cast %scan3A_498 : i32 to index
        %get3A_512 = arith.constant 32 : index
        %get3A_513 = tpu.vector_load %arg27[%get3A_511, %get3A_512] {strides = array<i32>} : memref<128x64xf32, #tpu.memory_space<vmem>>, vector<16xf32>,
        %swap3A_514 = arith.index_cast %scan3A_498 : i32 to index
        %swap3A_515 = arith.constant 32 : index
        %swap3A_516 = tpu.vector_load %arg23[%swap3A_514, %swap3A_515] {strides = array<i32>} : memref<128x64xf32, #tpu.memory_space<vmem>>, vector<16xf32>,
        tpu.vector_store %arg23[%swap3A_514, %swap3A_515], %get3A_513 {add = true, strides = array<i32>} : memref<128x64xf32, #tpu.memory_space<vmem>>, vector<16xf32>,
        %get3A_517 = arith.index_cast %scan3A_498 : i32 to index
        %get3A_518 = arith.constant 48 : index
        %get3A_519 = tpu.vector_load %arg27[%get3A_517, %get3A_518] {strides = array<i32>} : memref<128x64xf32, #tpu.memory_space<vmem>>, vector<16xf32>,
        %swap3A_520 = arith.index_cast %scan3A_498 : i32 to index
        %swap3A_521 = arith.constant 48 : index
        %swap3A_522 = tpu.vector_load %arg23[%swap3A_520, %swap3A_521] {strides = array<i32>} : memref<128x64xf32, #tpu.memory_space<vmem>>, vector<16xf32>,
        tpu.vector_store %arg23[%swap3A_520, %swap3A_521], %get3A_519 {add = true, strides = array<i32>} : memref<128x64xf32, #tpu.memory_space<vmem>>, vector<16xf32>,
        %scan3A_523 = arith.constant 1 : i32
        %scan3A_524 = arith.addi %scan3A_498, %scan3A_523 : i32
        %get3A_525 = arith.index_cast %scan3A_524 : i32 to index
        %get3A_526 = arith.constant 0 : index
        %get3A_527 = tpu.vector_load %arg27[%get3A_525, %get3A_526] {strides = array<i32>} : memref<128x64xf32, #tpu.memory_space<vmem>>, vector<16xf32>,
        %swap3A_528 = arith.index_cast %scan3A_524 : i32 to index
        %swap3A_529 = arith.constant 0 : index
        %swap3A_530 = tpu.vector_load %arg23[%swap3A_528, %swap3A_529] {strides = array<i32>} : memref<128x64xf32, #tpu.memory_space<vmem>>, vector<16xf32>,
        tpu.vector_store %arg23[%swap3A_528, %swap3A_529], %get3A_527 {add = true, strides = array<i32>} : memref<128x64xf32, #tpu.memory_space<vmem>>, vector<16xf32>,
        %get3A_531 = arith.index_cast %scan3A_524 : i32 to index
        %get3A_532 = arith.constant 16 : index
        %get3A_533 = tpu.vector_load %arg27[%get3A_531, %get3A_532] {strides = array<i32>} : memref<128x64xf32, #tpu.memory_space<vmem>>, vector<16xf32>,
        %swap3A_534 = arith.index_cast %scan3A_524 : i32 to index
        %swap3A_535 = arith.constant 16 : index
        %swap3A_536 = tpu.vector_load %arg23[%swap3A_534, %swap3A_535] {strides = array<i32>} : memref<128x64xf32, #tpu.memory_space<vmem>>, vector<16xf32>,
        tpu.vector_store %arg23[%swap3A_534, %swap3A_535], %get3A_533 {add = true, strides = array<i32>} : memref<128x64xf32, #tpu.memory_space<vmem>>, vector<16xf32>,
        %get3A_537 = arith.index_cast %scan3A_524 : i32 to index
        %get3A_538 = arith.constant 32 : index
        %get3A_539 = tpu.vector_load %arg27[%get3A_537, %get3A_538] {strides = array<i32>} : memref<128x64xf32, #tpu.memory_space<vmem>>, vector<16xf32>,
        %swap3A_540 = arith.index_cast %scan3A_524 : i32 to index
        %swap3A_541 = arith.constant 32 : index
        %swap3A_542 = tpu.vector_load %arg23[%swap3A_540, %swap3A_541] {strides = array<i32>} : memref<128x64xf32, #tpu.memory_space<vmem>>, vector<16xf32>,
        tpu.vector_store %arg23[%swap3A_540, %swap3A_541], %get3A_539 {add = true, strides = array<i32>} : memref<128x64xf32, #tpu.memory_space<vmem>>, vector<16xf32>,
        %get3A_543 = arith.index_cast %scan3A_524 : i32 to index
        %get3A_544 = arith.constant 48 : index
        %get3A_545 = tpu.vector_load %arg27[%get3A_543, %get3A_544] {strides = array<i32>} : memref<128x64xf32, #tpu.memory_space<vmem>>, vector<16xf32>,
        %swap3A_546 = arith.index_cast %scan3A_524 : i32 to index
        %swap3A_547 = arith.constant 48 : index
        %swap3A_548 = tpu.vector_load %arg23[%swap3A_546, %swap3A_547] {strides = array<i32>} : memref<128x64xf32, #tpu.memory_space<vmem>>, vector<16xf32>,
        tpu.vector_store %arg23[%swap3A_546, %swap3A_547], %get3A_545 {add = true, strides = array<i32>} : memref<128x64xf32, #tpu.memory_space<vmem>>, vector<16xf32>,
        %scan3A_549 = arith.constant 2 : i32
        %scan3A_550 = arith.addi %scan3A_498, %scan3A_549 : i32
        %get3A_551 = arith.index_cast %scan3A_550 : i32 to index
        %get3A_552 = arith.constant 0 : index
        %get3A_553 = tpu.vector_load %arg27[%get3A_551, %get3A_552] {strides = array<i32>} : memref<128x64xf32, #tpu.memory_space<vmem>>, vector<16xf32>,
        %swap3A_554 = arith.index_cast %scan3A_550 : i32 to index
        %swap3A_555 = arith.constant 0 : index
        %swap3A_556 = tpu.vector_load %arg23[%swap3A_554, %swap3A_555] {strides = array<i32>} : memref<128x64xf32, #tpu.memory_space<vmem>>, vector<16xf32>,
        tpu.vector_store %arg23[%swap3A_554, %swap3A_555], %get3A_553 {add = true, strides = array<i32>} : memref<128x64xf32, #tpu.memory_space<vmem>>, vector<16xf32>,
        %get3A_557 = arith.index_cast %scan3A_550 : i32 to index
        %get3A_558 = arith.constant 16 : index
        %get3A_559 = tpu.vector_load %arg27[%get3A_557, %get3A_558] {strides = array<i32>} : memref<128x64xf32, #tpu.memory_space<vmem>>, vector<16xf32>,
        %swap3A_560 = arith.index_cast %scan3A_550 : i32 to index
        %swap3A_561 = arith.constant 16 : index
        %swap3A_562 = tpu.vector_load %arg23[%swap3A_560, %swap3A_561] {strides = array<i32>} : memref<128x64xf32, #tpu.memory_space<vmem>>, vector<16xf32>,
        tpu.vector_store %arg23[%swap3A_560, %swap3A_561], %get3A_559 {add = true, strides = array<i32>} : memref<128x64xf32, #tpu.memory_space<vmem>>, vector<16xf32>,
        %get3A_563 = arith.index_cast %scan3A_550 : i32 to index
        %get3A_564 = arith.constant 32 : index
        %get3A_565 = tpu.vector_load %arg27[%get3A_563, %get3A_564] {strides = array<i32>} : memref<128x64xf32, #tpu.memory_space<vmem>>, vector<16xf32>,
        %swap3A_566 = arith.index_cast %scan3A_550 : i32 to index
        %swap3A_567 = arith.constant 32 : index
        %swap3A_568 = tpu.vector_load %arg23[%swap3A_566, %swap3A_567] {strides = array<i32>} : memref<128x64xf32, #tpu.memory_space<vmem>>, vector<16xf32>,
        tpu.vector_store %arg23[%swap3A_566, %swap3A_567], %get3A_565 {add = true, strides = array<i32>} : memref<128x64xf32, #tpu.memory_space<vmem>>, vector<16xf32>,
        %get3A_569 = arith.index_cast %scan3A_550 : i32 to index
        %get3A_570 = arith.constant 48 : index
        %get3A_571 = tpu.vector_load %arg27[%get3A_569, %get3A_570] {strides = array<i32>} : memref<128x64xf32, #tpu.memory_space<vmem>>, vector<16xf32>,
        %swap3A_572 = arith.index_cast %scan3A_550 : i32 to index
        %swap3A_573 = arith.constant 48 : index
        %swap3A_574 = tpu.vector_load %arg23[%swap3A_572, %swap3A_573] {strides = array<i32>} : memref<128x64xf32, #tpu.memory_space<vmem>>, vector<16xf32>,
        tpu.vector_store %arg23[%swap3A_572, %swap3A_573], %get3A_571 {add = true, strides = array<i32>} : memref<128x64xf32, #tpu.memory_space<vmem>>, vector<16xf32>,
        %scan3A_575 = arith.constant 3 : i32
        %scan3A_576 = arith.addi %scan3A_498, %scan3A_575 : i32
        %get3A_577 = arith.index_cast %scan3A_576 : i32 to index
        %get3A_578 = arith.constant 0 : index
        %get3A_579 = tpu.vector_load %arg27[%get3A_577, %get3A_578] {strides = array<i32>} : memref<128x64xf32, #tpu.memory_space<vmem>>, vector<16xf32>,
        %swap3A_580 = arith.index_cast %scan3A_576 : i32 to index
        %swap3A_581 = arith.constant 0 : index
        %swap3A_582 = tpu.vector_load %arg23[%swap3A_580, %swap3A_581] {strides = array<i32>} : memref<128x64xf32, #tpu.memory_space<vmem>>, vector<16xf32>,
        tpu.vector_store %arg23[%swap3A_580, %swap3A_581], %get3A_579 {add = true, strides = array<i32>} : memref<128x64xf32, #tpu.memory_space<vmem>>, vector<16xf32>,
        %get3A_583 = arith.index_cast %scan3A_576 : i32 to index
        %get3A_584 = arith.constant 16 : index
        %get3A_585 = tpu.vector_load %arg27[%get3A_583, %get3A_584] {strides = array<i32>} : memref<128x64xf32, #tpu.memory_space<vmem>>, vector<16xf32>,
        %swap3A_586 = arith.index_cast %scan3A_576 : i32 to index
        %swap3A_587 = arith.constant 16 : index
        %swap3A_588 = tpu.vector_load %arg23[%swap3A_586, %swap3A_587] {strides = array<i32>} : memref<128x64xf32, #tpu.memory_space<vmem>>, vector<16xf32>,
        tpu.vector_store %arg23[%swap3A_586, %swap3A_587], %get3A_585 {add = true, strides = array<i32>} : memref<128x64xf32, #tpu.memory_space<vmem>>, vector<16xf32>,
        %get3A_589 = arith.index_cast %scan3A_576 : i32 to index
        %get3A_590 = arith.constant 32 : index
        %get3A_591 = tpu.vector_load %arg27[%get3A_589, %get3A_590] {strides = array<i32>} : memref<128x64xf32, #tpu.memory_space<vmem>>, vector<16xf32>,
        %swap3A_592 = arith.index_cast %scan3A_576 : i32 to index
        %swap3A_593 = arith.constant 32 : index
        %swap3A_594 = tpu.vector_load %arg23[%swap3A_592, %swap3A_593] {strides = array<i32>} : memref<128x64xf32, #tpu.memory_space<vmem>>, vector<16xf32>,
        tpu.vector_store %arg23[%swap3A_592, %swap3A_593], %get3A_591 {add = true, strides = array<i32>} : memref<128x64xf32, #tpu.memory_space<vmem>>, vector<16xf32>,
        %get3A_595 = arith.index_cast %scan3A_576 : i32 to index
        %get3A_596 = arith.constant 48 : index
        %get3A_597 = tpu.vector_load %arg27[%get3A_595, %get3A_596] {strides = array<i32>} : memref<128x64xf32, #tpu.memory_space<vmem>>, vector<16xf32>,
        %swap3A_598 = arith.index_cast %scan3A_576 : i32 to index
        %swap3A_599 = arith.constant 48 : index
        %swap3A_600 = tpu.vector_load %arg23[%swap3A_598, %swap3A_599] {strides = array<i32>} : memref<128x64xf32, #tpu.memory_space<vmem>>, vector<16xf32>,
        tpu.vector_store %arg23[%swap3A_598, %swap3A_599], %get3A_597 {add = true, strides = array<i32>} : memref<128x64xf32, #tpu.memory_space<vmem>>, vector<16xf32>,
        %scan3A_601 = arith.constant 4 : i32
        %scan3A_602 = arith.addi %scan3A_498, %scan3A_601 : i32
        %get3A_603 = arith.index_cast %scan3A_602 : i32 to index
        %get3A_604 = arith.constant 0 : index
        %get3A_605 = tpu.vector_load %arg27[%get3A_603, %get3A_604] {strides = array<i32>} : memref<128x64xf32, #tpu.memory_space<vmem>>, vector<16xf32>,
        %swap3A_606 = arith.index_cast %scan3A_602 : i32 to index
        %swap3A_607 = arith.constant 0 : index
        %swap3A_608 = tpu.vector_load %arg23[%swap3A_606, %swap3A_607] {strides = array<i32>} : memref<128x64xf32, #tpu.memory_space<vmem>>, vector<16xf32>,
        tpu.vector_store %arg23[%swap3A_606, %swap3A_607], %get3A_605 {add = true, strides = array<i32>} : memref<128x64xf32, #tpu.memory_space<vmem>>, vector<16xf32>,
        %get3A_609 = arith.index_cast %scan3A_602 : i32 to index
        %get3A_610 = arith.constant 16 : index
        %get3A_611 = tpu.vector_load %arg27[%get3A_609, %get3A_610] {strides = array<i32>} : memref<128x64xf32, #tpu.memory_space<vmem>>, vector<16xf32>,
        %swap3A_612 = arith.index_cast %scan3A_602 : i32 to index
        %swap3A_613 = arith.constant 16 : index
        %swap3A_614 = tpu.vector_load %arg23[%swap3A_612, %swap3A_613] {strides = array<i32>} : memref<128x64xf32, #tpu.memory_space<vmem>>, vector<16xf32>,
        tpu.vector_store %arg23[%swap3A_612, %swap3A_613], %get3A_611 {add = true, strides = array<i32>} : memref<128x64xf32, #tpu.memory_space<vmem>>, vector<16xf32>,
        %get3A_615 = arith.index_cast %scan3A_602 : i32 to index
        %get3A_616 = arith.constant 32 : index
        %get3A_617 = tpu.vector_load %arg27[%get3A_615, %get3A_616] {strides = array<i32>} : memref<128x64xf32, #tpu.memory_space<vmem>>, vector<16xf32>,
        %swap3A_618 = arith.index_cast %scan3A_602 : i32 to index
        %swap3A_619 = arith.constant 32 : index
        %swap3A_620 = tpu.vector_load %arg23[%swap3A_618, %swap3A_619] {strides = array<i32>} : memref<128x64xf32, #tpu.memory_space<vmem>>, vector<16xf32>,
        tpu.vector_store %arg23[%swap3A_618, %swap3A_619], %get3A_617 {add = true, strides = array<i32>} : memref<128x64xf32, #tpu.memory_space<vmem>>, vector<16xf32>,
        %get3A_621 = arith.index_cast %scan3A_602 : i32 to index
        %get3A_622 = arith.constant 48 : index
        %get3A_623 = tpu.vector_load %arg27[%get3A_621, %get3A_622] {strides = array<i32>} : memref<128x64xf32, #tpu.memory_space<vmem>>, vector<16xf32>,
        %swap3A_624 = arith.index_cast %scan3A_602 : i32 to index
        %swap3A_625 = arith.constant 48 : index
        %swap3A_626 = tpu.vector_load %arg23[%swap3A_624, %swap3A_625] {strides = array<i32>} : memref<128x64xf32, #tpu.memory_space<vmem>>, vector<16xf32>,
        tpu.vector_store %arg23[%swap3A_624, %swap3A_625], %get3A_623 {add = true, strides = array<i32>} : memref<128x64xf32, #tpu.memory_space<vmem>>, vector<16xf32>,
        %scan3A_627 = arith.constant 5 : i32
        %scan3A_628 = arith.addi %scan3A_498, %scan3A_627 : i32
        %get3A_629 = arith.index_cast %scan3A_628 : i32 to index
        %get3A_630 = arith.constant 0 : index
        %get3A_631 = tpu.vector_load %arg27[%get3A_629, %get3A_630] {strides = array<i32>} : memref<128x64xf32, #tpu.memory_space<vmem>>, vector<16xf32>,
        %swap3A_632 = arith.index_cast %scan3A_628 : i32 to index
        %swap3A_633 = arith.constant 0 : index
        %swap3A_634 = tpu.vector_load %arg23[%swap3A_632, %swap3A_633] {strides = array<i32>} : memref<128x64xf32, #tpu.memory_space<vmem>>, vector<16xf32>,
        tpu.vector_store %arg23[%swap3A_632, %swap3A_633], %get3A_631 {add = true, strides = array<i32>} : memref<128x64xf32, #tpu.memory_space<vmem>>, vector<16xf32>,
        %get3A_635 = arith.index_cast %scan3A_628 : i32 to index
        %get3A_636 = arith.constant 16 : index
        %get3A_637 = tpu.vector_load %arg27[%get3A_635, %get3A_636] {strides = array<i32>} : memref<128x64xf32, #tpu.memory_space<vmem>>, vector<16xf32>,
        %swap3A_638 = arith.index_cast %scan3A_628 : i32 to index
        %swap3A_639 = arith.constant 16 : index
        %swap3A_640 = tpu.vector_load %arg23[%swap3A_638, %swap3A_639] {strides = array<i32>} : memref<128x64xf32, #tpu.memory_space<vmem>>, vector<16xf32>,
        tpu.vector_store %arg23[%swap3A_638, %swap3A_639], %get3A_637 {add = true, strides = array<i32>} : memref<128x64xf32, #tpu.memory_space<vmem>>, vector<16xf32>,
        %get3A_641 = arith.index_cast %scan3A_628 : i32 to index
        %get3A_642 = arith.constant 32 : index
        %get3A_643 = tpu.vector_load %arg27[%get3A_641, %get3A_642] {strides = array<i32>} : memref<128x64xf32, #tpu.memory_space<vmem>>, vector<16xf32>,
        %swap3A_644 = arith.index_cast %scan3A_628 : i32 to index
        %swap3A_645 = arith.constant 32 : index
        %swap3A_646 = tpu.vector_load %arg23[%swap3A_644, %swap3A_645] {strides = array<i32>} : memref<128x64xf32, #tpu.memory_space<vmem>>, vector<16xf32>,
        tpu.vector_store %arg23[%swap3A_644, %swap3A_645], %get3A_643 {add = true, strides = array<i32>} : memref<128x64xf32, #tpu.memory_space<vmem>>, vector<16xf32>,
        %get3A_647 = arith.index_cast %scan3A_628 : i32 to index
        %get3A_648 = arith.constant 48 : index
        %get3A_649 = tpu.vector_load %arg27[%get3A_647, %get3A_648] {strides = array<i32>} : memref<128x64xf32, #tpu.memory_space<vmem>>, vector<16xf32>,
        %swap3A_650 = arith.index_cast %scan3A_628 : i32 to index
        %swap3A_651 = arith.constant 48 : index
        %swap3A_652 = tpu.vector_load %arg23[%swap3A_650, %swap3A_651] {strides = array<i32>} : memref<128x64xf32, #tpu.memory_space<vmem>>, vector<16xf32>,
        tpu.vector_store %arg23[%swap3A_650, %swap3A_651], %get3A_649 {add = true, strides = array<i32>} : memref<128x64xf32, #tpu.memory_space<vmem>>, vector<16xf32>,
        %scan3A_653 = arith.constant 6 : i32
        %scan3A_654 = arith.addi %scan3A_498, %scan3A_653 : i32
        %get3A_655 = arith.index_cast %scan3A_654 : i32 to index
        %get3A_656 = arith.constant 0 : index
        %get3A_657 = tpu.vector_load %arg27[%get3A_655, %get3A_656] {strides = array<i32>} : memref<128x64xf32, #tpu.memory_space<vmem>>, vector<16xf32>,
        %swap3A_658 = arith.index_cast %scan3A_654 : i32 to index
        %swap3A_659 = arith.constant 0 : index
        %swap3A_660 = tpu.vector_load %arg23[%swap3A_658, %swap3A_659] {strides = array<i32>} : memref<128x64xf32, #tpu.memory_space<vmem>>, vector<16xf32>,
        tpu.vector_store %arg23[%swap3A_658, %swap3A_659], %get3A_657 {add = true, strides = array<i32>} : memref<128x64xf32, #tpu.memory_space<vmem>>, vector<16xf32>,
        %get3A_661 = arith.index_cast %scan3A_654 : i32 to index
        %get3A_662 = arith.constant 16 : index
        %get3A_663 = tpu.vector_load %arg27[%get3A_661, %get3A_662] {strides = array<i32>} : memref<128x64xf32, #tpu.memory_space<vmem>>, vector<16xf32>,
        %swap3A_664 = arith.index_cast %scan3A_654 : i32 to index
        %swap3A_665 = arith.constant 16 : index
        %swap3A_666 = tpu.vector_load %arg23[%swap3A_664, %swap3A_665] {strides = array<i32>} : memref<128x64xf32, #tpu.memory_space<vmem>>, vector<16xf32>,
        tpu.vector_store %arg23[%swap3A_664, %swap3A_665], %get3A_663 {add = true, strides = array<i32>} : memref<128x64xf32, #tpu.memory_space<vmem>>, vector<16xf32>,
        %get3A_667 = arith.index_cast %scan3A_654 : i32 to index
        %get3A_668 = arith.constant 32 : index
        %get3A_669 = tpu.vector_load %arg27[%get3A_667, %get3A_668] {strides = array<i32>} : memref<128x64xf32, #tpu.memory_space<vmem>>, vector<16xf32>,
        %swap3A_670 = arith.index_cast %scan3A_654 : i32 to index
        %swap3A_671 = arith.constant 32 : index
        %swap3A_672 = tpu.vector_load %arg23[%swap3A_670, %swap3A_671] {strides = array<i32>} : memref<128x64xf32, #tpu.memory_space<vmem>>, vector<16xf32>,
        tpu.vector_store %arg23[%swap3A_670, %swap3A_671], %get3A_669 {add = true, strides = array<i32>} : memref<128x64xf32, #tpu.memory_space<vmem>>, vector<16xf32>,
        %get3A_673 = arith.index_cast %scan3A_654 : i32 to index
        %get3A_674 = arith.constant 48 : index
        %get3A_675 = tpu.vector_load %arg27[%get3A_673, %get3A_674] {strides = array<i32>} : memref<128x64xf32, #tpu.memory_space<vmem>>, vector<16xf32>,
        %swap3A_676 = arith.index_cast %scan3A_654 : i32 to index
        %swap3A_677 = arith.constant 48 : index
        %swap3A_678 = tpu.vector_load %arg23[%swap3A_676, %swap3A_677] {strides = array<i32>} : memref<128x64xf32, #tpu.memory_space<vmem>>, vector<16xf32>,
        tpu.vector_store %arg23[%swap3A_676, %swap3A_677], %get3A_675 {add = true, strides = array<i32>} : memref<128x64xf32, #tpu.memory_space<vmem>>, vector<16xf32>,
        %scan3A_679 = arith.constant 7 : i32
        %scan3A_680 = arith.addi %scan3A_498, %scan3A_679 : i32
        %get3A_681 = arith.index_cast %scan3A_680 : i32 to index
        %get3A_682 = arith.constant 0 : index
        %get3A_683 = tpu.vector_load %arg27[%get3A_681, %get3A_682] {strides = array<i32>} : memref<128x64xf32, #tpu.memory_space<vmem>>, vector<16xf32>,
        %swap3A_684 = arith.index_cast %scan3A_680 : i32 to index
        %swap3A_685 = arith.constant 0 : index
        %swap3A_686 = tpu.vector_load %arg23[%swap3A_684, %swap3A_685] {strides = array<i32>} : memref<128x64xf32, #tpu.memory_space<vmem>>, vector<16xf32>,
        tpu.vector_store %arg23[%swap3A_684, %swap3A_685], %get3A_683 {add = true, strides = array<i32>} : memref<128x64xf32, #tpu.memory_space<vmem>>, vector<16xf32>,
        %get3A_687 = arith.index_cast %scan3A_680 : i32 to index
        %get3A_688 = arith.constant 16 : index
        %get3A_689 = tpu.vector_load %arg27[%get3A_687, %get3A_688] {strides = array<i32>} : memref<128x64xf32, #tpu.memory_space<vmem>>, vector<16xf32>,
        %swap3A_690 = arith.index_cast %scan3A_680 : i32 to index
        %swap3A_691 = arith.constant 16 : index
        %swap3A_692 = tpu.vector_load %arg23[%swap3A_690, %swap3A_691] {strides = array<i32>} : memref<128x64xf32, #tpu.memory_space<vmem>>, vector<16xf32>,
        tpu.vector_store %arg23[%swap3A_690, %swap3A_691], %get3A_689 {add = true, strides = array<i32>} : memref<128x64xf32, #tpu.memory_space<vmem>>, vector<16xf32>,
        %get3A_693 = arith.index_cast %scan3A_680 : i32 to index
        %get3A_694 = arith.constant 32 : index
        %get3A_695 = tpu.vector_load %arg27[%get3A_693, %get3A_694] {strides = array<i32>} : memref<128x64xf32, #tpu.memory_space<vmem>>, vector<16xf32>,
        %swap3A_696 = arith.index_cast %scan3A_680 : i32 to index
        %swap3A_697 = arith.constant 32 : index
        %swap3A_698 = tpu.vector_load %arg23[%swap3A_696, %swap3A_697] {strides = array<i32>} : memref<128x64xf32, #tpu.memory_space<vmem>>, vector<16xf32>,
        tpu.vector_store %arg23[%swap3A_696, %swap3A_697], %get3A_695 {add = true, strides = array<i32>} : memref<128x64xf32, #tpu.memory_space<vmem>>, vector<16xf32>,
        %get3A_699 = arith.index_cast %scan3A_680 : i32 to index
        %get3A_700 = arith.constant 48 : index
        %get3A_701 = tpu.vector_load %arg27[%get3A_699, %get3A_700] {strides = array<i32>} : memref<128x64xf32, #tpu.memory_space<vmem>>, vector<16xf32>,
        %swap3A_702 = arith.index_cast %scan3A_680 : i32 to index
        %swap3A_703 = arith.constant 48 : index
        %swap3A_704 = tpu.vector_load %arg23[%swap3A_702, %swap3A_703] {strides = array<i32>} : memref<128x64xf32, #tpu.memory_space<vmem>>, vector<16xf32>,
        tpu.vector_store %arg23[%swap3A_702, %swap3A_703], %get3A_701 {add = true, strides = array<i32>} : memref<128x64xf32, #tpu.memory_space<vmem>>, vector<16xf32>,
      }
      %scan3A_460 = arith.constant 128 : i32
      %mul3A_461 = arith.constant 128 : i32
      %mul3A_462 = arith.muli %add3A_441, %mul3A_461 : i32
      %add3A_463 = arith.addi %mul3A_4, %mul3A_462 : i32
      %dma_start3A_464 = arith.constant 0 : i32
      %dma_start3A_465 = tpu.memref_slice %arg8[%add3A_463, %dma_start3A_464] : memref<524288x64xf32, #tpu.memory_space<hbm>> -> memref<128x64xf32, #tpu.memory_space<hbm>>
      %dma_start3A_466 = arith.constant 0 : i32
      %dma_start3A_467 = tpu.memref_slice %arg8[%add3A_463, %dma_start3A_466] : memref<524288x64xf32, #tpu.memory_space<hbm>> -> memref<128x64xf32, #tpu.memory_space<hbm>>
      tpu.enqueue_dma source(%arg23 : memref<128x64xf32, #tpu.memory_space<vmem>>) target(%dma_start3A_467 : memref<128x64xf32, #tpu.memory_space<hbm>>) target_semaphore(%arg41 : memref<!tpu.dma_semaphore, #tpu.memory_space<semaphore_mem>>)
      %mul3A_468 = arith.constant 4 : i32
      %mul3A_469 = arith.muli %scan3A_378, %mul3A_468 : i32
      %add3A_470 = arith.constant 3 : i32
      %add3A_471 = arith.addi %mul3A_469, %add3A_470 : i32
      %add3A_472 = arith.constant 2 : i32
      %add3A_473 = arith.addi %add3A_471, %add3A_472 : i32
      %lt3A_474 = arith.constant 128 : i32
      %lt3A_475 = arith.cmpi slt, %add3A_473, %lt3A_474 : i32
      %convert_element_type3A_476 = arith.extui %lt3A_475 : i1 to i32
      %cond3A_477 = arith.constant 0 : i32
      %cond3A_478 = arith.cmpi ne, %convert_element_type3A_476, %cond3A_477 : i32
      scf.if %cond3A_478 {
        %ge3A = arith.constant 2 : i32
        %ge3A_498 = arith.cmpi sge, %add3A_471, %ge3A : i32
        %convert_element_type3A_499 = arith.extui %ge3A_498 : i1 to i32
        %cond3A_500 = arith.constant 0 : i32
        %cond3A_501 = arith.cmpi ne, %convert_element_type3A_499, %cond3A_500 : i32
        scf.if %cond3A_501 {
          %dma_wait3A_685 = arith.constant 0 : i32
          %dma_wait3A_686 = tpu.memref_slice %arg8[%mul3A_4, %dma_wait3A_685] : memref<524288x64xf32, #tpu.memory_space<hbm>> -> memref<128x64xf32, #tpu.memory_space<hbm>>
          %dma_wait3A_687 = arith.constant 0 : i32
          %dma_wait3A_688 = tpu.memref_slice %arg8[%mul3A_4, %dma_wait3A_687] : memref<524288x64xf32, #tpu.memory_space<hbm>> -> memref<128x64xf32, #tpu.memory_space<hbm>>
          tpu.wait_dma2 semaphore(%arg40 : memref<!tpu.dma_semaphore, #tpu.memory_space<semaphore_mem>>) src(%arg22 : memref<128x64xf32, #tpu.memory_space<vmem>>) dst(%dma_wait3A_688 : memref<128x64xf32, #tpu.memory_space<hbm>>)
        } else {
        }
        %add3A_502 = arith.constant 2 : i32
        %add3A_503 = arith.addi %add3A_471, %add3A_502 : i32
        %mul3A_504 = arith.constant 128 : i32
        %mul3A_505 = arith.muli %add3A_503, %mul3A_504 : i32
        %add3A_506 = arith.addi %mul3A_4, %mul3A_505 : i32
        %shift_right_arithmetic3A_507 = arith.constant 11 : i32
        %shift_right_arithmetic3A_508 = arith.shrsi %add3A_506, %shift_right_arithmetic3A_507 : i32
        %and3A_509 = arith.constant 2047 : i32
        %and3A_510 = arith.andi %add3A_506, %and3A_509 : i32
        %mul3A_511 = arith.constant 16 : i32
        %mul3A_512 = arith.muli %shift_right_arithmetic3A_508, %mul3A_511 : i32
        %get3A_513 = arith.index_cast %mul3A_512 : i32 to index
        %get3A_514 = tpu.vector_load %arg11[%get3A_513] {strides = array<i32>} : memref<4096xi32, #tpu.memory_space<vmem>>, vector<16xi32>,
        %mul3A_515 = arith.constant 16 : i32
        %mul3A_516 = arith.muli %shift_right_arithmetic3A_508, %mul3A_515 : i32
        %get3A_517 = arith.index_cast %mul3A_516 : i32 to index
        %get3A_518 = tpu.vector_load %arg12[%get3A_517] {strides = array<i32>} : memref<4096xi32, #tpu.memory_space<vmem>>, vector<16xi32>,
        %add3A_519 = arith.constant 0 : i32
        %add3A_520 = arith.addi %and3A_510, %add3A_519 : i32
        %get3A_521 = arith.index_cast %add3A_520 : i32 to index
        %get3A_522 = tpu.vector_load %arg9[%get3A_521] {strides = array<i32>} : memref<2048xi32, #tpu.memory_space<vmem>>, vector<16xi32>,
        %add3A_523 = arith.constant 0 : i32
        %add3A_524 = arith.addi %and3A_510, %add3A_523 : i32
        %get3A_525 = arith.index_cast %add3A_524 : i32 to index
        %get3A_526 = tpu.vector_load %arg10[%get3A_525] {strides = array<i32>} : memref<2048xi32, #tpu.memory_space<vmem>>, vector<16xi32>,
        %sub3A_527 = arith.subi %get3A_514, %get3A_522 : vector<16xi32>
        %max3A_528 = arith.constant 0 : i32
        %max3A_529 = vector.broadcast %max3A_528 : i32 to vector<16xi32>
        %max3A_530 = arith.maxsi %sub3A_527, %max3A_529 : vector<16xi32>
        %swap3A_531 = arith.constant 0 : index
        %swap3A_532 = tpu.vector_load %arg14[%swap3A_531] {strides = array<i32>} : memref<128xi32, #tpu.memory_space<vmem>>, vector<16xi32>,
        tpu.vector_store %arg14[%swap3A_531], %max3A_530 {strides = array<i32>} : memref<128xi32, #tpu.memory_space<vmem>>, vector<16xi32>,
        %sub3A_533 = arith.subi %get3A_518, %get3A_526 : vector<16xi32>
        %add3A_534 = arith.constant 2047 : i32
        %add3A_535 = vector.broadcast %add3A_534 : i32 to vector<16xi32>
        %add3A_536 = arith.addi %sub3A_533, %add3A_535 : vector<16xi32>
        %swap3A_537 = arith.constant 0 : index
        %swap3A_538 = tpu.vector_load %arg18[%swap3A_537] {strides = array<i32>} : memref<128xi32, #tpu.memory_space<vmem>>, vector<16xi32>,
        tpu.vector_store %arg18[%swap3A_537], %add3A_536 {strides = array<i32>} : memref<128xi32, #tpu.memory_space<vmem>>, vector<16xi32>,
        %add3A_539 = arith.constant 16 : i32
        %add3A_540 = arith.addi %and3A_510, %add3A_539 : i32
        %get3A_541 = arith.index_cast %add3A_540 : i32 to index
        %get3A_542 = tpu.vector_load %arg9[%get3A_541] {strides = array<i32>} : memref<2048xi32, #tpu.memory_space<vmem>>, vector<16xi32>,
        %add3A_543 = arith.constant 16 : i32
        %add3A_544 = arith.addi %and3A_510, %add3A_543 : i32
        %get3A_545 = arith.index_cast %add3A_544 : i32 to index
        %get3A_546 = tpu.vector_load %arg10[%get3A_545] {strides = array<i32>} : memref<2048xi32, #tpu.memory_space<vmem>>, vector<16xi32>,
        %sub3A_547 = arith.subi %get3A_514, %get3A_542 : vector<16xi32>
        %max3A_548 = arith.constant 0 : i32
        %max3A_549 = vector.broadcast %max3A_548 : i32 to vector<16xi32>
        %max3A_550 = arith.maxsi %sub3A_547, %max3A_549 : vector<16xi32>
        %swap3A_551 = arith.constant 16 : index
        %swap3A_552 = tpu.vector_load %arg14[%swap3A_551] {strides = array<i32>} : memref<128xi32, #tpu.memory_space<vmem>>, vector<16xi32>,
        tpu.vector_store %arg14[%swap3A_551], %max3A_550 {strides = array<i32>} : memref<128xi32, #tpu.memory_space<vmem>>, vector<16xi32>,
        %sub3A_553 = arith.subi %get3A_518, %get3A_546 : vector<16xi32>
        %add3A_554 = arith.constant 2047 : i32
        %add3A_555 = vector.broadcast %add3A_554 : i32 to vector<16xi32>
        %add3A_556 = arith.addi %sub3A_553, %add3A_555 : vector<16xi32>
        %swap3A_557 = arith.constant 16 : index
        %swap3A_558 = tpu.vector_load %arg18[%swap3A_557] {strides = array<i32>} : memref<128xi32, #tpu.memory_space<vmem>>, vector<16xi32>,
        tpu.vector_store %arg18[%swap3A_557], %add3A_556 {strides = array<i32>} : memref<128xi32, #tpu.memory_space<vmem>>, vector<16xi32>,
        %add3A_559 = arith.constant 32 : i32
        %add3A_560 = arith.addi %and3A_510, %add3A_559 : i32
        %get3A_561 = arith.index_cast %add3A_560 : i32 to index
        %get3A_562 = tpu.vector_load %arg9[%get3A_561] {strides = array<i32>} : memref<2048xi32, #tpu.memory_space<vmem>>, vector<16xi32>,
        %add3A_563 = arith.constant 32 : i32
        %add3A_564 = arith.addi %and3A_510, %add3A_563 : i32
        %get3A_565 = arith.index_cast %add3A_564 : i32 to index
        %get3A_566 = tpu.vector_load %arg10[%get3A_565] {strides = array<i32>} : memref<2048xi32, #tpu.memory_space<vmem>>, vector<16xi32>,
        %sub3A_567 = arith.subi %get3A_514, %get3A_562 : vector<16xi32>
        %max3A_568 = arith.constant 0 : i32
        %max3A_569 = vector.broadcast %max3A_568 : i32 to vector<16xi32>
        %max3A_570 = arith.maxsi %sub3A_567, %max3A_569 : vector<16xi32>
        %swap3A_571 = arith.constant 32 : index
        %swap3A_572 = tpu.vector_load %arg14[%swap3A_571] {strides = array<i32>} : memref<128xi32, #tpu.memory_space<vmem>>, vector<16xi32>,
        tpu.vector_store %arg14[%swap3A_571], %max3A_570 {strides = array<i32>} : memref<128xi32, #tpu.memory_space<vmem>>, vector<16xi32>,
        %sub3A_573 = arith.subi %get3A_518, %get3A_566 : vector<16xi32>
        %add3A_574 = arith.constant 2047 : i32
        %add3A_575 = vector.broadcast %add3A_574 : i32 to vector<16xi32>
        %add3A_576 = arith.addi %sub3A_573, %add3A_575 : vector<16xi32>
        %swap3A_577 = arith.constant 32 : index
        %swap3A_578 = tpu.vector_load %arg18[%swap3A_577] {strides = array<i32>} : memref<128xi32, #tpu.memory_space<vmem>>, vector<16xi32>,
        tpu.vector_store %arg18[%swap3A_577], %add3A_576 {strides = array<i32>} : memref<128xi32, #tpu.memory_space<vmem>>, vector<16xi32>,
        %add3A_579 = arith.constant 48 : i32
        %add3A_580 = arith.addi %and3A_510, %add3A_579 : i32
        %get3A_581 = arith.index_cast %add3A_580 : i32 to index
        %get3A_582 = tpu.vector_load %arg9[%get3A_581] {strides = array<i32>} : memref<2048xi32, #tpu.memory_space<vmem>>, vector<16xi32>,
        %add3A_583 = arith.constant 48 : i32
        %add3A_584 = arith.addi %and3A_510, %add3A_583 : i32
        %get3A_585 = arith.index_cast %add3A_584 : i32 to index
        %get3A_586 = tpu.vector_load %arg10[%get3A_585] {strides = array<i32>} : memref<2048xi32, #tpu.memory_space<vmem>>, vector<16xi32>,
        %sub3A_587 = arith.subi %get3A_514, %get3A_582 : vector<16xi32>
        %max3A_588 = arith.constant 0 : i32
        %max3A_589 = vector.broadcast %max3A_588 : i32 to vector<16xi32>
        %max3A_590 = arith.maxsi %sub3A_587, %max3A_589 : vector<16xi32>
        %swap3A_591 = arith.constant 48 : index
        %swap3A_592 = tpu.vector_load %arg14[%swap3A_591] {strides = array<i32>} : memref<128xi32, #tpu.memory_space<vmem>>, vector<16xi32>,
        tpu.vector_store %arg14[%swap3A_591], %max3A_590 {strides = array<i32>} : memref<128xi32, #tpu.memory_space<vmem>>, vector<16xi32>,
        %sub3A_593 = arith.subi %get3A_518, %get3A_586 : vector<16xi32>
        %add3A_594 = arith.constant 2047 : i32
        %add3A_595 = vector.broadcast %add3A_594 : i32 to vector<16xi32>
        %add3A_596 = arith.addi %sub3A_593, %add3A_595 : vector<16xi32>
        %swap3A_597 = arith.constant 48 : index
        %swap3A_598 = tpu.vector_load %arg18[%swap3A_597] {strides = array<i32>} : memref<128xi32, #tpu.memory_space<vmem>>, vector<16xi32>,
        tpu.vector_store %arg18[%swap3A_597], %add3A_596 {strides = array<i32>} : memref<128xi32, #tpu.memory_space<vmem>>, vector<16xi32>,
        %add3A_599 = arith.constant 64 : i32
        %add3A_600 = arith.addi %and3A_510, %add3A_599 : i32
        %get3A_601 = arith.index_cast %add3A_600 : i32 to index
        %get3A_602 = tpu.vector_load %arg9[%get3A_601] {strides = array<i32>} : memref<2048xi32, #tpu.memory_space<vmem>>, vector<16xi32>,
        %add3A_603 = arith.constant 64 : i32
        %add3A_604 = arith.addi %and3A_510, %add3A_603 : i32
        %get3A_605 = arith.index_cast %add3A_604 : i32 to index
        %get3A_606 = tpu.vector_load %arg10[%get3A_605] {strides = array<i32>} : memref<2048xi32, #tpu.memory_space<vmem>>, vector<16xi32>,
        %sub3A_607 = arith.subi %get3A_514, %get3A_602 : vector<16xi32>
        %max3A_608 = arith.constant 0 : i32
        %max3A_609 = vector.broadcast %max3A_608 : i32 to vector<16xi32>
        %max3A_610 = arith.maxsi %sub3A_607, %max3A_609 : vector<16xi32>
        %swap3A_611 = arith.constant 64 : index
        %swap3A_612 = tpu.vector_load %arg14[%swap3A_611] {strides = array<i32>} : memref<128xi32, #tpu.memory_space<vmem>>, vector<16xi32>,
        tpu.vector_store %arg14[%swap3A_611], %max3A_610 {strides = array<i32>} : memref<128xi32, #tpu.memory_space<vmem>>, vector<16xi32>,
        %sub3A_613 = arith.subi %get3A_518, %get3A_606 : vector<16xi32>
        %add3A_614 = arith.constant 2047 : i32
        %add3A_615 = vector.broadcast %add3A_614 : i32 to vector<16xi32>
        %add3A_616 = arith.addi %sub3A_613, %add3A_615 : vector<16xi32>
        %swap3A_617 = arith.constant 64 : index
        %swap3A_618 = tpu.vector_load %arg18[%swap3A_617] {strides = array<i32>} : memref<128xi32, #tpu.memory_space<vmem>>, vector<16xi32>,
        tpu.vector_store %arg18[%swap3A_617], %add3A_616 {strides = array<i32>} : memref<128xi32, #tpu.memory_space<vmem>>, vector<16xi32>,
        %add3A_619 = arith.constant 80 : i32
        %add3A_620 = arith.addi %and3A_510, %add3A_619 : i32
        %get3A_621 = arith.index_cast %add3A_620 : i32 to index
        %get3A_622 = tpu.vector_load %arg9[%get3A_621] {strides = array<i32>} : memref<2048xi32, #tpu.memory_space<vmem>>, vector<16xi32>,
        %add3A_623 = arith.constant 80 : i32
        %add3A_624 = arith.addi %and3A_510, %add3A_623 : i32
        %get3A_625 = arith.index_cast %add3A_624 : i32 to index
        %get3A_626 = tpu.vector_load %arg10[%get3A_625] {strides = array<i32>} : memref<2048xi32, #tpu.memory_space<vmem>>, vector<16xi32>,
        %sub3A_627 = arith.subi %get3A_514, %get3A_622 : vector<16xi32>
        %max3A_628 = arith.constant 0 : i32
        %max3A_629 = vector.broadcast %max3A_628 : i32 to vector<16xi32>
        %max3A_630 = arith.maxsi %sub3A_627, %max3A_629 : vector<16xi32>
        %swap3A_631 = arith.constant 80 : index
        %swap3A_632 = tpu.vector_load %arg14[%swap3A_631] {strides = array<i32>} : memref<128xi32, #tpu.memory_space<vmem>>, vector<16xi32>,
        tpu.vector_store %arg14[%swap3A_631], %max3A_630 {strides = array<i32>} : memref<128xi32, #tpu.memory_space<vmem>>, vector<16xi32>,
        %sub3A_633 = arith.subi %get3A_518, %get3A_626 : vector<16xi32>
        %add3A_634 = arith.constant 2047 : i32
        %add3A_635 = vector.broadcast %add3A_634 : i32 to vector<16xi32>
        %add3A_636 = arith.addi %sub3A_633, %add3A_635 : vector<16xi32>
        %swap3A_637 = arith.constant 80 : index
        %swap3A_638 = tpu.vector_load %arg18[%swap3A_637] {strides = array<i32>} : memref<128xi32, #tpu.memory_space<vmem>>, vector<16xi32>,
        tpu.vector_store %arg18[%swap3A_637], %add3A_636 {strides = array<i32>} : memref<128xi32, #tpu.memory_space<vmem>>, vector<16xi32>,
        %add3A_639 = arith.constant 96 : i32
        %add3A_640 = arith.addi %and3A_510, %add3A_639 : i32
        %get3A_641 = arith.index_cast %add3A_640 : i32 to index
        %get3A_642 = tpu.vector_load %arg9[%get3A_641] {strides = array<i32>} : memref<2048xi32, #tpu.memory_space<vmem>>, vector<16xi32>,
        %add3A_643 = arith.constant 96 : i32
        %add3A_644 = arith.addi %and3A_510, %add3A_643 : i32
        %get3A_645 = arith.index_cast %add3A_644 : i32 to index
        %get3A_646 = tpu.vector_load %arg10[%get3A_645] {strides = array<i32>} : memref<2048xi32, #tpu.memory_space<vmem>>, vector<16xi32>,
        %sub3A_647 = arith.subi %get3A_514, %get3A_642 : vector<16xi32>
        %max3A_648 = arith.constant 0 : i32
        %max3A_649 = vector.broadcast %max3A_648 : i32 to vector<16xi32>
        %max3A_650 = arith.maxsi %sub3A_647, %max3A_649 : vector<16xi32>
        %swap3A_651 = arith.constant 96 : index
        %swap3A_652 = tpu.vector_load %arg14[%swap3A_651] {strides = array<i32>} : memref<128xi32, #tpu.memory_space<vmem>>, vector<16xi32>,
        tpu.vector_store %arg14[%swap3A_651], %max3A_650 {strides = array<i32>} : memref<128xi32, #tpu.memory_space<vmem>>, vector<16xi32>,
        %sub3A_653 = arith.subi %get3A_518, %get3A_646 : vector<16xi32>
        %add3A_654 = arith.constant 2047 : i32
        %add3A_655 = vector.broadcast %add3A_654 : i32 to vector<16xi32>
        %add3A_656 = arith.addi %sub3A_653, %add3A_655 : vector<16xi32>
        %swap3A_657 = arith.constant 96 : index
        %swap3A_658 = tpu.vector_load %arg18[%swap3A_657] {strides = array<i32>} : memref<128xi32, #tpu.memory_space<vmem>>, vector<16xi32>,
        tpu.vector_store %arg18[%swap3A_657], %add3A_656 {strides = array<i32>} : memref<128xi32, #tpu.memory_space<vmem>>, vector<16xi32>,
        %add3A_659 = arith.constant 112 : i32
        %add3A_660 = arith.addi %and3A_510, %add3A_659 : i32
        %get3A_661 = arith.index_cast %add3A_660 : i32 to index
        %get3A_662 = tpu.vector_load %arg9[%get3A_661] {strides = array<i32>} : memref<2048xi32, #tpu.memory_space<vmem>>, vector<16xi32>,
        %add3A_663 = arith.constant 112 : i32
        %add3A_664 = arith.addi %and3A_510, %add3A_663 : i32
        %get3A_665 = arith.index_cast %add3A_664 : i32 to index
        %get3A_666 = tpu.vector_load %arg10[%get3A_665] {strides = array<i32>} : memref<2048xi32, #tpu.memory_space<vmem>>, vector<16xi32>,
        %sub3A_667 = arith.subi %get3A_514, %get3A_662 : vector<16xi32>
        %max3A_668 = arith.constant 0 : i32
        %max3A_669 = vector.broadcast %max3A_668 : i32 to vector<16xi32>
        %max3A_670 = arith.maxsi %sub3A_667, %max3A_669 : vector<16xi32>
        %swap3A_671 = arith.constant 112 : index
        %swap3A_672 = tpu.vector_load %arg14[%swap3A_671] {strides = array<i32>} : memref<128xi32, #tpu.memory_space<vmem>>, vector<16xi32>,
        tpu.vector_store %arg14[%swap3A_671], %max3A_670 {strides = array<i32>} : memref<128xi32, #tpu.memory_space<vmem>>, vector<16xi32>,
        %sub3A_673 = arith.subi %get3A_518, %get3A_666 : vector<16xi32>
        %add3A_674 = arith.constant 2047 : i32
        %add3A_675 = vector.broadcast %add3A_674 : i32 to vector<16xi32>
        %add3A_676 = arith.addi %sub3A_673, %add3A_675 : vector<16xi32>
        %swap3A_677 = arith.constant 112 : index
        %swap3A_678 = tpu.vector_load %arg18[%swap3A_677] {strides = array<i32>} : memref<128xi32, #tpu.memory_space<vmem>>, vector<16xi32>,
        tpu.vector_store %arg18[%swap3A_677], %add3A_676 {strides = array<i32>} : memref<128xi32, #tpu.memory_space<vmem>>, vector<16xi32>,
        %dma_start3A_679 = arith.constant 0 : i32
        %dma_start3A_680 = arith.constant 0 : i32
        %dma_start3A_681 = tpu.memref_slice %arg29[%dma_start3A_679, %dma_start3A_680] : memref<2048x64xf32, #tpu.memory_space<vmem_shared>> -> memref<2048x64xf32, #tpu.memory_space<vmem_shared>>
        tpu.enqueue_indirect_dma source(%dma_start3A_681 : memref<2048x64xf32, #tpu.memory_space<vmem_shared>>) target(%arg22 : memref<128x64xf32, #tpu.memory_space<vmem>>) offsets(%arg14 : memref<128xi32, #tpu.memory_space<vmem>>) semaphore(%arg32 : memref<!tpu.dma_semaphore, #tpu.memory_space<semaphore_mem>>)
        %dma_start3A_682 = arith.constant 0 : i32
        %dma_start3A_683 = arith.constant 0 : i32
        %dma_start3A_684 = tpu.memref_slice %arg30[%dma_start3A_682, %dma_start3A_683] : memref<4095x64xf32, #tpu.memory_space<vmem_shared>> -> memref<4095x64xf32, #tpu.memory_space<vmem_shared>>
        tpu.enqueue_indirect_dma source(%dma_start3A_684 : memref<4095x64xf32, #tpu.memory_space<vmem_shared>>) target(%arg26 : memref<128x64xf32, #tpu.memory_space<vmem>>) offsets(%arg18 : memref<128xi32, #tpu.memory_space<vmem>>) semaphore(%arg36 : memref<!tpu.dma_semaphore, #tpu.memory_space<semaphore_mem>>)
      } else {
      }
      %dma_wait3A_479 = arith.constant 0 : i32
      %dma_wait3A_480 = arith.constant 0 : i32
      %dma_wait3A_481 = tpu.memref_slice %arg29[%dma_wait3A_479, %dma_wait3A_480] : memref<2048x64xf32, #tpu.memory_space<vmem_shared>> -> memref<2048x64xf32, #tpu.memory_space<vmem_shared>>
      tpu.wait_indirect_dma semaphore(%arg34 : memref<!tpu.dma_semaphore, #tpu.memory_space<semaphore_mem>>) src(%dma_wait3A_481 : memref<2048x64xf32, #tpu.memory_space<vmem_shared>>) dst(%arg24 : memref<128x64xf32, #tpu.memory_space<vmem>>)
      %dma_wait3A_482 = arith.constant 0 : i32
      %dma_wait3A_483 = arith.constant 0 : i32
      %dma_wait3A_484 = tpu.memref_slice %arg30[%dma_wait3A_482, %dma_wait3A_483] : memref<4095x64xf32, #tpu.memory_space<vmem_shared>> -> memref<4095x64xf32, #tpu.memory_space<vmem_shared>>
      tpu.wait_indirect_dma semaphore(%arg38 : memref<!tpu.dma_semaphore, #tpu.memory_space<semaphore_mem>>) src(%dma_wait3A_484 : memref<4095x64xf32, #tpu.memory_space<vmem_shared>>) dst(%arg28 : memref<128x64xf32, #tpu.memory_space<vmem>>)
      %scan3A_485 = arith.constant 0 : i32
      %scan3A_486 = arith.constant 0 : i32
      %scan3A_487 = arith.constant 128 : i32
      %scan3A_488 = arith.addi %scan3A_486, %scan3A_487 : i32
      %scan3A_489 = arith.constant 8 : i32
      scf.for %scan3A_498 = %scan3A_486 to %scan3A_488 step %scan3A_489  : i32 {
        %get3A_499 = arith.index_cast %scan3A_498 : i32 to index
        %get3A_500 = arith.constant 0 : index
        %get3A_501 = tpu.vector_load %arg28[%get3A_499, %get3A_500] {strides = array<i32>} : memref<128x64xf32, #tpu.memory_space<vmem>>, vector<16xf32>,
        %swap3A_502 = arith.index_cast %scan3A_498 : i32 to index
        %swap3A_503 = arith.constant 0 : index
        %swap3A_504 = tpu.vector_load %arg24[%swap3A_502, %swap3A_503] {strides = array<i32>} : memref<128x64xf32, #tpu.memory_space<vmem>>, vector<16xf32>,
        tpu.vector_store %arg24[%swap3A_502, %swap3A_503], %get3A_501 {add = true, strides = array<i32>} : memref<128x64xf32, #tpu.memory_space<vmem>>, vector<16xf32>,
        %get3A_505 = arith.index_cast %scan3A_498 : i32 to index
        %get3A_506 = arith.constant 16 : index
        %get3A_507 = tpu.vector_load %arg28[%get3A_505, %get3A_506] {strides = array<i32>} : memref<128x64xf32, #tpu.memory_space<vmem>>, vector<16xf32>,
        %swap3A_508 = arith.index_cast %scan3A_498 : i32 to index
        %swap3A_509 = arith.constant 16 : index
        %swap3A_510 = tpu.vector_load %arg24[%swap3A_508, %swap3A_509] {strides = array<i32>} : memref<128x64xf32, #tpu.memory_space<vmem>>, vector<16xf32>,
        tpu.vector_store %arg24[%swap3A_508, %swap3A_509], %get3A_507 {add = true, strides = array<i32>} : memref<128x64xf32, #tpu.memory_space<vmem>>, vector<16xf32>,
        %get3A_511 = arith.index_cast %scan3A_498 : i32 to index
        %get3A_512 = arith.constant 32 : index
        %get3A_513 = tpu.vector_load %arg28[%get3A_511, %get3A_512] {strides = array<i32>} : memref<128x64xf32, #tpu.memory_space<vmem>>, vector<16xf32>,
        %swap3A_514 = arith.index_cast %scan3A_498 : i32 to index
        %swap3A_515 = arith.constant 32 : index
        %swap3A_516 = tpu.vector_load %arg24[%swap3A_514, %swap3A_515] {strides = array<i32>} : memref<128x64xf32, #tpu.memory_space<vmem>>, vector<16xf32>,
        tpu.vector_store %arg24[%swap3A_514, %swap3A_515], %get3A_513 {add = true, strides = array<i32>} : memref<128x64xf32, #tpu.memory_space<vmem>>, vector<16xf32>,
        %get3A_517 = arith.index_cast %scan3A_498 : i32 to index
        %get3A_518 = arith.constant 48 : index
        %get3A_519 = tpu.vector_load %arg28[%get3A_517, %get3A_518] {strides = array<i32>} : memref<128x64xf32, #tpu.memory_space<vmem>>, vector<16xf32>,
        %swap3A_520 = arith.index_cast %scan3A_498 : i32 to index
        %swap3A_521 = arith.constant 48 : index
        %swap3A_522 = tpu.vector_load %arg24[%swap3A_520, %swap3A_521] {strides = array<i32>} : memref<128x64xf32, #tpu.memory_space<vmem>>, vector<16xf32>,
        tpu.vector_store %arg24[%swap3A_520, %swap3A_521], %get3A_519 {add = true, strides = array<i32>} : memref<128x64xf32, #tpu.memory_space<vmem>>, vector<16xf32>,
        %scan3A_523 = arith.constant 1 : i32
        %scan3A_524 = arith.addi %scan3A_498, %scan3A_523 : i32
        %get3A_525 = arith.index_cast %scan3A_524 : i32 to index
        %get3A_526 = arith.constant 0 : index
        %get3A_527 = tpu.vector_load %arg28[%get3A_525, %get3A_526] {strides = array<i32>} : memref<128x64xf32, #tpu.memory_space<vmem>>, vector<16xf32>,
        %swap3A_528 = arith.index_cast %scan3A_524 : i32 to index
        %swap3A_529 = arith.constant 0 : index
        %swap3A_530 = tpu.vector_load %arg24[%swap3A_528, %swap3A_529] {strides = array<i32>} : memref<128x64xf32, #tpu.memory_space<vmem>>, vector<16xf32>,
        tpu.vector_store %arg24[%swap3A_528, %swap3A_529], %get3A_527 {add = true, strides = array<i32>} : memref<128x64xf32, #tpu.memory_space<vmem>>, vector<16xf32>,
        %get3A_531 = arith.index_cast %scan3A_524 : i32 to index
        %get3A_532 = arith.constant 16 : index
        %get3A_533 = tpu.vector_load %arg28[%get3A_531, %get3A_532] {strides = array<i32>} : memref<128x64xf32, #tpu.memory_space<vmem>>, vector<16xf32>,
        %swap3A_534 = arith.index_cast %scan3A_524 : i32 to index
        %swap3A_535 = arith.constant 16 : index
        %swap3A_536 = tpu.vector_load %arg24[%swap3A_534, %swap3A_535] {strides = array<i32>} : memref<128x64xf32, #tpu.memory_space<vmem>>, vector<16xf32>,
        tpu.vector_store %arg24[%swap3A_534, %swap3A_535], %get3A_533 {add = true, strides = array<i32>} : memref<128x64xf32, #tpu.memory_space<vmem>>, vector<16xf32>,
        %get3A_537 = arith.index_cast %scan3A_524 : i32 to index
        %get3A_538 = arith.constant 32 : index
        %get3A_539 = tpu.vector_load %arg28[%get3A_537, %get3A_538] {strides = array<i32>} : memref<128x64xf32, #tpu.memory_space<vmem>>, vector<16xf32>,
        %swap3A_540 = arith.index_cast %scan3A_524 : i32 to index
        %swap3A_541 = arith.constant 32 : index
        %swap3A_542 = tpu.vector_load %arg24[%swap3A_540, %swap3A_541] {strides = array<i32>} : memref<128x64xf32, #tpu.memory_space<vmem>>, vector<16xf32>,
        tpu.vector_store %arg24[%swap3A_540, %swap3A_541], %get3A_539 {add = true, strides = array<i32>} : memref<128x64xf32, #tpu.memory_space<vmem>>, vector<16xf32>,
        %get3A_543 = arith.index_cast %scan3A_524 : i32 to index
        %get3A_544 = arith.constant 48 : index
        %get3A_545 = tpu.vector_load %arg28[%get3A_543, %get3A_544] {strides = array<i32>} : memref<128x64xf32, #tpu.memory_space<vmem>>, vector<16xf32>,
        %swap3A_546 = arith.index_cast %scan3A_524 : i32 to index
        %swap3A_547 = arith.constant 48 : index
        %swap3A_548 = tpu.vector_load %arg24[%swap3A_546, %swap3A_547] {strides = array<i32>} : memref<128x64xf32, #tpu.memory_space<vmem>>, vector<16xf32>,
        tpu.vector_store %arg24[%swap3A_546, %swap3A_547], %get3A_545 {add = true, strides = array<i32>} : memref<128x64xf32, #tpu.memory_space<vmem>>, vector<16xf32>,
        %scan3A_549 = arith.constant 2 : i32
        %scan3A_550 = arith.addi %scan3A_498, %scan3A_549 : i32
        %get3A_551 = arith.index_cast %scan3A_550 : i32 to index
        %get3A_552 = arith.constant 0 : index
        %get3A_553 = tpu.vector_load %arg28[%get3A_551, %get3A_552] {strides = array<i32>} : memref<128x64xf32, #tpu.memory_space<vmem>>, vector<16xf32>,
        %swap3A_554 = arith.index_cast %scan3A_550 : i32 to index
        %swap3A_555 = arith.constant 0 : index
        %swap3A_556 = tpu.vector_load %arg24[%swap3A_554, %swap3A_555] {strides = array<i32>} : memref<128x64xf32, #tpu.memory_space<vmem>>, vector<16xf32>,
        tpu.vector_store %arg24[%swap3A_554, %swap3A_555], %get3A_553 {add = true, strides = array<i32>} : memref<128x64xf32, #tpu.memory_space<vmem>>, vector<16xf32>,
        %get3A_557 = arith.index_cast %scan3A_550 : i32 to index
        %get3A_558 = arith.constant 16 : index
        %get3A_559 = tpu.vector_load %arg28[%get3A_557, %get3A_558] {strides = array<i32>} : memref<128x64xf32, #tpu.memory_space<vmem>>, vector<16xf32>,
        %swap3A_560 = arith.index_cast %scan3A_550 : i32 to index
        %swap3A_561 = arith.constant 16 : index
        %swap3A_562 = tpu.vector_load %arg24[%swap3A_560, %swap3A_561] {strides = array<i32>} : memref<128x64xf32, #tpu.memory_space<vmem>>, vector<16xf32>,
        tpu.vector_store %arg24[%swap3A_560, %swap3A_561], %get3A_559 {add = true, strides = array<i32>} : memref<128x64xf32, #tpu.memory_space<vmem>>, vector<16xf32>,
        %get3A_563 = arith.index_cast %scan3A_550 : i32 to index
        %get3A_564 = arith.constant 32 : index
        %get3A_565 = tpu.vector_load %arg28[%get3A_563, %get3A_564] {strides = array<i32>} : memref<128x64xf32, #tpu.memory_space<vmem>>, vector<16xf32>,
        %swap3A_566 = arith.index_cast %scan3A_550 : i32 to index
        %swap3A_567 = arith.constant 32 : index
        %swap3A_568 = tpu.vector_load %arg24[%swap3A_566, %swap3A_567] {strides = array<i32>} : memref<128x64xf32, #tpu.memory_space<vmem>>, vector<16xf32>,
        tpu.vector_store %arg24[%swap3A_566, %swap3A_567], %get3A_565 {add = true, strides = array<i32>} : memref<128x64xf32, #tpu.memory_space<vmem>>, vector<16xf32>,
        %get3A_569 = arith.index_cast %scan3A_550 : i32 to index
        %get3A_570 = arith.constant 48 : index
        %get3A_571 = tpu.vector_load %arg28[%get3A_569, %get3A_570] {strides = array<i32>} : memref<128x64xf32, #tpu.memory_space<vmem>>, vector<16xf32>,
        %swap3A_572 = arith.index_cast %scan3A_550 : i32 to index
        %swap3A_573 = arith.constant 48 : index
        %swap3A_574 = tpu.vector_load %arg24[%swap3A_572, %swap3A_573] {strides = array<i32>} : memref<128x64xf32, #tpu.memory_space<vmem>>, vector<16xf32>,
        tpu.vector_store %arg24[%swap3A_572, %swap3A_573], %get3A_571 {add = true, strides = array<i32>} : memref<128x64xf32, #tpu.memory_space<vmem>>, vector<16xf32>,
        %scan3A_575 = arith.constant 3 : i32
        %scan3A_576 = arith.addi %scan3A_498, %scan3A_575 : i32
        %get3A_577 = arith.index_cast %scan3A_576 : i32 to index
        %get3A_578 = arith.constant 0 : index
        %get3A_579 = tpu.vector_load %arg28[%get3A_577, %get3A_578] {strides = array<i32>} : memref<128x64xf32, #tpu.memory_space<vmem>>, vector<16xf32>,
        %swap3A_580 = arith.index_cast %scan3A_576 : i32 to index
        %swap3A_581 = arith.constant 0 : index
        %swap3A_582 = tpu.vector_load %arg24[%swap3A_580, %swap3A_581] {strides = array<i32>} : memref<128x64xf32, #tpu.memory_space<vmem>>, vector<16xf32>,
        tpu.vector_store %arg24[%swap3A_580, %swap3A_581], %get3A_579 {add = true, strides = array<i32>} : memref<128x64xf32, #tpu.memory_space<vmem>>, vector<16xf32>,
        %get3A_583 = arith.index_cast %scan3A_576 : i32 to index
        %get3A_584 = arith.constant 16 : index
        %get3A_585 = tpu.vector_load %arg28[%get3A_583, %get3A_584] {strides = array<i32>} : memref<128x64xf32, #tpu.memory_space<vmem>>, vector<16xf32>,
        %swap3A_586 = arith.index_cast %scan3A_576 : i32 to index
        %swap3A_587 = arith.constant 16 : index
        %swap3A_588 = tpu.vector_load %arg24[%swap3A_586, %swap3A_587] {strides = array<i32>} : memref<128x64xf32, #tpu.memory_space<vmem>>, vector<16xf32>,
        tpu.vector_store %arg24[%swap3A_586, %swap3A_587], %get3A_585 {add = true, strides = array<i32>} : memref<128x64xf32, #tpu.memory_space<vmem>>, vector<16xf32>,
        %get3A_589 = arith.index_cast %scan3A_576 : i32 to index
        %get3A_590 = arith.constant 32 : index
        %get3A_591 = tpu.vector_load %arg28[%get3A_589, %get3A_590] {strides = array<i32>} : memref<128x64xf32, #tpu.memory_space<vmem>>, vector<16xf32>,
        %swap3A_592 = arith.index_cast %scan3A_576 : i32 to index
        %swap3A_593 = arith.constant 32 : index
        %swap3A_594 = tpu.vector_load %arg24[%swap3A_592, %swap3A_593] {strides = array<i32>} : memref<128x64xf32, #tpu.memory_space<vmem>>, vector<16xf32>,
        tpu.vector_store %arg24[%swap3A_592, %swap3A_593], %get3A_591 {add = true, strides = array<i32>} : memref<128x64xf32, #tpu.memory_space<vmem>>, vector<16xf32>,
        %get3A_595 = arith.index_cast %scan3A_576 : i32 to index
        %get3A_596 = arith.constant 48 : index
        %get3A_597 = tpu.vector_load %arg28[%get3A_595, %get3A_596] {strides = array<i32>} : memref<128x64xf32, #tpu.memory_space<vmem>>, vector<16xf32>,
        %swap3A_598 = arith.index_cast %scan3A_576 : i32 to index
        %swap3A_599 = arith.constant 48 : index
        %swap3A_600 = tpu.vector_load %arg24[%swap3A_598, %swap3A_599] {strides = array<i32>} : memref<128x64xf32, #tpu.memory_space<vmem>>, vector<16xf32>,
        tpu.vector_store %arg24[%swap3A_598, %swap3A_599], %get3A_597 {add = true, strides = array<i32>} : memref<128x64xf32, #tpu.memory_space<vmem>>, vector<16xf32>,
        %scan3A_601 = arith.constant 4 : i32
        %scan3A_602 = arith.addi %scan3A_498, %scan3A_601 : i32
        %get3A_603 = arith.index_cast %scan3A_602 : i32 to index
        %get3A_604 = arith.constant 0 : index
        %get3A_605 = tpu.vector_load %arg28[%get3A_603, %get3A_604] {strides = array<i32>} : memref<128x64xf32, #tpu.memory_space<vmem>>, vector<16xf32>,
        %swap3A_606 = arith.index_cast %scan3A_602 : i32 to index
        %swap3A_607 = arith.constant 0 : index
        %swap3A_608 = tpu.vector_load %arg24[%swap3A_606, %swap3A_607] {strides = array<i32>} : memref<128x64xf32, #tpu.memory_space<vmem>>, vector<16xf32>,
        tpu.vector_store %arg24[%swap3A_606, %swap3A_607], %get3A_605 {add = true, strides = array<i32>} : memref<128x64xf32, #tpu.memory_space<vmem>>, vector<16xf32>,
        %get3A_609 = arith.index_cast %scan3A_602 : i32 to index
        %get3A_610 = arith.constant 16 : index
        %get3A_611 = tpu.vector_load %arg28[%get3A_609, %get3A_610] {strides = array<i32>} : memref<128x64xf32, #tpu.memory_space<vmem>>, vector<16xf32>,
        %swap3A_612 = arith.index_cast %scan3A_602 : i32 to index
        %swap3A_613 = arith.constant 16 : index
        %swap3A_614 = tpu.vector_load %arg24[%swap3A_612, %swap3A_613] {strides = array<i32>} : memref<128x64xf32, #tpu.memory_space<vmem>>, vector<16xf32>,
        tpu.vector_store %arg24[%swap3A_612, %swap3A_613], %get3A_611 {add = true, strides = array<i32>} : memref<128x64xf32, #tpu.memory_space<vmem>>, vector<16xf32>,
        %get3A_615 = arith.index_cast %scan3A_602 : i32 to index
        %get3A_616 = arith.constant 32 : index
        %get3A_617 = tpu.vector_load %arg28[%get3A_615, %get3A_616] {strides = array<i32>} : memref<128x64xf32, #tpu.memory_space<vmem>>, vector<16xf32>,
        %swap3A_618 = arith.index_cast %scan3A_602 : i32 to index
        %swap3A_619 = arith.constant 32 : index
        %swap3A_620 = tpu.vector_load %arg24[%swap3A_618, %swap3A_619] {strides = array<i32>} : memref<128x64xf32, #tpu.memory_space<vmem>>, vector<16xf32>,
        tpu.vector_store %arg24[%swap3A_618, %swap3A_619], %get3A_617 {add = true, strides = array<i32>} : memref<128x64xf32, #tpu.memory_space<vmem>>, vector<16xf32>,
        %get3A_621 = arith.index_cast %scan3A_602 : i32 to index
        %get3A_622 = arith.constant 48 : index
        %get3A_623 = tpu.vector_load %arg28[%get3A_621, %get3A_622] {strides = array<i32>} : memref<128x64xf32, #tpu.memory_space<vmem>>, vector<16xf32>,
        %swap3A_624 = arith.index_cast %scan3A_602 : i32 to index
        %swap3A_625 = arith.constant 48 : index
        %swap3A_626 = tpu.vector_load %arg24[%swap3A_624, %swap3A_625] {strides = array<i32>} : memref<128x64xf32, #tpu.memory_space<vmem>>, vector<16xf32>,
        tpu.vector_store %arg24[%swap3A_624, %swap3A_625], %get3A_623 {add = true, strides = array<i32>} : memref<128x64xf32, #tpu.memory_space<vmem>>, vector<16xf32>,
        %scan3A_627 = arith.constant 5 : i32
        %scan3A_628 = arith.addi %scan3A_498, %scan3A_627 : i32
        %get3A_629 = arith.index_cast %scan3A_628 : i32 to index
        %get3A_630 = arith.constant 0 : index
        %get3A_631 = tpu.vector_load %arg28[%get3A_629, %get3A_630] {strides = array<i32>} : memref<128x64xf32, #tpu.memory_space<vmem>>, vector<16xf32>,
        %swap3A_632 = arith.index_cast %scan3A_628 : i32 to index
        %swap3A_633 = arith.constant 0 : index
        %swap3A_634 = tpu.vector_load %arg24[%swap3A_632, %swap3A_633] {strides = array<i32>} : memref<128x64xf32, #tpu.memory_space<vmem>>, vector<16xf32>,
        tpu.vector_store %arg24[%swap3A_632, %swap3A_633], %get3A_631 {add = true, strides = array<i32>} : memref<128x64xf32, #tpu.memory_space<vmem>>, vector<16xf32>,
        %get3A_635 = arith.index_cast %scan3A_628 : i32 to index
        %get3A_636 = arith.constant 16 : index
        %get3A_637 = tpu.vector_load %arg28[%get3A_635, %get3A_636] {strides = array<i32>} : memref<128x64xf32, #tpu.memory_space<vmem>>, vector<16xf32>,
        %swap3A_638 = arith.index_cast %scan3A_628 : i32 to index
        %swap3A_639 = arith.constant 16 : index
        %swap3A_640 = tpu.vector_load %arg24[%swap3A_638, %swap3A_639] {strides = array<i32>} : memref<128x64xf32, #tpu.memory_space<vmem>>, vector<16xf32>,
        tpu.vector_store %arg24[%swap3A_638, %swap3A_639], %get3A_637 {add = true, strides = array<i32>} : memref<128x64xf32, #tpu.memory_space<vmem>>, vector<16xf32>,
        %get3A_641 = arith.index_cast %scan3A_628 : i32 to index
        %get3A_642 = arith.constant 32 : index
        %get3A_643 = tpu.vector_load %arg28[%get3A_641, %get3A_642] {strides = array<i32>} : memref<128x64xf32, #tpu.memory_space<vmem>>, vector<16xf32>,
        %swap3A_644 = arith.index_cast %scan3A_628 : i32 to index
        %swap3A_645 = arith.constant 32 : index
        %swap3A_646 = tpu.vector_load %arg24[%swap3A_644, %swap3A_645] {strides = array<i32>} : memref<128x64xf32, #tpu.memory_space<vmem>>, vector<16xf32>,
        tpu.vector_store %arg24[%swap3A_644, %swap3A_645], %get3A_643 {add = true, strides = array<i32>} : memref<128x64xf32, #tpu.memory_space<vmem>>, vector<16xf32>,
        %get3A_647 = arith.index_cast %scan3A_628 : i32 to index
        %get3A_648 = arith.constant 48 : index
        %get3A_649 = tpu.vector_load %arg28[%get3A_647, %get3A_648] {strides = array<i32>} : memref<128x64xf32, #tpu.memory_space<vmem>>, vector<16xf32>,
        %swap3A_650 = arith.index_cast %scan3A_628 : i32 to index
        %swap3A_651 = arith.constant 48 : index
        %swap3A_652 = tpu.vector_load %arg24[%swap3A_650, %swap3A_651] {strides = array<i32>} : memref<128x64xf32, #tpu.memory_space<vmem>>, vector<16xf32>,
        tpu.vector_store %arg24[%swap3A_650, %swap3A_651], %get3A_649 {add = true, strides = array<i32>} : memref<128x64xf32, #tpu.memory_space<vmem>>, vector<16xf32>,
        %scan3A_653 = arith.constant 6 : i32
        %scan3A_654 = arith.addi %scan3A_498, %scan3A_653 : i32
        %get3A_655 = arith.index_cast %scan3A_654 : i32 to index
        %get3A_656 = arith.constant 0 : index
        %get3A_657 = tpu.vector_load %arg28[%get3A_655, %get3A_656] {strides = array<i32>} : memref<128x64xf32, #tpu.memory_space<vmem>>, vector<16xf32>,
        %swap3A_658 = arith.index_cast %scan3A_654 : i32 to index
        %swap3A_659 = arith.constant 0 : index
        %swap3A_660 = tpu.vector_load %arg24[%swap3A_658, %swap3A_659] {strides = array<i32>} : memref<128x64xf32, #tpu.memory_space<vmem>>, vector<16xf32>,
        tpu.vector_store %arg24[%swap3A_658, %swap3A_659], %get3A_657 {add = true, strides = array<i32>} : memref<128x64xf32, #tpu.memory_space<vmem>>, vector<16xf32>,
        %get3A_661 = arith.index_cast %scan3A_654 : i32 to index
        %get3A_662 = arith.constant 16 : index
        %get3A_663 = tpu.vector_load %arg28[%get3A_661, %get3A_662] {strides = array<i32>} : memref<128x64xf32, #tpu.memory_space<vmem>>, vector<16xf32>,
        %swap3A_664 = arith.index_cast %scan3A_654 : i32 to index
        %swap3A_665 = arith.constant 16 : index
        %swap3A_666 = tpu.vector_load %arg24[%swap3A_664, %swap3A_665] {strides = array<i32>} : memref<128x64xf32, #tpu.memory_space<vmem>>, vector<16xf32>,
        tpu.vector_store %arg24[%swap3A_664, %swap3A_665], %get3A_663 {add = true, strides = array<i32>} : memref<128x64xf32, #tpu.memory_space<vmem>>, vector<16xf32>,
        %get3A_667 = arith.index_cast %scan3A_654 : i32 to index
        %get3A_668 = arith.constant 32 : index
        %get3A_669 = tpu.vector_load %arg28[%get3A_667, %get3A_668] {strides = array<i32>} : memref<128x64xf32, #tpu.memory_space<vmem>>, vector<16xf32>,
        %swap3A_670 = arith.index_cast %scan3A_654 : i32 to index
        %swap3A_671 = arith.constant 32 : index
        %swap3A_672 = tpu.vector_load %arg24[%swap3A_670, %swap3A_671] {strides = array<i32>} : memref<128x64xf32, #tpu.memory_space<vmem>>, vector<16xf32>,
        tpu.vector_store %arg24[%swap3A_670, %swap3A_671], %get3A_669 {add = true, strides = array<i32>} : memref<128x64xf32, #tpu.memory_space<vmem>>, vector<16xf32>,
        %get3A_673 = arith.index_cast %scan3A_654 : i32 to index
        %get3A_674 = arith.constant 48 : index
        %get3A_675 = tpu.vector_load %arg28[%get3A_673, %get3A_674] {strides = array<i32>} : memref<128x64xf32, #tpu.memory_space<vmem>>, vector<16xf32>,
        %swap3A_676 = arith.index_cast %scan3A_654 : i32 to index
        %swap3A_677 = arith.constant 48 : index
        %swap3A_678 = tpu.vector_load %arg24[%swap3A_676, %swap3A_677] {strides = array<i32>} : memref<128x64xf32, #tpu.memory_space<vmem>>, vector<16xf32>,
        tpu.vector_store %arg24[%swap3A_676, %swap3A_677], %get3A_675 {add = true, strides = array<i32>} : memref<128x64xf32, #tpu.memory_space<vmem>>, vector<16xf32>,
        %scan3A_679 = arith.constant 7 : i32
        %scan3A_680 = arith.addi %scan3A_498, %scan3A_679 : i32
        %get3A_681 = arith.index_cast %scan3A_680 : i32 to index
        %get3A_682 = arith.constant 0 : index
        %get3A_683 = tpu.vector_load %arg28[%get3A_681, %get3A_682] {strides = array<i32>} : memref<128x64xf32, #tpu.memory_space<vmem>>, vector<16xf32>,
        %swap3A_684 = arith.index_cast %scan3A_680 : i32 to index
        %swap3A_685 = arith.constant 0 : index
        %swap3A_686 = tpu.vector_load %arg24[%swap3A_684, %swap3A_685] {strides = array<i32>} : memref<128x64xf32, #tpu.memory_space<vmem>>, vector<16xf32>,
        tpu.vector_store %arg24[%swap3A_684, %swap3A_685], %get3A_683 {add = true, strides = array<i32>} : memref<128x64xf32, #tpu.memory_space<vmem>>, vector<16xf32>,
        %get3A_687 = arith.index_cast %scan3A_680 : i32 to index
        %get3A_688 = arith.constant 16 : index
        %get3A_689 = tpu.vector_load %arg28[%get3A_687, %get3A_688] {strides = array<i32>} : memref<128x64xf32, #tpu.memory_space<vmem>>, vector<16xf32>,
        %swap3A_690 = arith.index_cast %scan3A_680 : i32 to index
        %swap3A_691 = arith.constant 16 : index
        %swap3A_692 = tpu.vector_load %arg24[%swap3A_690, %swap3A_691] {strides = array<i32>} : memref<128x64xf32, #tpu.memory_space<vmem>>, vector<16xf32>,
        tpu.vector_store %arg24[%swap3A_690, %swap3A_691], %get3A_689 {add = true, strides = array<i32>} : memref<128x64xf32, #tpu.memory_space<vmem>>, vector<16xf32>,
        %get3A_693 = arith.index_cast %scan3A_680 : i32 to index
        %get3A_694 = arith.constant 32 : index
        %get3A_695 = tpu.vector_load %arg28[%get3A_693, %get3A_694] {strides = array<i32>} : memref<128x64xf32, #tpu.memory_space<vmem>>, vector<16xf32>,
        %swap3A_696 = arith.index_cast %scan3A_680 : i32 to index
        %swap3A_697 = arith.constant 32 : index
        %swap3A_698 = tpu.vector_load %arg24[%swap3A_696, %swap3A_697] {strides = array<i32>} : memref<128x64xf32, #tpu.memory_space<vmem>>, vector<16xf32>,
        tpu.vector_store %arg24[%swap3A_696, %swap3A_697], %get3A_695 {add = true, strides = array<i32>} : memref<128x64xf32, #tpu.memory_space<vmem>>, vector<16xf32>,
        %get3A_699 = arith.index_cast %scan3A_680 : i32 to index
        %get3A_700 = arith.constant 48 : index
        %get3A_701 = tpu.vector_load %arg28[%get3A_699, %get3A_700] {strides = array<i32>} : memref<128x64xf32, #tpu.memory_space<vmem>>, vector<16xf32>,
        %swap3A_702 = arith.index_cast %scan3A_680 : i32 to index
        %swap3A_703 = arith.constant 48 : index
        %swap3A_704 = tpu.vector_load %arg24[%swap3A_702, %swap3A_703] {strides = array<i32>} : memref<128x64xf32, #tpu.memory_space<vmem>>, vector<16xf32>,
        tpu.vector_store %arg24[%swap3A_702, %swap3A_703], %get3A_701 {add = true, strides = array<i32>} : memref<128x64xf32, #tpu.memory_space<vmem>>, vector<16xf32>,
      }
      %scan3A_490 = arith.constant 128 : i32
      %mul3A_491 = arith.constant 128 : i32
      %mul3A_492 = arith.muli %add3A_471, %mul3A_491 : i32
      %add3A_493 = arith.addi %mul3A_4, %mul3A_492 : i32
      %dma_start3A_494 = arith.constant 0 : i32
      %dma_start3A_495 = tpu.memref_slice %arg8[%add3A_493, %dma_start3A_494] : memref<524288x64xf32, #tpu.memory_space<hbm>> -> memref<128x64xf32, #tpu.memory_space<hbm>>
      %dma_start3A_496 = arith.constant 0 : i32
      %dma_start3A_497 = tpu.memref_slice %arg8[%add3A_493, %dma_start3A_496] : memref<524288x64xf32, #tpu.memory_space<hbm>> -> memref<128x64xf32, #tpu.memory_space<hbm>>
      tpu.enqueue_dma source(%arg24 : memref<128x64xf32, #tpu.memory_space<vmem>>) target(%dma_start3A_497 : memref<128x64xf32, #tpu.memory_space<hbm>>) target_semaphore(%arg42 : memref<!tpu.dma_semaphore, #tpu.memory_space<semaphore_mem>>)
    }
    %scan3A_362 = arith.constant 32 : i32
    %dma_wait3A = arith.constant 0 : i32
    %dma_wait3A_363 = tpu.memref_slice %arg8[%mul3A_4, %dma_wait3A] : memref<524288x64xf32, #tpu.memory_space<hbm>> -> memref<128x64xf32, #tpu.memory_space<hbm>>
    %dma_wait3A_364 = arith.constant 0 : i32
    %dma_wait3A_365 = tpu.memref_slice %arg8[%mul3A_4, %dma_wait3A_364] : memref<524288x64xf32, #tpu.memory_space<hbm>> -> memref<128x64xf32, #tpu.memory_space<hbm>>
    tpu.wait_dma2 semaphore(%arg39 : memref<!tpu.dma_semaphore, #tpu.memory_space<semaphore_mem>>) src(%arg21 : memref<128x64xf32, #tpu.memory_space<vmem>>) dst(%dma_wait3A_365 : memref<128x64xf32, #tpu.memory_space<hbm>>)
    %dma_wait3A_366 = arith.constant 0 : i32
    %dma_wait3A_367 = tpu.memref_slice %arg8[%mul3A_4, %dma_wait3A_366] : memref<524288x64xf32, #tpu.memory_space<hbm>> -> memref<128x64xf32, #tpu.memory_space<hbm>>
    %dma_wait3A_368 = arith.constant 0 : i32
    %dma_wait3A_369 = tpu.memref_slice %arg8[%mul3A_4, %dma_wait3A_368] : memref<524288x64xf32, #tpu.memory_space<hbm>> -> memref<128x64xf32, #tpu.memory_space<hbm>>
    tpu.wait_dma2 semaphore(%arg40 : memref<!tpu.dma_semaphore, #tpu.memory_space<semaphore_mem>>) src(%arg22 : memref<128x64xf32, #tpu.memory_space<vmem>>) dst(%dma_wait3A_369 : memref<128x64xf32, #tpu.memory_space<hbm>>)
    %dma_wait3A_370 = arith.constant 0 : i32
    %dma_wait3A_371 = tpu.memref_slice %arg8[%mul3A_4, %dma_wait3A_370] : memref<524288x64xf32, #tpu.memory_space<hbm>> -> memref<128x64xf32, #tpu.memory_space<hbm>>
    %dma_wait3A_372 = arith.constant 0 : i32
    %dma_wait3A_373 = tpu.memref_slice %arg8[%mul3A_4, %dma_wait3A_372] : memref<524288x64xf32, #tpu.memory_space<hbm>> -> memref<128x64xf32, #tpu.memory_space<hbm>>
    tpu.wait_dma2 semaphore(%arg41 : memref<!tpu.dma_semaphore, #tpu.memory_space<semaphore_mem>>) src(%arg23 : memref<128x64xf32, #tpu.memory_space<vmem>>) dst(%dma_wait3A_373 : memref<128x64xf32, #tpu.memory_space<hbm>>)
    %dma_wait3A_374 = arith.constant 0 : i32
    %dma_wait3A_375 = tpu.memref_slice %arg8[%mul3A_4, %dma_wait3A_374] : memref<524288x64xf32, #tpu.memory_space<hbm>> -> memref<128x64xf32, #tpu.memory_space<hbm>>
    %dma_wait3A_376 = arith.constant 0 : i32
    %dma_wait3A_377 = tpu.memref_slice %arg8[%mul3A_4, %dma_wait3A_376] : memref<524288x64xf32, #tpu.memory_space<hbm>> -> memref<128x64xf32, #tpu.memory_space<hbm>>
    tpu.wait_dma2 semaphore(%arg42 : memref<!tpu.dma_semaphore, #tpu.memory_space<semaphore_mem>>) src(%arg24 : memref<128x64xf32, #tpu.memory_space<vmem>>) dst(%dma_wait3A_377 : memref<128x64xf32, #tpu.memory_space<hbm>>)
    return
  }
}

module attributes {stable_mosaic.version = 14 : i64} {
  func.func @_cm_body(%arg0: memref<8x256xi32, #tpu.memory_space<vmem>>, %arg1: memref<8x1xi32, #tpu.memory_space<vmem>>, %arg2: memref<8x256x256xi8, #tpu.memory_space<vmem>>) attributes {dimension_semantics = [], scalar_prefetch = 0 : i64, scratch_operands = 0 : i64, tpu.core_type = #tpu.core_type<tc>} {
    %get3A = arith.constant 0 : index
    %get3A_0 = arith.constant 0 : index
    %get3A_1 = vector.load %arg0[%get3A, %get3A_0] : memref<8x256xi32, #tpu.memory_space<vmem>>, vector<8x256xi32>
    %get3A_2 = arith.constant 0 : index
    %get3A_3 = arith.constant 0 : index
    %get3A_4 = vector.load %arg1[%get3A_2, %get3A_3] : memref<8x1xi32, #tpu.memory_space<vmem>>, vector<8x1xi32>
    %broadcast_in_dim3A = vector.shape_cast %get3A_1 : vector<8x256xi32> to vector<8x256x1xi32>
    %broadcast_in_dim3A_5 = vector.shape_cast %get3A_1 : vector<8x256xi32> to vector<8x1x256xi32>
    %lt3A = vector.broadcast %broadcast_in_dim3A : vector<8x256x1xi32> to vector<8x256x256xi32>
    %lt3A_6 = vector.broadcast %broadcast_in_dim3A_5 : vector<8x1x256xi32> to vector<8x256x256xi32>
    %lt3A_7 = arith.cmpi slt, %lt3A, %lt3A_6 : vector<8x256x256xi32>
    %iota3A = tpu.iota {dimensions = array<i32: 1>} : vector<8x256x256xi32>
    %iota3A_8 = tpu.iota {dimensions = array<i32: 2>} : vector<8x256x256xi32>
    %max3A = arith.maxsi %iota3A, %iota3A_8 : vector<8x256x256xi32>
    %broadcast_in_dim3A_9 = vector.shape_cast %get3A_4 : vector<8x1xi32> to vector<8x1x1xi32>
    %ge3A = vector.broadcast %broadcast_in_dim3A_9 : vector<8x1x1xi32> to vector<8x256x256xi32>
    %ge3A_10 = arith.cmpi sge, %max3A, %ge3A : vector<8x256x256xi32>
    %or3A = arith.ori %lt3A_7, %ge3A_10 : vector<8x256x256xi1>
    %ne3A = arith.cmpi ne, %iota3A, %iota3A_8 : vector<8x256x256xi32>
    %and3A = arith.andi %or3A, %ne3A : vector<8x256x256xi1>
    %convert_element_type3A = arith.extui %and3A : vector<8x256x256xi1> to vector<8x256x256xi8>
    %swap3A = arith.constant 0 : index
    %swap3A_11 = arith.constant 0 : index
    %swap3A_12 = arith.constant 0 : index
    %swap3A_13 = vector.load %arg2[%swap3A, %swap3A_11, %swap3A_12] : memref<8x256x256xi8, #tpu.memory_space<vmem>>, vector<8x256x256xi8>
    tpu.vector_store %arg2[%swap3A, %swap3A_11, %swap3A_12], %convert_element_type3A {strides = array<i32>} : memref<8x256x256xi8, #tpu.memory_space<vmem>>, vector<8x256x256xi8>,
    return
  }
}

</mosaic_0001>

<sc_bundles>
// kernel: kernel.4.cloned.1.call-start
scs
__scs_entry_jumppad:
0x0: {  	(pc) =	sbr.rel $0x88, $3  }
0x1: {  	(tag) =	ssettag $0x0;
	lr =	simm.s32 $0x1  }
0x2: {  	[smem:$0x3F9D] =	sst lr;
	_ =	strace $0xD0000000  }
0x3: {  	_ = 	snop  }
0x4: {  	_ = 	snop  }
0x5: {  	_ = 	snop  }
0x6: {  	_ = 	snop  }
0x7: {  	_ = 	snop  }
__scs_overlays_trampoline_lowered:
0x8: {  	[smem:$0x3FAC] =	sst s0  }
0x9: {  	[smem:$0x3FAD] =	sst s1  }
0xa: {  	[smem:$0x3FAE] =	sst s2  }
0xb: {  	[smem:$0x3FAF] =	sst s3  }
0xc: {  	[smem:$0x3FB0] =	sst s4  }
0xd: {  	[smem:$0x3FB1] =	sst s5  }
0xe: {  	[smem:$0x3FB2] =	sst s6  }
0xf: {  	[smem:$0x3FB3] =	sst s7  }
0x10: {  	[smem:$0x3FB4] =	sst s8  }
0x11: {  	[smem:$0x3FB5] =	sst s9;
	s0 =	simm.s32 @!p0 $0x0  }
0x12: {  	s1 =	sld [smem:$0x3F9B];
	s0 =	simm.s32 @p0 $0x1  }
0x13: {  	[smem:$0x3FB6] =	sst s0;
	s0 =	simm.s32 @!p1 $0x0  }
0x14: {  	s2 =	sld [smem:$0x3F9A];
	s0 =	simm.s32 @p1 $0x1  }
0x15: {  	[smem:$0x3FB7] =	sst s0;
	s0 =	simm.s32 @!p2 $0x0  }
0x16: {  	s3 =	sld [smem:$0x3FDB];
	s0 =	simm.s32 @p2 $0x1  }
0x17: {  	s4 =	simm.s32 $0x1BF5;
	[smem:$0x3FB9] =	sst s0  }
0x18: {  	s0 =	sld [smem:$0x3F9C];
	_ =	swait.ge [sflag:s4], $0x0  }
0x19: {  	s7 =	sld [smem:$0x3F9D]  }
0x1a: {  	s8 =	sadd.s32 $0xFFFFE003, lr  }
0x1b: {  	s9 =	sadd.s32 $0xFFFFFEF7, lr;
	s5 =	simm.s32 $0xFFFFFFFF;
	p2 =	slt.u32 s8, $0xFFFFF086  }
0x1c: {  	p1 =	slt.u32 s9, $0xF7A;
	s5 =	simm.s32 @!p2 $0x0  }
0x1d: {  	s5 =	simm.s32 @p1 $0x1;
	p0 =	seq.s32 s7, s2  }
0x1e: {  	s7 =	smul.u32 @!p0 $0xF7A, s2;
	p2 =	seq.s32 @!p0 s5, $0x0  }
0x1f: {  	s9 =	smul.u32 $0xF7A, s1;
	s8 =	simm.s32 @!p0 $0x1BF5;
	p2 =	por !p2, p0  }
0x20: {  	[sflag:s8] =	ssyncset.s32 @!p0 $0xFFFFF086;
	s6 =	sadd.s32 @!p0 s3, s7;
	s7 =	simm.s32 @!p0 $0x108  }
0x21: {  	s3 =	sadd.s32 s3, s9;
	s6 =	sadd.s32 @!p0 $0x88, s6;
	s7 =	simm.s32 @p2 $0x1082  }
0x22: {  	[simem:s7], [sflag:s8] =	dma.local @!p0 [hbm:s6], $0xF7A  }
0x23: {  	s9 =	sor.u32 $0xD0000000, s2;
	s6 =	simm.s32 $0x108;
	_ =	swait.ge @!p0 [sflag:s8], $0x0  }
0x24: {  	s3 =	sadd.s32 $0x88, s3;
	s6 =	simm.s32 @!p1 $0x1082;
	[sflag:s4] =	ssyncset.s32 $0xFFFFF086  }
0x25: {  	[simem:s6], [sflag:s4] =	dma.local [hbm:s3], $0xF7A  }
0x26: {  	[smem:$0x3F9D] =	sst s1;
	(tag) =	ssettag s2;
	_ =	strace s9  }
0x27: {  	s1 =	sld [smem:$0x3FAD]  }
0x28: {  	s2 =	sld [smem:$0x3FAE]  }
0x29: {  	s4 =	sld [smem:$0x3FB0]  }
0x2a: {  	p0 =	seq.s32 s5, $0x0;
	s5 =	sld [smem:$0x3FB1]  }
0x2b: {  	s6 =	sld [smem:$0x3FB2]  }
0x2c: {  	s7 =	sld [smem:$0x3FB3]  }
0x2d: {  	s3 =	simm.s32 $0x108;
	s8 =	sld [smem:$0x3FB4]  }
0x2e: {  	s3 =	simm.s32 @!p0 $0x1082;
	s9 =	sld [smem:$0x3FB5]  }
0x2f: {  	lr =	sadd.s32 s0, s3;
	s0 =	sld [smem:$0x3FAC]  }
0x30: {  	s3 =	sld [smem:$0x3FAF]  }
0x31: {  	[smem:$0x3FB8] =	sst s10  }
0x32: {  	s10 =	sld [smem:$0x3FB6];
	_ =	sdelay $0x3  }
0x33: {  	p0 =	seq.s32 s10, $0x1;
	s10 =	sld [smem:$0x3FB8];
	_ =	sdelay $0x3  }
0x34: {  	[smem:$0x3FB8] =	sst s10  }
0x35: {  	s10 =	sld [smem:$0x3FB7];
	_ =	sdelay $0x3  }
0x36: {  	p1 =	seq.s32 s10, $0x1;
	s10 =	sld [smem:$0x3FB8];
	_ =	sdelay $0x3  }
0x37: {  	[smem:$0x3FB8] =	sst s10  }
0x38: {  	s10 =	sld [smem:$0x3FB9]  }
0x39: {  	_ = 	snop;
	(pc) =	sbr.ind lr, $3  }
0x3a: {  	_ = 	snop  }
0x3b: {  	_ = 	snop  }
0x3c: {  	p2 =	seq.s32 s10, $0x1;
	s10 =	sld [smem:$0x3FB8]  }
0x3d: {  	_ =	shalt  }
0x3e: {  	_ =	shalt  }
0x3f: {  	_ =	shalt  }
0x40: {  	_ =	shalt  }
0x41: {  	_ =	shalt  }
0x42: {  	_ =	shalt  }
0x43: {  	_ =	shalt  }
0x44: {  	_ =	shalt  }
0x45: {  	_ =	shalt  }
0x46: {  	_ =	shalt  }
0x47: {  	_ =	shalt  }
0x48: {  	_ =	shalt  }
0x49: {  	_ =	shalt  }
0x4a: {  	_ =	shalt  }
0x4b: {  	_ =	shalt  }
0x4c: {  	_ =	shalt  }
0x4d: {  	_ =	shalt  }
0x4e: {  	_ =	shalt  }
0x4f: {  	_ =	shalt  }
0x50: {  	_ =	shalt  }
0x51: {  	_ =	shalt  }
0x52: {  	_ =	shalt  }
0x53: {  	_ =	shalt  }
0x54: {  	_ =	shalt  }
0x55: {  	_ =	shalt  }
0x56: {  	_ =	shalt  }
0x57: {  	_ =	shalt  }
0x58: {  	_ =	shalt  }
0x59: {  	_ =	shalt  }
0x5a: {  	_ =	shalt  }
0x5b: {  	_ =	shalt  }
0x5c: {  	_ =	shalt  }
0x5d: {  	_ =	shalt  }
0x5e: {  	_ =	shalt  }
0x5f: {  	_ =	shalt  }
0x60: {  	_ =	shalt  }
0x61: {  	_ =	shalt  }
0x62: {  	_ =	shalt  }
0x63: {  	_ =	shalt  }
0x64: {  	_ =	shalt  }
0x65: {  	_ =	shalt  }
0x66: {  	_ =	shalt  }
0x67: {  	_ =	shalt  }
0x68: {  	_ =	shalt  }
0x69: {  	_ =	shalt  }
0x6a: {  	_ =	shalt  }
0x6b: {  	_ =	shalt  }
0x6c: {  	_ =	shalt  }
0x6d: {  	_ =	shalt  }
0x6e: {  	_ =	shalt  }
0x6f: {  	_ =	shalt  }
0x70: {  	_ =	shalt  }
0x71: {  	_ =	shalt  }
0x72: {  	_ =	shalt  }
0x73: {  	_ =	shalt  }
0x74: {  	_ =	shalt  }
0x75: {  	_ =	shalt  }
0x76: {  	_ =	shalt  }
0x77: {  	_ =	shalt  }
0x78: {  	_ =	shalt  }
0x79: {  	_ =	shalt  }
0x7a: {  	_ =	shalt  }
0x7b: {  	_ =	shalt  }
0x7c: {  	_ =	shalt  }
0x7d: {  	_ =	shalt  }
0x7e: {  	_ =	shalt  }
0x7f: {  	_ =	shalt  }
0x80: {  	_ =	shalt  }
0x81: {  	_ =	shalt  }
0x82: {  	_ =	shalt  }
0x83: {  	_ =	shalt  }
0x84: {  	_ =	shalt  }
0x85: {  	_ =	shalt  }
0x86: {  	_ =	shalt  }
0x87: {  	_ =	shalt  }
.Lfunc_end0:
.L_simem_size_0:
called_computation.1_lowered:
.L_overlay_start_0:
0x88: {  	s2 =	sld [smem:$0x3FD9]  }
0x89: {  	s3 =	sld [smem:$0x3FFE];
	_ =	sdelay $0x1  }
0x8a: {  	s1 =	srdreg.scid  }
0x8b: {  	s0 =	sand.u32 $0x1, s1  }
0x8c: {  	s14 =	sshll.u32 s0, $0xA;
	s2 =	sadd.s32 s3, s2  }
0x8d: {  	s2 =	sadd.s32 s2, s14  }
0x8e: {  	[smem:$0x3FC4] =	sst s2  }
0x8f: {  	_ = 	snop  }
0x90: {  	s2 =	sld [smem:$0x3FD0];
	_ =	sdelay $0x2  }
0x91: {  	s15 =	simm.s32 $0xA;
	s4 =	simm.s32 $0x10  }
0x92: {  	[smem:s4], [sflag:s15] =	dma.local [hbm:s2], $0x1  }
0x93: {  	_ =	swait.eq [sflag:s15], $0x1  }
0x94: {  	[sflag:s15] =	ssyncset.done $0x0  }
0x95: {  	s16 =	sld [smem:$0x10];
	[sflag:s15] =	ssyncadd.s32 $0xFFFFFFFF  }
0x96: {  	s17 =	sld [smem:$0x11];
	(tm) =	ssettm $0x1  }
0x97: {  	s18 =	sld [smem:$0x3FFB];
	_ =	sdelay $0x3  }
0x98: {  	_ =	strace s18  }
0x99: {  	s4 =	sld [smem:$0x3FFC];
	_ =	sdelay $0x3  }
0x9a: {  	_ =	strace s4  }
0x9b: {  	s4 =	sld [smem:$0x3FFD];
	_ =	sdelay $0x3  }
0x9c: {  	_ =	strace s4  }
0x9d: {  	_ =	strace $0x8FFFFFFF  }
0x9e: {  	s19 =	sld [smem:$0x3FDB];
	_ =	sdelay $0x1  }
0x9f: {  	s5 =	simm.s32 $_scs_section_size  }
0xa0: {  	s6 =	simm.s32 $_size__tile_overlayer_lowered;
	s7 =	simm.s32 $_tile_overlayer_lowered  }
0xa1: {  	s22 =	simm.s32 $0x1BFF;
	s21 =	sshll.u32 s7, $0x1;
	s4 =	sadd.s32 s5, s19  }
0xa2: {  	s8 =	simm.s32 $0x0;
	s20 =	sshll.u32 s6, $0x1;
	s6 =	sadd.s32 s21, s4  }
0xa3: {  	[timem:s8], [sflag:s22] =	dma.local [hbm:s6], s20  }
0xa4: {  	_ =	swait.ge [sflag:s22], s20  }
0xa5: {  	s5 =	ssub.s32 $0x0, s20;
	[sflag:s22] =	ssyncset.done $0x0  }
0xa6: {  	[sflag:s22] =	ssyncadd.s32 s5;
	_ =	sdelay $0x1  }
0xa7: {  	s23 =	simm.s32 $0x1B8B  }
0xa8: {  	_ =	swait.ge [sflag:s23], $0x1  }
0xa9: {  	[sflag:s23] =	ssyncset.done $0x0  }
0xaa: {  	s25 =	simm.s32 $0x1B8E;
	s24 =	sld [smem:$0x3FFE];
	[sflag:s23] =	ssyncadd.s32 $0xFFFFFFFF  }
0xab: {  	s26 =	simm.s32 $execute0_lowered;
	[smem:$0x3FD2] =	sst s25  }
0xac: {  	s6 =	sshll.u32 s26, $0x1;
	_ =	strace $0x80000046;
	[dreg:$0x1] =	wrdreg $0xFFFFFFFF  }
0xad: {  	s28 =	simm.s32 $_size_execute0_lowered;
	s4 =	sadd.s32 s4, s6;
	[dreg:$0x0] =	wrdreg $0x0  }
0xae: {  	s6 =	sshll.u32 s28, $0x1;
	[dreg:$0x2] =	wrdreg s4  }
0xaf: {  	[dreg:$0x3] =	wrdreg s6  }
0xb0: {  	[dreg:$0x4] =	wrdreg $0xC0  }
0xb1: {  	_ =	task [dreg:s8], $0x5FFFF  }
0xb2: {  	[dreg:$0x1] =	wrdreg $0xFFFFFFFF  }
0xb3: {  	[dreg:$0x0] =	wrdreg $0x60  }
0xb4: {  	[dreg:$0x2] =	wrdreg s24  }
0xb5: {  	[dreg:$0x3] =	wrdreg s17  }
0xb6: {  	[dreg:$0x4] =	wrdreg s16  }
0xb7: {  	[dreg:$0x5] =	wrdreg $0x134000  }
0xb8: {  	[dreg:$0x6] =	wrdreg $0x154000  }
0xb9: {  	[dreg:$0x7] =	wrdreg $0x9  }
0xba: {  	_ =	task.clear_ibuf [dreg:s8], $0x8FFFF;
	_ =	strace $0x90000046  }
0xbb: {  	s29 =	simm.s32 $0x9;
	_ =	strace $0x80000048  }
0xbc: {  	_ =	swait.ge [sflag:s29], $0x1  }
0xbd: {  	[sflag:s29] =	ssyncadd.s32 $0xFFFFFFFF  }
0xbe: {  	_ =	strace $0x90000048  }
0xbf: {  	_ =	sfence  }
0xc0: {  	s30 =	sld [smem:$0x0];
	_ =	sdelay $0x2  }
0xc1: {  	s31 =	sshll.u32 s1, $0xD;
	s1 =	sshrl.u32 s1, $0x2  }
0xc2: {  	s3 =	sand.u32 $0x4000, s31;
	s1 =	sadd.s32 s1, s30  }
0xc3: {  	s0 =	sor.u32 s3, s0;
	s1 =	sshll.u32 s1, $0x11  }
0xc4: {  	s0 =	sor.u32 s1, s0  }
0xc5: {  	s0 =	sadd.s32 $0x8F2B, s0  }
0xc6: {  	[sflag:s0] =	ssyncadd.remote.s32 $0x1  }
0xc7: {  	_ =	sfence.sel $0xFFFF  }
0xc8: {  	[dreg:$0x0] =	wrdreg $0xFFFFFFFF;
	(pc) =	sbr.abs _section_cstart, $3  }
0xc9: {  	[dreg:$0x1] =	wrdreg $0xFFFFFFFF  }
0xca: {  	_ =	task.clear_ibuf [dreg:s8], $0x2FFFF;
	_ =	strace $0x9FFFFFFF  }
0xcb: {  	(tm) =	ssettm $0x7FFFFFFF  }
tec
execute0_lowered:
.L_overlay_start_1:
0x0: {  	(tag) =	ssettag $0x1  }
0x1: {  	s0 =	rddreg [dreg:$0x0]  }
0x2: {  	s8 =	rddreg [dreg:$0x2]  }
0x3: {  	s3 =	rddreg [dreg:$0x3]  }
0x4: {  	s4 =	rddreg [dreg:$0x4]  }
0x5: {  	s5 =	simm.s32 $0x0;
	s29 =	srdreg.scid;
	s30 =	stileid.u32  }
0x6: {  	s21 =	simm.s32 $0x80;
	s23 =	simm.s32 $0x3400;
	s28 =	simm.s32 $0x5400  }
0x7: {  	s17 =	simm.s32 $0x1;
	s18 =	simm.s32 $0x5;
	s9 =	simm.s32 $0x11400  }
0x8: {  	s10 =	simm.s32 $0x2;
	s14 =	simm.s32 $0x6;
	s19 =	simm.s32 $0x3  }
0x9: {  	s20 =	simm.s32 $0x7;
	s15 =	simm.s32 $0x4;
	s22 =	simm.s32 $0x8  }
0xa: {  	s24 =	simm.s32 $0x9;
	[smem:$0x7FF] =	sst s5;
	s1 =	sadd.s32 $0x1200, s0  }
0xb: {  	s25 =	sadd.s32 $0x1600, s0;
	_ =	strace $0x80000047;
	[dreg:$0x6] =	wrdreg s1  }
0xc: {  	s16 =	simm.s32 $0x0;
	s26 =	sadd.s32 $0x1400, s0;
	[dreg:$0x7] =	wrdreg s25  }
0xd: {  	s2 =	sadd.s32 $0x1800, s0;
	s7 =	sshll.u32 s30, $0xF;
	[dreg:$0x8] =	wrdreg s26  }
0xe: {  	s0 =	sadd.s32 $0x1A00, s0;
	[dreg:$0x9] =	wrdreg s2;
	s1 =	sand.u32 $0x1, s29  }
0xf: {  	p0 =	sne.s32 s30, $0x0;
	[dreg:$0xa] =	wrdreg s0;
	s6 =	ssub.s32 $0x2, s1  }
0x10: {  	s25 =	simm.s32 $0xA;
	s1 =	sshll.u32 s1, $0xE;
	s31 =	sshrl.u32 s6, $0x1  }
0x11: {  	s11 =	sor.u32 s1, s7;
	s7 =	simm.s32 $0x9400;
	s0 =	ssub.s32 s6, s31  }
0x12: {  	s12 =	sshrl.u32 s11, $0x7;
	s1 =	sshll.u32 s11, $0x3;
	s0 =	smax.u32 s0, $0x1  }
0x13: {  	s6 =	simm.s32 $0x3180;
	[dreg:$0xb] =	wrdreg s0;
	s0 =	sshrl.u32 @!p0 s3, $0x3  }
0x14: {  	s13 =	sadd.s32 s8, s1;
	[dreg:$0xc] =	wrdreg s0;
	s0 =	sshrl.u32 @!p0 s4, $0x3  }
0x15: {  	s8 =	simm.s32 $0x3380;
	[dreg:$0xd] =	wrdreg s0;
	s0 =	simm.s32 $0x7400  }
.LBB2_1:
0x16: {  	[dreg:$0xe] =	wrdreg s16  }
0x17: {  	s1 =	rddreg [dreg:$0x6];
	s2 =	simm.s32 $0xD  }
0x18: {  	[tilespmem:s5], [sflag:$0xD] =	stream.linear.gather [hbm4b:s1+s5], $0x800, $0x38;
	[tilespmem:$0x19400] =	vst v63  }
0x19: {  	_ =	swait.ge [sflag:s2], $0x800  }
0x1a: {  	[sflag:s2] =	ssyncset.done $0x0  }
0x1b: {  	s31 =	simm.s32 $0x800;
	s30 =	rddreg [dreg:$0x7];
	[sflag:s2] =	ssyncadd.s32 $0xFFFFF800  }
0x1c: {  	[tilespmem:s31], [sflag:$0xD] =	stream.linear.gather [hbm4b:s30+s5], $0x800, $0x38;
	[tilespmem:$0x19400] =	vst v63  }
0x1d: {  	_ =	swait.ge [sflag:s2], $0x800  }
0x1e: {  	[sflag:s2] =	ssyncset.done $0x0  }
0x1f: {  	s29 =	simm.s32 $0x1000;
	s26 =	rddreg [dreg:$0x8];
	[sflag:s2] =	ssyncadd.s32 $0xFFFFF800  }
0x20: {  	[tilespmem:s29], [sflag:$0xD] =	stream.linear.gather [hbm4b:s26+s5], $0x1000, $0x38;
	[tilespmem:$0x19400] =	vst v63  }
0x21: {  	_ =	swait.ge [sflag:s2], $0x1000  }
0x22: {  	[sflag:s2] =	ssyncset.done $0x0  }
0x23: {  	s31 =	simm.s32 $0x2000;
	s30 =	rddreg [dreg:$0x9];
	[sflag:s2] =	ssyncadd.s32 $0xFFFFF000  }
0x24: {  	[tilespmem:s31], [sflag:$0xD] =	stream.linear.gather [hbm4b:s30+s5], $0x1000, $0x38;
	[tilespmem:$0x19400] =	vst v63  }
0x25: {  	_ =	swait.ge [sflag:s2], $0x1000  }
0x26: {  	[sflag:s2] =	ssyncset.done $0x0  }
0x27: {  	s16 =	rddreg [dreg:$0xc];
	[sflag:s2] =	ssyncadd.s32 $0xFFFFF000  }
0x28: {  	s1 =	simm.s32 @!p0 $0x1C0D;
	s2 =	rddreg [dreg:$0x1]  }
0x29: {  	[spmem:s16], [sflag:s1] =	dma.local @!p0 [hbm:s2], $0x4000  }
0x2a: {  	s2 =	simm.s32 @!p0 $0xD  }
0x2b: {  	_ =	swait.ge @!p0 [sflag:s2], $0x4000  }
0x2c: {  	[sflag:s2] =	ssyncset.done @!p0 $0x0;
	s16 =	rddreg [dreg:$0xa]  }
0x2d: {  	s26 =	rddreg [dreg:$0xd];
	[sflag:s2] =	ssyncadd.s32 @!p0 $0xFFFFC000  }
0x2e: {  	[spmem:s26], [sflag:s1] =	dma.local @!p0 [hbm:s16], $0x7FF8  }
0x2f: {  	_ =	swait.ge @!p0 [sflag:s2], $0x7FF8  }
0x30: {  	[sflag:s2] =	ssyncset.done @!p0 $0x0  }
0x31: {  	[sflag:s2] =	ssyncadd.s32 @!p0 $0xFFFF8008  }
0x32: {  	[bflag:$0x0] =	sbarrier.arrive $0xFFFF  }
0x33: {  	v0 =	vld [tilespmem:s12+$0x1000]  }
0x34: {  	v1 =	vld [tilespmem:$0x0]  }
0x35: {  	v2 =	vld [tilespmem:s12+$0x2000]  }
0x36: {  	v3 =	vld [tilespmem:$0x10]  }
0x37: {  	v4 =	vld [tilespmem:$0x800]  }
0x38: {  	v6 =	vld [tilespmem:$0x810]  }
0x39: {  	v8 =	vld [tilespmem:$0x820]  }
0x3a: {  	v56 =	vld [tilespmem:$0x830]  }
0x3b: {  	v61 =	vld [tilespmem:$0x840];
	v2 =	vadd.s32 $0x7FF, v2  }
0x3c: {  	v14 =	vld [tilespmem:$0x850];
	v52 =	vsub.s32 v2, v4  }
0x3d: {  	v19 =	vld [tilespmem:$0x860];
	v57 =	vsub.s32 v2, v6;
	[tilespmem:$0x3200] =	vst v52  }
0x3e: {  	v23 =	vld [tilespmem:$0x870];
	v62 =	vsub.s32 v2, v8;
	[tilespmem:$0x3210] =	vst v57  }
0x3f: {  	v5 =	vld [tilespmem:$0x20];
	v15 =	vsub.s32 v2, v56;
	[tilespmem:$0x3220] =	vst v62  }
0x40: {  	v7 =	vld [tilespmem:$0x30];
	v20 =	vsub.s32 v2, v61;
	[tilespmem:$0x3230] =	vst v15  }
0x41: {  	v53 =	vld [tilespmem:$0x40];
	v24 =	vsub.s32 v2, v14;
	[tilespmem:$0x3240] =	vst v20  }
0x42: {  	v58 =	vld [tilespmem:$0x50];
	v1 =	vsub.s32 v0, v1;
	v26 =	vsub.s32 v2, v19;
	[tilespmem:$0x3250] =	vst v24  }
0x43: {  	v63 =	vld [tilespmem:$0x60];
	v3 =	vsub.s32 v0, v3;
	vm0 =	vgt.s32 v1, $0x0;
	v27 =	vsub.s32 v2, v23;
	[tilespmem:$0x3260] =	vst v26  }
0x44: {  	v16 =	vld [tilespmem:$0x70];
	v55 =	vsub.s32 v0, v5;
	vm13 =	vgt.s32 v3, $0x0;
	v1 =	vnsel vm0, $0x0, v1;
	[tilespmem:$0x3270] =	vst v27  }
0x45: {  	v60 =	vsub.s32 v0, v7;
	vm14 =	vgt.s32 v55, $0x0;
	v54 =	vnsel vm13, $0x0, v3;
	[tilespmem:$0x3000] =	vst v1  }
0x46: {  	v13 =	vsub.s32 v0, v53;
	vm15 =	vgt.s32 v60, $0x0;
	v59 =	vnsel vm14, $0x0, v55;
	[tilespmem:$0x3010] =	vst v54  }
0x47: {  	v18 =	vsub.s32 v0, v58;
	vm4 =	vgt.s32 v13, $0x0;
	v12 =	vnsel vm15, $0x0, v60;
	[tilespmem:$0x3020] =	vst v59  }
0x48: {  	v22 =	vsub.s32 v0, v63;
	vm5 =	vgt.s32 v18, $0x0;
	v17 =	vnsel vm4, $0x0, v13;
	[tilespmem:$0x3030] =	vst v12  }
0x49: {  	v0 =	vsub.s32 v0, v16;
	vm6 =	vgt.s32 v22, $0x0;
	v21 =	vnsel vm5, $0x0, v18;
	[tilespmem:$0x3040] =	vst v17  }
0x4a: {  	vm7 =	vgt.s32 v0, $0x0;
	v25 =	vnsel vm6, $0x0, v22;
	[tilespmem:$0x3050] =	vst v21  }
0x4b: {  	v0 =	vnsel vm7, $0x0, v0;
	[tilespmem:$0x3060] =	vst v25  }
0x4c: {  	s2 =	simm.s32 $0x3000;
	[tilespmem:$0x3070] =	vst v0  }
0x4d: {  	[tilespmem:s23], [sflag:$0x1] =	stream.indirect.gather [spmem:s3], $0x40, s2, s21, $0xb8;
	[tilespmem:$0x19400] =	vst v63  }
0x4e: {  	s16 =	simm.s32 $0x3200;
	s26 =	simm.s32 $0xB400  }
0x4f: {  	[tilespmem:s26], [sflag:$0x5] =	stream.indirect.gather [spmem:s4], $0x40, s16, s21, $0xb8;
	[tilespmem:$0x19400] =	vst v63  }
0x50: {  	v0 =	vld [tilespmem:s12+$0x1000]  }
0x51: {  	v28 =	vld [tilespmem:$0x80]  }
0x52: {  	v29 =	vld [tilespmem:s12+$0x2000]  }
0x53: {  	v30 =	vld [tilespmem:$0x90]  }
0x54: {  	v31 =	vld [tilespmem:$0x880]  }
0x55: {  	v33 =	vld [tilespmem:$0x890]  }
0x56: {  	v35 =	vld [tilespmem:$0x8A0]  }
0x57: {  	v40 =	vld [tilespmem:$0x8B0]  }
0x58: {  	v45 =	vld [tilespmem:$0x8C0];
	v2 =	vadd.s32 $0x7FF, v29  }
0x59: {  	v50 =	vld [tilespmem:$0x8D0];
	v36 =	vsub.s32 v2, v31  }
0x5a: {  	v55 =	vld [tilespmem:$0x8E0];
	v41 =	vsub.s32 v2, v33;
	[tilespmem:$0x3280] =	vst v36  }
0x5b: {  	v59 =	vld [tilespmem:$0x8F0];
	v46 =	vsub.s32 v2, v35;
	[tilespmem:$0x3290] =	vst v41  }
0x5c: {  	v32 =	vld [tilespmem:$0xA0];
	v51 =	vsub.s32 v2, v40;
	[tilespmem:$0x32A0] =	vst v46  }
0x5d: {  	v34 =	vld [tilespmem:$0xB0];
	v56 =	vsub.s32 v2, v45;
	[tilespmem:$0x32B0] =	vst v51  }
0x5e: {  	v37 =	vld [tilespmem:$0xC0];
	v60 =	vsub.s32 v2, v50;
	[tilespmem:$0x32C0] =	vst v56  }
0x5f: {  	v42 =	vld [tilespmem:$0xD0];
	v1 =	vsub.s32 v0, v28;
	v62 =	vsub.s32 v2, v55;
	[tilespmem:$0x32D0] =	vst v60  }
0x60: {  	v47 =	vld [tilespmem:$0xE0];
	v3 =	vsub.s32 v0, v30;
	vm8 =	vgt.s32 v1, $0x0;
	v63 =	vsub.s32 v2, v59;
	[tilespmem:$0x32E0] =	vst v62  }
0x61: {  	v52 =	vld [tilespmem:$0xF0];
	v39 =	vsub.s32 v0, v32;
	vm9 =	vgt.s32 v3, $0x0;
	v1 =	vnsel vm8, $0x0, v1;
	[tilespmem:$0x32F0] =	vst v63  }
0x62: {  	v44 =	vsub.s32 v0, v34;
	vm10 =	vgt.s32 v39, $0x0;
	v38 =	vnsel vm9, $0x0, v3;
	[tilespmem:$0x3080] =	vst v1  }
0x63: {  	v49 =	vsub.s32 v0, v37;
	vm11 =	vgt.s32 v44, $0x0;
	v43 =	vnsel vm10, $0x0, v39;
	[tilespmem:$0x3090] =	vst v38  }
0x64: {  	v54 =	vsub.s32 v0, v42;
	vm12 =	vgt.s32 v49, $0x0;
	v48 =	vnsel vm11, $0x0, v44;
	[tilespmem:$0x30A0] =	vst v43  }
0x65: {  	v58 =	vsub.s32 v0, v47;
	vm13 =	vgt.s32 v54, $0x0;
	v53 =	vnsel vm12, $0x0, v49;
	[tilespmem:$0x30B0] =	vst v48  }
0x66: {  	v0 =	vsub.s32 v0, v52;
	vm14 =	vgt.s32 v58, $0x0;
	v57 =	vnsel vm13, $0x0, v54;
	[tilespmem:$0x30C0] =	vst v53  }
0x67: {  	vm15 =	vgt.s32 v0, $0x0;
	v61 =	vnsel vm14, $0x0, v58;
	[tilespmem:$0x30D0] =	vst v57  }
0x68: {  	v0 =	vnsel vm15, $0x0, v0;
	[tilespmem:$0x30E0] =	vst v61  }
0x69: {  	s29 =	simm.s32 $0x3080;
	[tilespmem:$0x30F0] =	vst v0  }
0x6a: {  	[tilespmem:s28], [sflag:$0x2] =	stream.indirect.gather [spmem:s3], $0x40, s29, s21, $0xb8;
	[tilespmem:$0x19400] =	vst v63  }
0x6b: {  	s30 =	simm.s32 $0x3280;
	s31 =	simm.s32 $0xD400;
	s26 =	simm.s32 $0x0  }
0x6c: {  	[tilespmem:s31], [sflag:$0x6] =	stream.indirect.gather [spmem:s4], $0x40, s30, s21, $0xb8;
	[tilespmem:$0x19400] =	vst v63  }
.LBB2_2:
0x6d: {  	p1 =	seq.s32 s26, $0x0  }
0x6e: {  	s1 =	simm.s32 @!p1 $0xB  }
0x6f: {  	s2 =	sshll.u32 s26, $0x2;
	_ =	swait.ge @!p1 [sflag:s1], $0x2000  }
0x70: {  	s30 =	sor.u32 $0x2, s2;
	s16 =	sand.u32 $0x70, s2;
	[sflag:s1] =	ssyncset.done @!p1 $0x0  }
0x71: {  	s31 =	sor.u32 s12, s16;
	[sflag:s1] =	ssyncadd.s32 @!p1 $0xFFFFE000;
	s1 =	sshll.u32 s30, $0x7  }
0x72: {  	s1 =	sand.u32 $0x700, s1;
	v0 =	vld [tilespmem:s31+$0x1000]  }
0x73: {  	v1 =	vld [tilespmem:s1+$0x0];
	_ =	sdelay $0x1  }
0x74: {  	v2 =	vld [tilespmem:s31+$0x2000]  }
0x75: {  	v3 =	vld [tilespmem:s1+$0x800];
	_ =	sdelay $0x1  }
0x76: {  	v1 =	vsub.s32 v0, v1  }
0x77: {  	vm0 =	vgt.s32 v1, $0x0  }
0x78: {  	v2 =	vadd.s32 $0x7FF, v2;
	v1 =	vnsel vm0, $0x0, v1  }
0x79: {  	[tilespmem:$0x3100] =	vst v1;
	v1 =	vsub.s32 v2, v3  }
0x7a: {  	[tilespmem:$0x3300] =	vst v1  }
0x7b: {  	v1 =	vld [tilespmem:s1+$0x10];
	_ =	sdelay $0x2  }
0x7c: {  	v3 =	vld [tilespmem:s1+$0x810];
	_ =	sdelay $0x1  }
0x7d: {  	v1 =	vsub.s32 v0, v1  }
0x7e: {  	vm9 =	vgt.s32 v1, $0x0  }
0x7f: {  	v1 =	vnsel vm9, $0x0, v1  }
0x80: {  	[tilespmem:$0x3110] =	vst v1;
	v1 =	vsub.s32 v2, v3  }
0x81: {  	[tilespmem:$0x3310] =	vst v1  }
0x82: {  	v1 =	vld [tilespmem:s1+$0x20];
	_ =	sdelay $0x2  }
0x83: {  	v3 =	vld [tilespmem:s1+$0x820];
	_ =	sdelay $0x1  }
0x84: {  	v1 =	vsub.s32 v0, v1  }
0x85: {  	vm10 =	vgt.s32 v1, $0x0  }
0x86: {  	v1 =	vnsel vm10, $0x0, v1  }
0x87: {  	[tilespmem:$0x3120] =	vst v1;
	v1 =	vsub.s32 v2, v3  }
0x88: {  	[tilespmem:$0x3320] =	vst v1  }
0x89: {  	v1 =	vld [tilespmem:s1+$0x30];
	_ =	sdelay $0x2  }
0x8a: {  	v3 =	vld [tilespmem:s1+$0x830];
	_ =	sdelay $0x1  }
0x8b: {  	v1 =	vsub.s32 v0, v1  }
0x8c: {  	vm11 =	vgt.s32 v1, $0x0  }
0x8d: {  	v1 =	vnsel vm11, $0x0, v1  }
0x8e: {  	[tilespmem:$0x3130] =	vst v1;
	v1 =	vsub.s32 v2, v3  }
0x8f: {  	[tilespmem:$0x3330] =	vst v1  }
0x90: {  	v1 =	vld [tilespmem:s1+$0x40];
	_ =	sdelay $0x2  }
0x91: {  	v3 =	vld [tilespmem:s1+$0x840];
	_ =	sdelay $0x1  }
0x92: {  	v1 =	vsub.s32 v0, v1  }
0x93: {  	vm12 =	vgt.s32 v1, $0x0  }
0x94: {  	v1 =	vnsel vm12, $0x0, v1  }
0x95: {  	[tilespmem:$0x3140] =	vst v1;
	v1 =	vsub.s32 v2, v3  }
0x96: {  	[tilespmem:$0x3340] =	vst v1  }
0x97: {  	v1 =	vld [tilespmem:s1+$0x50];
	_ =	sdelay $0x2  }
0x98: {  	v3 =	vld [tilespmem:s1+$0x850];
	_ =	sdelay $0x1  }
0x99: {  	v1 =	vsub.s32 v0, v1  }
0x9a: {  	vm13 =	vgt.s32 v1, $0x0  }
0x9b: {  	v1 =	vnsel vm13, $0x0, v1  }
0x9c: {  	[tilespmem:$0x3150] =	vst v1;
	v1 =	vsub.s32 v2, v3  }
0x9d: {  	[tilespmem:$0x3350] =	vst v1  }
0x9e: {  	v1 =	vld [tilespmem:s1+$0x60];
	_ =	sdelay $0x2  }
0x9f: {  	v3 =	vld [tilespmem:s1+$0x860];
	_ =	sdelay $0x1  }
0xa0: {  	v1 =	vsub.s32 v0, v1  }
0xa1: {  	vm14 =	vgt.s32 v1, $0x0  }
0xa2: {  	v1 =	vnsel vm14, $0x0, v1  }
0xa3: {  	[tilespmem:$0x3160] =	vst v1;
	v1 =	vsub.s32 v2, v3  }
0xa4: {  	[tilespmem:$0x3360] =	vst v1  }
0xa5: {  	v1 =	vld [tilespmem:s1+$0x70];
	_ =	sdelay $0x2  }
0xa6: {  	v3 =	vld [tilespmem:s1+$0x870];
	_ =	sdelay $0x1  }
0xa7: {  	v0 =	vsub.s32 v0, v1  }
0xa8: {  	vm15 =	vgt.s32 v0, $0x0  }
0xa9: {  	v0 =	vnsel vm15, $0x0, v0  }
0xaa: {  	[tilespmem:$0x3170] =	vst v0;
	v0 =	vsub.s32 v2, v3  }
0xab: {  	s16 =	simm.s32 $0x3100;
	[tilespmem:$0x3370] =	vst v0  }
0xac: {  	[tilespmem:s0], [sflag:$0x3] =	stream.indirect.gather [spmem:s3], $0x40, s16, s21, $0xb8;
	[tilespmem:$0x19400] =	vst v63  }
0xad: {  	s1 =	simm.s32 $0x3300;
	s16 =	simm.s32 $0xF400  }
0xae: {  	[tilespmem:s16], [sflag:$0x7] =	stream.indirect.gather [spmem:s4], $0x40, s1, s21, $0xb8;
	[tilespmem:$0x19400] =	vst v63  }
0xaf: {  	_ =	swait.ge [sflag:s17], $0x2000  }
0xb0: {  	[sflag:s17] =	ssyncset.done $0x0  }
0xb1: {  	[sflag:s17] =	ssyncadd.s32 $0xFFFFE000  }
0xb2: {  	_ =	swait.ge [sflag:s18], $0x2000  }
0xb3: {  	[sflag:s18] =	ssyncset.done $0x0  }
0xb4: {  	s29 =	simm.s32 $0x0;
	[sflag:s18] =	ssyncadd.s32 $0xFFFFE000  }
0xb5: {  	v0 =	vld [tilespmem:s29+$0xB5F0]  }
0xb6: {  	v1 =	vld [tilespmem:s29+$0xB400]  }
0xb7: {  	v2 =	vld [tilespmem:s29+$0xB410]  }
0xb8: {  	v3 =	vld [tilespmem:s29+$0xB420]  }
0xb9: {  	v4 =	vld [tilespmem:s29+$0xB430]  }
0xba: {  	v5 =	vld [tilespmem:s29+$0xB440]  }
0xbb: {  	v6 =	vld [tilespmem:s29+$0xB450]  }
0xbc: {  	v7 =	vld [tilespmem:s29+$0xB460]  }
0xbd: {  	v8 =	vld [tilespmem:s29+$0xB470]  }
0xbe: {  	v9 =	vld [tilespmem:s29+$0xB480]  }
0xbf: {  	v10 =	vld [tilespmem:s29+$0xB490]  }
0xc0: {  	v11 =	vld [tilespmem:s29+$0xB4A0]  }
0xc1: {  	v12 =	vld [tilespmem:s29+$0xB4B0]  }
0xc2: {  	v13 =	vld [tilespmem:s29+$0xB4C0]  }
0xc3: {  	v14 =	vld [tilespmem:s29+$0xB4D0]  }
0xc4: {  	v15 =	vld [tilespmem:s29+$0xB4E0]  }
0xc5: {  	v16 =	vld [tilespmem:s29+$0xB4F0]  }
0xc6: {  	v17 =	vld [tilespmem:s29+$0xB500]  }
0xc7: {  	v18 =	vld [tilespmem:s29+$0xB510]  }
0xc8: {  	v19 =	vld [tilespmem:s29+$0xB520]  }
0xc9: {  	v20 =	vld [tilespmem:s29+$0xB530]  }
0xca: {  	v21 =	vld [tilespmem:s29+$0xB540]  }
0xcb: {  	v22 =	vld [tilespmem:s29+$0xB550]  }
0xcc: {  	v23 =	vld [tilespmem:s29+$0xB560]  }
0xcd: {  	v24 =	vld [tilespmem:s29+$0xB570]  }
0xce: {  	v25 =	vld [tilespmem:s29+$0xB580]  }
0xcf: {  	v26 =	vld [tilespmem:s29+$0xB590]  }
0xd0: {  	v27 =	vld [tilespmem:s29+$0xB5A0]  }
0xd1: {  	v28 =	vld [tilespmem:s29+$0xB5B0]  }
0xd2: {  	v29 =	vld [tilespmem:s29+$0xB5C0]  }
0xd3: {  	v30 =	vld [tilespmem:s29+$0xB5D0]  }
0xd4: {  	[tilespmem:s29+$0x35F0] =	vst.add.f32.msk $0xffff, v0  }
0xd5: {  	v0 =	vld [tilespmem:s29+$0xB5E0]  }
0xd6: {  	[tilespmem:s29+$0x3400] =	vst.add.f32.msk $0xffff, v1  }
0xd7: {  	[tilespmem:s29+$0x3410] =	vst.add.f32.msk $0xffff, v2  }
0xd8: {  	[tilespmem:s29+$0x3420] =	vst.add.f32.msk $0xffff, v3  }
0xd9: {  	[tilespmem:s29+$0x3430] =	vst.add.f32.msk $0xffff, v4  }
0xda: {  	[tilespmem:s29+$0x3440] =	vst.add.f32.msk $0xffff, v5  }
0xdb: {  	[tilespmem:s29+$0x3450] =	vst.add.f32.msk $0xffff, v6  }
0xdc: {  	[tilespmem:s29+$0x3460] =	vst.add.f32.msk $0xffff, v7  }
0xdd: {  	[tilespmem:s29+$0x3470] =	vst.add.f32.msk $0xffff, v8  }
0xde: {  	[tilespmem:s29+$0x3480] =	vst.add.f32.msk $0xffff, v9  }
0xdf: {  	[tilespmem:s29+$0x3490] =	vst.add.f32.msk $0xffff, v10  }
0xe0: {  	[tilespmem:s29+$0x34A0] =	vst.add.f32.msk $0xffff, v11  }
0xe1: {  	[tilespmem:s29+$0x34B0] =	vst.add.f32.msk $0xffff, v12  }
0xe2: {  	[tilespmem:s29+$0x34C0] =	vst.add.f32.msk $0xffff, v13  }
0xe3: {  	[tilespmem:s29+$0x34D0] =	vst.add.f32.msk $0xffff, v14  }
0xe4: {  	[tilespmem:s29+$0x34E0] =	vst.add.f32.msk $0xffff, v15  }
0xe5: {  	[tilespmem:s29+$0x34F0] =	vst.add.f32.msk $0xffff, v16  }
0xe6: {  	[tilespmem:s29+$0x3500] =	vst.add.f32.msk $0xffff, v17  }
0xe7: {  	[tilespmem:s29+$0x3510] =	vst.add.f32.msk $0xffff, v18  }
0xe8: {  	[tilespmem:s29+$0x3520] =	vst.add.f32.msk $0xffff, v19  }
0xe9: {  	[tilespmem:s29+$0x3530] =	vst.add.f32.msk $0xffff, v20  }
0xea: {  	[tilespmem:s29+$0x3540] =	vst.add.f32.msk $0xffff, v21  }
0xeb: {  	[tilespmem:s29+$0x3550] =	vst.add.f32.msk $0xffff, v22  }
0xec: {  	[tilespmem:s29+$0x3560] =	vst.add.f32.msk $0xffff, v23  }
0xed: {  	[tilespmem:s29+$0x3570] =	vst.add.f32.msk $0xffff, v24  }
0xee: {  	[tilespmem:s29+$0x3580] =	vst.add.f32.msk $0xffff, v25  }
0xef: {  	[tilespmem:s29+$0x3590] =	vst.add.f32.msk $0xffff, v26  }
0xf0: {  	[tilespmem:s29+$0x35A0] =	vst.add.f32.msk $0xffff, v27  }
0xf1: {  	[tilespmem:s29+$0x35B0] =	vst.add.f32.msk $0xffff, v28  }
0xf2: {  	[tilespmem:s29+$0x35C0] =	vst.add.f32.msk $0xffff, v29  }
0xf3: {  	s1 =	simm.s32 $0x0;
	s16 =	simm.s32 $0x800;
	[tilespmem:s29+$0x35D0] =	vst.add.f32.msk $0xffff, v30  }
.LBB2_3:
0xf4: {  	s1 =	sadd.s32 $0x8, s1;
	[tilespmem:s29+$0x35E0] =	vst.add.f32.msk $0xffff, v0;
	s29 =	sshra.s32 s16, $0x2  }
0xf5: {  	v0 =	vld [tilespmem:s29+$0xB5F0];
	p2 =	slt.u32 s1, $0x78  }
0xf6: {  	v1 =	vld [tilespmem:s29+$0xB400]  }
0xf7: {  	v2 =	vld [tilespmem:s29+$0xB410]  }
0xf8: {  	v3 =	vld [tilespmem:s29+$0xB420]  }
0xf9: {  	v4 =	vld [tilespmem:s29+$0xB430]  }
0xfa: {  	[tilespmem:s29+$0x35F0] =	vst.add.f32.msk $0xffff, v0  }
0xfb: {  	v5 =	vld [tilespmem:s29+$0xB440]  }
0xfc: {  	v6 =	vld [tilespmem:s29+$0xB450]  }
0xfd: {  	v7 =	vld [tilespmem:s29+$0xB460]  }
0xfe: {  	v8 =	vld [tilespmem:s29+$0xB470]  }
0xff: {  	v9 =	vld [tilespmem:s29+$0xB480]  }
0x100: {  	v10 =	vld [tilespmem:s29+$0xB490]  }
0x101: {  	v11 =	vld [tilespmem:s29+$0xB4A0]  }
0x102: {  	v12 =	vld [tilespmem:s29+$0xB4B0]  }
0x103: {  	v13 =	vld [tilespmem:s29+$0xB4C0]  }
0x104: {  	v14 =	vld [tilespmem:s29+$0xB4D0]  }
0x105: {  	v15 =	vld [tilespmem:s29+$0xB4E0]  }
0x106: {  	v16 =	vld [tilespmem:s29+$0xB4F0]  }
0x107: {  	v17 =	vld [tilespmem:s29+$0xB500]  }
0x108: {  	v18 =	vld [tilespmem:s29+$0xB510]  }
0x109: {  	v19 =	vld [tilespmem:s29+$0xB520]  }
0x10a: {  	v20 =	vld [tilespmem:s29+$0xB530]  }
0x10b: {  	v21 =	vld [tilespmem:s29+$0xB540]  }
0x10c: {  	v22 =	vld [tilespmem:s29+$0xB550]  }
0x10d: {  	v23 =	vld [tilespmem:s29+$0xB560]  }
0x10e: {  	v24 =	vld [tilespmem:s29+$0xB570]  }
0x10f: {  	v25 =	vld [tilespmem:s29+$0xB580]  }
0x110: {  	v26 =	vld [tilespmem:s29+$0xB590]  }
0x111: {  	v27 =	vld [tilespmem:s29+$0xB5A0]  }
0x112: {  	v28 =	vld [tilespmem:s29+$0xB5B0]  }
0x113: {  	v29 =	vld [tilespmem:s29+$0xB5C0]  }
0x114: {  	v30 =	vld [tilespmem:s29+$0xB5D0]  }
0x115: {  	v0 =	vld [tilespmem:s29+$0xB5E0]  }
0x116: {  	[tilespmem:s29+$0x3400] =	vst.add.f32.msk $0xffff, v1  }
0x117: {  	[tilespmem:s29+$0x3410] =	vst.add.f32.msk $0xffff, v2  }
0x118: {  	[tilespmem:s29+$0x3420] =	vst.add.f32.msk $0xffff, v3  }
0x119: {  	[tilespmem:s29+$0x3430] =	vst.add.f32.msk $0xffff, v4  }
0x11a: {  	[tilespmem:s29+$0x3440] =	vst.add.f32.msk $0xffff, v5  }
0x11b: {  	[tilespmem:s29+$0x3450] =	vst.add.f32.msk $0xffff, v6  }
0x11c: {  	[tilespmem:s29+$0x3460] =	vst.add.f32.msk $0xffff, v7  }
0x11d: {  	[tilespmem:s29+$0x3470] =	vst.add.f32.msk $0xffff, v8  }
0x11e: {  	[tilespmem:s29+$0x3480] =	vst.add.f32.msk $0xffff, v9  }
0x11f: {  	[tilespmem:s29+$0x3490] =	vst.add.f32.msk $0xffff, v10  }
0x120: {  	[tilespmem:s29+$0x34A0] =	vst.add.f32.msk $0xffff, v11  }
0x121: {  	[tilespmem:s29+$0x34B0] =	vst.add.f32.msk $0xffff, v12  }
0x122: {  	[tilespmem:s29+$0x34C0] =	vst.add.f32.msk $0xffff, v13  }
0x123: {  	[tilespmem:s29+$0x34D0] =	vst.add.f32.msk $0xffff, v14  }
0x124: {  	[tilespmem:s29+$0x34E0] =	vst.add.f32.msk $0xffff, v15  }
0x125: {  	[tilespmem:s29+$0x34F0] =	vst.add.f32.msk $0xffff, v16  }
0x126: {  	[tilespmem:s29+$0x3500] =	vst.add.f32.msk $0xffff, v17  }
0x127: {  	[tilespmem:s29+$0x3510] =	vst.add.f32.msk $0xffff, v18  }
0x128: {  	[tilespmem:s29+$0x3520] =	vst.add.f32.msk $0xffff, v19  }
0x129: {  	[tilespmem:s29+$0x3530] =	vst.add.f32.msk $0xffff, v20  }
0x12a: {  	[tilespmem:s29+$0x3540] =	vst.add.f32.msk $0xffff, v21  }
0x12b: {  	[tilespmem:s29+$0x3550] =	vst.add.f32.msk $0xffff, v22  }
0x12c: {  	[tilespmem:s29+$0x3560] =	vst.add.f32.msk $0xffff, v23  }
0x12d: {  	[tilespmem:s29+$0x3570] =	vst.add.f32.msk $0xffff, v24  }
0x12e: {  	[tilespmem:s29+$0x3580] =	vst.add.f32.msk $0xffff, v25  }
.Ltmp0:
0x12f: {  	[tilespmem:s29+$0x3590] =	vst.add.f32.msk $0xffff, v26;
	(pc) =	sbr.rel @p2 .LBB2_3-.Ltmp0, $4  }
0x130: {  	[tilespmem:s29+$0x35A0] =	vst.add.f32.msk $0xffff, v27  }
0x131: {  	[tilespmem:s29+$0x35B0] =	vst.add.f32.msk $0xffff, v28  }
0x132: {  	[tilespmem:s29+$0x35C0] =	vst.add.f32.msk $0xffff, v29  }
0x133: {  	s16 =	sadd.s32 $0x800, s16;
	[tilespmem:s29+$0x35D0] =	vst.add.f32.msk $0xffff, v30  }
0x134: {  	s1 =	sshll.u32 s26, $0xC  }
0x135: {  	[tilespmem:s29+$0x35E0] =	vst.add.f32.msk $0xffff, v0;
	s1 =	sadd.s32 s1, s13  }
0x136: {  	[hbm4b:s1+s5] =	stream.linear.scatter [tilespmem:s23], [sflag:$0x9], $0x2000, $0x38;
	[tilespmem:$0x19400] =	vst v63  }
0x137: {  	s1 =	simm.s32 @!p1 $0xC  }
0x138: {  	_ =	swait.ge @!p1 [sflag:s1], $0x2000  }
0x139: {  	s29 =	sor.u32 $0x3, s2;
	[sflag:s1] =	ssyncset.done @!p1 $0x0  }
0x13a: {  	s16 =	sshll.u32 s29, $0x7;
	[sflag:s1] =	ssyncadd.s32 @!p1 $0xFFFFE000  }
0x13b: {  	s1 =	sand.u32 $0x780, s16;
	v0 =	vld [tilespmem:s31+$0x1000]  }
0x13c: {  	v1 =	vld [tilespmem:s1+$0x0];
	_ =	sdelay $0x1  }
0x13d: {  	v2 =	vld [tilespmem:s31+$0x2000]  }
0x13e: {  	v3 =	vld [tilespmem:s1+$0x800];
	_ =	sdelay $0x1  }
0x13f: {  	v1 =	vsub.s32 v0, v1  }
0x140: {  	vm0 =	vgt.s32 v1, $0x0  }
0x141: {  	v2 =	vadd.s32 $0x7FF, v2;
	v1 =	vnsel vm0, $0x0, v1  }
0x142: {  	[tilespmem:$0x3180] =	vst v1;
	v1 =	vsub.s32 v2, v3  }
0x143: {  	[tilespmem:$0x3380] =	vst v1  }
0x144: {  	v1 =	vld [tilespmem:s1+$0x10];
	_ =	sdelay $0x2  }
0x145: {  	v3 =	vld [tilespmem:s1+$0x810];
	_ =	sdelay $0x1  }
0x146: {  	v1 =	vsub.s32 v0, v1  }
0x147: {  	vm9 =	vgt.s32 v1, $0x0  }
0x148: {  	v1 =	vnsel vm9, $0x0, v1  }
0x149: {  	[tilespmem:$0x3190] =	vst v1;
	v1 =	vsub.s32 v2, v3  }
0x14a: {  	[tilespmem:$0x3390] =	vst v1  }
0x14b: {  	v1 =	vld [tilespmem:s1+$0x20];
	_ =	sdelay $0x2  }
0x14c: {  	v3 =	vld [tilespmem:s1+$0x820];
	_ =	sdelay $0x1  }
0x14d: {  	v1 =	vsub.s32 v0, v1  }
0x14e: {  	vm10 =	vgt.s32 v1, $0x0  }
0x14f: {  	v1 =	vnsel vm10, $0x0, v1  }
0x150: {  	[tilespmem:$0x31A0] =	vst v1;
	v1 =	vsub.s32 v2, v3  }
0x151: {  	[tilespmem:$0x33A0] =	vst v1  }
0x152: {  	v1 =	vld [tilespmem:s1+$0x30];
	_ =	sdelay $0x2  }
0x153: {  	v3 =	vld [tilespmem:s1+$0x830];
	_ =	sdelay $0x1  }
0x154: {  	v1 =	vsub.s32 v0, v1  }
0x155: {  	vm11 =	vgt.s32 v1, $0x0  }
0x156: {  	v1 =	vnsel vm11, $0x0, v1  }
0x157: {  	[tilespmem:$0x31B0] =	vst v1;
	v1 =	vsub.s32 v2, v3  }
0x158: {  	[tilespmem:$0x33B0] =	vst v1  }
0x159: {  	v1 =	vld [tilespmem:s1+$0x40];
	_ =	sdelay $0x2  }
0x15a: {  	v3 =	vld [tilespmem:s1+$0x840];
	_ =	sdelay $0x1  }
0x15b: {  	v1 =	vsub.s32 v0, v1  }
0x15c: {  	vm12 =	vgt.s32 v1, $0x0  }
0x15d: {  	v1 =	vnsel vm12, $0x0, v1  }
0x15e: {  	[tilespmem:$0x31C0] =	vst v1;
	v1 =	vsub.s32 v2, v3  }
0x15f: {  	[tilespmem:$0x33C0] =	vst v1  }
0x160: {  	v1 =	vld [tilespmem:s1+$0x50];
	_ =	sdelay $0x2  }
0x161: {  	v3 =	vld [tilespmem:s1+$0x850];
	_ =	sdelay $0x1  }
0x162: {  	v1 =	vsub.s32 v0, v1  }
0x163: {  	vm13 =	vgt.s32 v1, $0x0  }
0x164: {  	v1 =	vnsel vm13, $0x0, v1  }
0x165: {  	[tilespmem:$0x31D0] =	vst v1;
	v1 =	vsub.s32 v2, v3  }
0x166: {  	[tilespmem:$0x33D0] =	vst v1  }
0x167: {  	v1 =	vld [tilespmem:s1+$0x60];
	_ =	sdelay $0x2  }
0x168: {  	v3 =	vld [tilespmem:s1+$0x860];
	_ =	sdelay $0x1  }
0x169: {  	v1 =	vsub.s32 v0, v1  }
0x16a: {  	vm14 =	vgt.s32 v1, $0x0  }
0x16b: {  	v1 =	vnsel vm14, $0x0, v1  }
0x16c: {  	[tilespmem:$0x31E0] =	vst v1;
	v1 =	vsub.s32 v2, v3  }
0x16d: {  	[tilespmem:$0x33E0] =	vst v1  }
0x16e: {  	v1 =	vld [tilespmem:s1+$0x70];
	_ =	sdelay $0x2  }
0x16f: {  	v3 =	vld [tilespmem:s1+$0x870];
	_ =	sdelay $0x1  }
0x170: {  	v0 =	vsub.s32 v0, v1  }
0x171: {  	vm15 =	vgt.s32 v0, $0x0  }
0x172: {  	v0 =	vnsel vm15, $0x0, v0  }
0x173: {  	[tilespmem:$0x31F0] =	vst v0;
	v0 =	vsub.s32 v2, v3  }
0x174: {  	[tilespmem:$0x33F0] =	vst v0  }
0x175: {  	[tilespmem:s7], [sflag:$0x4] =	stream.indirect.gather [spmem:s3], $0x40, s6, s21, $0xb8;
	[tilespmem:$0x19400] =	vst v63  }
0x176: {  	_ = 	snop  }
0x177: {  	[tilespmem:s9], [sflag:$0x8] =	stream.indirect.gather [spmem:s4], $0x40, s8, s21, $0xb8;
	[tilespmem:$0x19400] =	vst v63  }
0x178: {  	_ =	swait.ge [sflag:s10], $0x2000  }
0x179: {  	[sflag:s10] =	ssyncset.done $0x0  }
0x17a: {  	[sflag:s10] =	ssyncadd.s32 $0xFFFFE000  }
0x17b: {  	_ =	swait.ge [sflag:s14], $0x2000  }
0x17c: {  	[sflag:s14] =	ssyncset.done $0x0  }
0x17d: {  	s31 =	simm.s32 $0x0;
	[sflag:s14] =	ssyncadd.s32 $0xFFFFE000  }
0x17e: {  	v0 =	vld [tilespmem:s31+$0xD5F0]  }
0x17f: {  	v1 =	vld [tilespmem:s31+$0xD400]  }
0x180: {  	v2 =	vld [tilespmem:s31+$0xD410]  }
0x181: {  	v3 =	vld [tilespmem:s31+$0xD420]  }
0x182: {  	v4 =	vld [tilespmem:s31+$0xD430]  }
0x183: {  	v5 =	vld [tilespmem:s31+$0xD440]  }
0x184: {  	v6 =	vld [tilespmem:s31+$0xD450]  }
0x185: {  	v7 =	vld [tilespmem:s31+$0xD460]  }
0x186: {  	v8 =	vld [tilespmem:s31+$0xD470]  }
0x187: {  	v9 =	vld [tilespmem:s31+$0xD480]  }
0x188: {  	v10 =	vld [tilespmem:s31+$0xD490]  }
0x189: {  	v11 =	vld [tilespmem:s31+$0xD4A0]  }
0x18a: {  	v12 =	vld [tilespmem:s31+$0xD4B0]  }
0x18b: {  	v13 =	vld [tilespmem:s31+$0xD4C0]  }
0x18c: {  	v14 =	vld [tilespmem:s31+$0xD4D0]  }
0x18d: {  	v15 =	vld [tilespmem:s31+$0xD4E0]  }
0x18e: {  	v16 =	vld [tilespmem:s31+$0xD4F0]  }
0x18f: {  	v17 =	vld [tilespmem:s31+$0xD500]  }
0x190: {  	v18 =	vld [tilespmem:s31+$0xD510]  }
0x191: {  	v19 =	vld [tilespmem:s31+$0xD520]  }
0x192: {  	v20 =	vld [tilespmem:s31+$0xD530]  }
0x193: {  	v21 =	vld [tilespmem:s31+$0xD540]  }
0x194: {  	v22 =	vld [tilespmem:s31+$0xD550]  }
0x195: {  	v23 =	vld [tilespmem:s31+$0xD560]  }
0x196: {  	v24 =	vld [tilespmem:s31+$0xD570]  }
0x197: {  	v25 =	vld [tilespmem:s31+$0xD580]  }
0x198: {  	v26 =	vld [tilespmem:s31+$0xD590]  }
0x199: {  	v27 =	vld [tilespmem:s31+$0xD5A0]  }
0x19a: {  	v28 =	vld [tilespmem:s31+$0xD5B0]  }
0x19b: {  	v29 =	vld [tilespmem:s31+$0xD5C0]  }
0x19c: {  	v30 =	vld [tilespmem:s31+$0xD5D0]  }
0x19d: {  	[tilespmem:s31+$0x55F0] =	vst.add.f32.msk $0xffff, v0  }
0x19e: {  	v0 =	vld [tilespmem:s31+$0xD5E0]  }
0x19f: {  	[tilespmem:s31+$0x5400] =	vst.add.f32.msk $0xffff, v1  }
0x1a0: {  	[tilespmem:s31+$0x5410] =	vst.add.f32.msk $0xffff, v2  }
0x1a1: {  	[tilespmem:s31+$0x5420] =	vst.add.f32.msk $0xffff, v3  }
0x1a2: {  	[tilespmem:s31+$0x5430] =	vst.add.f32.msk $0xffff, v4  }
0x1a3: {  	[tilespmem:s31+$0x5440] =	vst.add.f32.msk $0xffff, v5  }
0x1a4: {  	[tilespmem:s31+$0x5450] =	vst.add.f32.msk $0xffff, v6  }
0x1a5: {  	[tilespmem:s31+$0x5460] =	vst.add.f32.msk $0xffff, v7  }
0x1a6: {  	[tilespmem:s31+$0x5470] =	vst.add.f32.msk $0xffff, v8  }
0x1a7: {  	[tilespmem:s31+$0x5480] =	vst.add.f32.msk $0xffff, v9  }
0x1a8: {  	[tilespmem:s31+$0x5490] =	vst.add.f32.msk $0xffff, v10  }
0x1a9: {  	[tilespmem:s31+$0x54A0] =	vst.add.f32.msk $0xffff, v11  }
0x1aa: {  	[tilespmem:s31+$0x54B0] =	vst.add.f32.msk $0xffff, v12  }
0x1ab: {  	[tilespmem:s31+$0x54C0] =	vst.add.f32.msk $0xffff, v13  }
0x1ac: {  	[tilespmem:s31+$0x54D0] =	vst.add.f32.msk $0xffff, v14  }
0x1ad: {  	[tilespmem:s31+$0x54E0] =	vst.add.f32.msk $0xffff, v15  }
0x1ae: {  	[tilespmem:s31+$0x54F0] =	vst.add.f32.msk $0xffff, v16  }
0x1af: {  	[tilespmem:s31+$0x5500] =	vst.add.f32.msk $0xffff, v17  }
0x1b0: {  	[tilespmem:s31+$0x5510] =	vst.add.f32.msk $0xffff, v18  }
0x1b1: {  	[tilespmem:s31+$0x5520] =	vst.add.f32.msk $0xffff, v19  }
0x1b2: {  	[tilespmem:s31+$0x5530] =	vst.add.f32.msk $0xffff, v20  }
0x1b3: {  	[tilespmem:s31+$0x5540] =	vst.add.f32.msk $0xffff, v21  }
0x1b4: {  	[tilespmem:s31+$0x5550] =	vst.add.f32.msk $0xffff, v22  }
0x1b5: {  	[tilespmem:s31+$0x5560] =	vst.add.f32.msk $0xffff, v23  }
0x1b6: {  	[tilespmem:s31+$0x5570] =	vst.add.f32.msk $0xffff, v24  }
0x1b7: {  	[tilespmem:s31+$0x5580] =	vst.add.f32.msk $0xffff, v25  }
0x1b8: {  	[tilespmem:s31+$0x5590] =	vst.add.f32.msk $0xffff, v26  }
0x1b9: {  	[tilespmem:s31+$0x55A0] =	vst.add.f32.msk $0xffff, v27  }
0x1ba: {  	[tilespmem:s31+$0x55B0] =	vst.add.f32.msk $0xffff, v28  }
0x1bb: {  	[tilespmem:s31+$0x55C0] =	vst.add.f32.msk $0xffff, v29  }
0x1bc: {  	s2 =	simm.s32 $0x800;
	s1 =	simm.s32 $0x0;
	[tilespmem:s31+$0x55D0] =	vst.add.f32.msk $0xffff, v30  }
.LBB2_5:
0x1bd: {  	s1 =	sadd.s32 $0x8, s1;
	[tilespmem:s31+$0x55E0] =	vst.add.f32.msk $0xffff, v0;
	s31 =	sshra.s32 s2, $0x2  }
0x1be: {  	v0 =	vld [tilespmem:s31+$0xD5F0];
	p1 =	slt.u32 s1, $0x78  }
0x1bf: {  	v1 =	vld [tilespmem:s31+$0xD400]  }
0x1c0: {  	v2 =	vld [tilespmem:s31+$0xD410]  }
0x1c1: {  	v3 =	vld [tilespmem:s31+$0xD420]  }
0x1c2: {  	v4 =	vld [tilespmem:s31+$0xD430]  }
0x1c3: {  	[tilespmem:s31+$0x55F0] =	vst.add.f32.msk $0xffff, v0  }
0x1c4: {  	v5 =	vld [tilespmem:s31+$0xD440]  }
0x1c5: {  	v6 =	vld [tilespmem:s31+$0xD450]  }
0x1c6: {  	v7 =	vld [tilespmem:s31+$0xD460]  }
0x1c7: {  	v8 =	vld [tilespmem:s31+$0xD470]  }
0x1c8: {  	v9 =	vld [tilespmem:s31+$0xD480]  }
0x1c9: {  	v10 =	vld [tilespmem:s31+$0xD490]  }
0x1ca: {  	v11 =	vld [tilespmem:s31+$0xD4A0]  }
0x1cb: {  	v12 =	vld [tilespmem:s31+$0xD4B0]  }
0x1cc: {  	v13 =	vld [tilespmem:s31+$0xD4C0]  }
0x1cd: {  	v14 =	vld [tilespmem:s31+$0xD4D0]  }
0x1ce: {  	v15 =	vld [tilespmem:s31+$0xD4E0]  }
0x1cf: {  	v16 =	vld [tilespmem:s31+$0xD4F0]  }
0x1d0: {  	v17 =	vld [tilespmem:s31+$0xD500]  }
0x1d1: {  	v18 =	vld [tilespmem:s31+$0xD510]  }
0x1d2: {  	v19 =	vld [tilespmem:s31+$0xD520]  }
0x1d3: {  	v20 =	vld [tilespmem:s31+$0xD530]  }
0x1d4: {  	v21 =	vld [tilespmem:s31+$0xD540]  }
0x1d5: {  	v22 =	vld [tilespmem:s31+$0xD550]  }
0x1d6: {  	v23 =	vld [tilespmem:s31+$0xD560]  }
0x1d7: {  	v24 =	vld [tilespmem:s31+$0xD570]  }
0x1d8: {  	v25 =	vld [tilespmem:s31+$0xD580]  }
0x1d9: {  	v26 =	vld [tilespmem:s31+$0xD590]  }
0x1da: {  	v27 =	vld [tilespmem:s31+$0xD5A0]  }
0x1db: {  	v28 =	vld [tilespmem:s31+$0xD5B0]  }
0x1dc: {  	v29 =	vld [tilespmem:s31+$0xD5C0]  }
0x1dd: {  	v30 =	vld [tilespmem:s31+$0xD5D0]  }
0x1de: {  	v0 =	vld [tilespmem:s31+$0xD5E0]  }
0x1df: {  	[tilespmem:s31+$0x5400] =	vst.add.f32.msk $0xffff, v1  }
0x1e0: {  	[tilespmem:s31+$0x5410] =	vst.add.f32.msk $0xffff, v2  }
0x1e1: {  	[tilespmem:s31+$0x5420] =	vst.add.f32.msk $0xffff, v3  }
0x1e2: {  	[tilespmem:s31+$0x5430] =	vst.add.f32.msk $0xffff, v4  }
0x1e3: {  	[tilespmem:s31+$0x5440] =	vst.add.f32.msk $0xffff, v5  }
0x1e4: {  	[tilespmem:s31+$0x5450] =	vst.add.f32.msk $0xffff, v6  }
0x1e5: {  	[tilespmem:s31+$0x5460] =	vst.add.f32.msk $0xffff, v7  }
0x1e6: {  	[tilespmem:s31+$0x5470] =	vst.add.f32.msk $0xffff, v8  }
0x1e7: {  	[tilespmem:s31+$0x5480] =	vst.add.f32.msk $0xffff, v9  }
0x1e8: {  	[tilespmem:s31+$0x5490] =	vst.add.f32.msk $0xffff, v10  }
0x1e9: {  	[tilespmem:s31+$0x54A0] =	vst.add.f32.msk $0xffff, v11  }
0x1ea: {  	[tilespmem:s31+$0x54B0] =	vst.add.f32.msk $0xffff, v12  }
0x1eb: {  	[tilespmem:s31+$0x54C0] =	vst.add.f32.msk $0xffff, v13  }
0x1ec: {  	[tilespmem:s31+$0x54D0] =	vst.add.f32.msk $0xffff, v14  }
0x1ed: {  	[tilespmem:s31+$0x54E0] =	vst.add.f32.msk $0xffff, v15  }
0x1ee: {  	[tilespmem:s31+$0x54F0] =	vst.add.f32.msk $0xffff, v16  }
0x1ef: {  	[tilespmem:s31+$0x5500] =	vst.add.f32.msk $0xffff, v17  }
0x1f0: {  	[tilespmem:s31+$0x5510] =	vst.add.f32.msk $0xffff, v18  }
0x1f1: {  	[tilespmem:s31+$0x5520] =	vst.add.f32.msk $0xffff, v19  }
0x1f2: {  	[tilespmem:s31+$0x5530] =	vst.add.f32.msk $0xffff, v20  }
0x1f3: {  	[tilespmem:s31+$0x5540] =	vst.add.f32.msk $0xffff, v21  }
0x1f4: {  	[tilespmem:s31+$0x5550] =	vst.add.f32.msk $0xffff, v22  }
0x1f5: {  	[tilespmem:s31+$0x5560] =	vst.add.f32.msk $0xffff, v23  }
0x1f6: {  	[tilespmem:s31+$0x5570] =	vst.add.f32.msk $0xffff, v24  }
0x1f7: {  	[tilespmem:s31+$0x5580] =	vst.add.f32.msk $0xffff, v25  }
.Ltmp1:
0x1f8: {  	[tilespmem:s31+$0x5590] =	vst.add.f32.msk $0xffff, v26;
	(pc) =	sbr.rel @p1 .LBB2_5-.Ltmp1, $4  }
0x1f9: {  	[tilespmem:s31+$0x55A0] =	vst.add.f32.msk $0xffff, v27  }
0x1fa: {  	[tilespmem:s31+$0x55B0] =	vst.add.f32.msk $0xffff, v28  }
0x1fb: {  	[tilespmem:s31+$0x55C0] =	vst.add.f32.msk $0xffff, v29  }
0x1fc: {  	s2 =	sadd.s32 $0x800, s2;
	[tilespmem:s31+$0x55D0] =	vst.add.f32.msk $0xffff, v30  }
0x1fd: {  	s2 =	sshll.u32 s26, $0x9;
	p1 =	seq.s32 s26, $0x1F  }
.Ltmp2:
0x1fe: {  	s1 =	sadd.s32 s2, s11;
	(pc) =	sbr.rel @p1 .LBB2_8-.Ltmp2, $4  }
0x1ff: {  	s16 =	rddreg [dreg:$0x2];
	s1 =	sshll.u32 s1, $0x3  }
0x200: {  	s1 =	sadd.s32 s16, s1  }
0x201: {  	[tilespmem:s31+$0x55E0] =	vst.add.f32.msk $0xffff, v0;
	s1 =	sadd.s32 $0x400, s1  }
0x202: {  	[hbm4b:s1+s5] =	stream.linear.scatter [tilespmem:s28], [sflag:$0xA], $0x2000, $0x38;
	[tilespmem:$0x19400] =	vst v63  }
0x203: {  	s1 =	sadd.s32 $0x200, s2;
	_ =	swait.ge [sflag:s24], $0x2000  }
0x204: {  	s16 =	sadd.s32 s11, s1;
	[sflag:s24] =	ssyncset.done $0x0  }
0x205: {  	s1 =	sand.u32 $0x600, s1;
	s16 =	sshrl.u32 s16, $0x7;
	[sflag:s24] =	ssyncadd.s32 $0xFFFFE000  }
0x206: {  	s16 =	sand.u32 $0x1FF0, s16;
	v1 =	vld [tilespmem:s1+$0x0]  }
0x207: {  	v0 =	vld [tilespmem:s16+$0x1000]  }
0x208: {  	v2 =	vld [tilespmem:s16+$0x2000]  }
0x209: {  	v3 =	vld [tilespmem:s1+$0x800];
	_ =	sdelay $0x3  }
0x20a: {  	v1 =	vsub.s32 v0, v1;
	v2 =	vadd.s32 $0x7FF, v2  }
0x20b: {  	vm0 =	vgt.s32 v1, $0x0;
	v49 =	vsub.s32 v2, v3  }
0x20c: {  	v1 =	vnsel vm0, $0x0, v1;
	[tilespmem:$0x3200] =	vst v49  }
0x20d: {  	[tilespmem:$0x3000] =	vst v1  }
0x20e: {  	v1 =	vld [tilespmem:s1+$0x10]  }
0x20f: {  	v50 =	vld [tilespmem:s1+$0x810];
	_ =	sdelay $0x3  }
0x210: {  	v1 =	vsub.s32 v0, v1  }
0x211: {  	v51 =	vsub.s32 v2, v50;
	vm9 =	vgt.s32 v1, $0x0  }
0x212: {  	[tilespmem:$0x3210] =	vst v51;
	v1 =	vnsel vm9, $0x0, v1  }
0x213: {  	[tilespmem:$0x3010] =	vst v1  }
0x214: {  	v1 =	vld [tilespmem:s1+$0x20]  }
0x215: {  	v52 =	vld [tilespmem:s1+$0x820];
	_ =	sdelay $0x3  }
0x216: {  	v1 =	vsub.s32 v0, v1  }
0x217: {  	v53 =	vsub.s32 v2, v52;
	vm10 =	vgt.s32 v1, $0x0  }
0x218: {  	[tilespmem:$0x3220] =	vst v53;
	v1 =	vnsel vm10, $0x0, v1  }
0x219: {  	[tilespmem:$0x3020] =	vst v1  }
0x21a: {  	v1 =	vld [tilespmem:s1+$0x30]  }
0x21b: {  	v54 =	vld [tilespmem:s1+$0x830];
	_ =	sdelay $0x3  }
0x21c: {  	v1 =	vsub.s32 v0, v1  }
0x21d: {  	v55 =	vsub.s32 v2, v54;
	vm11 =	vgt.s32 v1, $0x0  }
0x21e: {  	[tilespmem:$0x3230] =	vst v55;
	v1 =	vnsel vm11, $0x0, v1  }
0x21f: {  	[tilespmem:$0x3030] =	vst v1  }
0x220: {  	v1 =	vld [tilespmem:s1+$0x40]  }
0x221: {  	v56 =	vld [tilespmem:s1+$0x840];
	_ =	sdelay $0x3  }
0x222: {  	v1 =	vsub.s32 v0, v1  }
0x223: {  	v57 =	vsub.s32 v2, v56;
	vm12 =	vgt.s32 v1, $0x0  }
0x224: {  	[tilespmem:$0x3240] =	vst v57;
	v1 =	vnsel vm12, $0x0, v1  }
0x225: {  	[tilespmem:$0x3040] =	vst v1  }
0x226: {  	v1 =	vld [tilespmem:s1+$0x50]  }
0x227: {  	v58 =	vld [tilespmem:s1+$0x850];
	_ =	sdelay $0x3  }
0x228: {  	v1 =	vsub.s32 v0, v1  }
0x229: {  	v59 =	vsub.s32 v2, v58;
	vm13 =	vgt.s32 v1, $0x0  }
0x22a: {  	[tilespmem:$0x3250] =	vst v59;
	v1 =	vnsel vm13, $0x0, v1  }
0x22b: {  	[tilespmem:$0x3050] =	vst v1  }
0x22c: {  	v1 =	vld [tilespmem:s1+$0x60]  }
0x22d: {  	v60 =	vld [tilespmem:s1+$0x860];
	_ =	sdelay $0x3  }
0x22e: {  	v1 =	vsub.s32 v0, v1  }
0x22f: {  	v61 =	vsub.s32 v2, v60;
	vm14 =	vgt.s32 v1, $0x0  }
0x230: {  	[tilespmem:$0x3260] =	vst v61;
	v1 =	vnsel vm14, $0x0, v1  }
0x231: {  	[tilespmem:$0x3060] =	vst v1  }
0x232: {  	v1 =	vld [tilespmem:s1+$0x70]  }
0x233: {  	v62 =	vld [tilespmem:s1+$0x870];
	_ =	sdelay $0x3  }
0x234: {  	v0 =	vsub.s32 v0, v1  }
0x235: {  	v63 =	vsub.s32 v2, v62;
	vm15 =	vgt.s32 v0, $0x0  }
0x236: {  	[tilespmem:$0x3270] =	vst v63;
	v0 =	vnsel vm15, $0x0, v0  }
0x237: {  	s31 =	simm.s32 $0x3000;
	[tilespmem:$0x3070] =	vst v0  }
0x238: {  	[tilespmem:s23], [sflag:$0x1] =	stream.indirect.gather [spmem:s3], $0x40, s31, s21, $0xb8;
	[tilespmem:$0x19400] =	vst v63  }
0x239: {  	s16 =	simm.s32 $0x3200;
	s31 =	simm.s32 $0xB400  }
0x23a: {  	[tilespmem:s31], [sflag:$0x5] =	stream.indirect.gather [spmem:s4], $0x40, s16, s21, $0xb8;
	[tilespmem:$0x19400] =	vst v63  }
.LBB2_8:
0x23b: {  	_ =	swait.ge [sflag:s19], $0x2000  }
0x23c: {  	[sflag:s19] =	ssyncset.done $0x0  }
0x23d: {  	[sflag:s19] =	ssyncadd.s32 $0xFFFFE000  }
0x23e: {  	_ =	swait.ge [sflag:s20], $0x2000  }
0x23f: {  	[sflag:s20] =	ssyncset.done $0x0  }
0x240: {  	s31 =	simm.s32 $0x0;
	[sflag:s20] =	ssyncadd.s32 $0xFFFFE000  }
0x241: {  	v0 =	vld [tilespmem:s31+$0xF5F0]  }
0x242: {  	v1 =	vld [tilespmem:s31+$0xF400]  }
0x243: {  	v2 =	vld [tilespmem:s31+$0xF410]  }
0x244: {  	v3 =	vld [tilespmem:s31+$0xF420]  }
0x245: {  	v4 =	vld [tilespmem:s31+$0xF430]  }
0x246: {  	v5 =	vld [tilespmem:s31+$0xF440]  }
0x247: {  	v6 =	vld [tilespmem:s31+$0xF450]  }
0x248: {  	v7 =	vld [tilespmem:s31+$0xF460]  }
0x249: {  	v8 =	vld [tilespmem:s31+$0xF470]  }
0x24a: {  	v9 =	vld [tilespmem:s31+$0xF480]  }
0x24b: {  	v10 =	vld [tilespmem:s31+$0xF490]  }
0x24c: {  	v11 =	vld [tilespmem:s31+$0xF4A0]  }
0x24d: {  	v12 =	vld [tilespmem:s31+$0xF4B0]  }
0x24e: {  	v13 =	vld [tilespmem:s31+$0xF4C0]  }
0x24f: {  	v14 =	vld [tilespmem:s31+$0xF4D0]  }
0x250: {  	v15 =	vld [tilespmem:s31+$0xF4E0]  }
0x251: {  	v16 =	vld [tilespmem:s31+$0xF4F0]  }
0x252: {  	v17 =	vld [tilespmem:s31+$0xF500]  }
0x253: {  	v18 =	vld [tilespmem:s31+$0xF510]  }
0x254: {  	v19 =	vld [tilespmem:s31+$0xF520]  }
0x255: {  	v20 =	vld [tilespmem:s31+$0xF530]  }
0x256: {  	v21 =	vld [tilespmem:s31+$0xF540]  }
0x257: {  	v22 =	vld [tilespmem:s31+$0xF550]  }
0x258: {  	v23 =	vld [tilespmem:s31+$0xF560]  }
0x259: {  	v24 =	vld [tilespmem:s31+$0xF570]  }
0x25a: {  	v25 =	vld [tilespmem:s31+$0xF580]  }
0x25b: {  	v26 =	vld [tilespmem:s31+$0xF590]  }
0x25c: {  	v27 =	vld [tilespmem:s31+$0xF5A0]  }
0x25d: {  	v28 =	vld [tilespmem:s31+$0xF5B0]  }
0x25e: {  	v29 =	vld [tilespmem:s31+$0xF5C0]  }
0x25f: {  	v30 =	vld [tilespmem:s31+$0xF5D0]  }
0x260: {  	[tilespmem:s31+$0x75F0] =	vst.add.f32.msk $0xffff, v0  }
0x261: {  	v0 =	vld [tilespmem:s31+$0xF5E0]  }
0x262: {  	[tilespmem:s31+$0x7400] =	vst.add.f32.msk $0xffff, v1  }
0x263: {  	[tilespmem:s31+$0x7410] =	vst.add.f32.msk $0xffff, v2  }
0x264: {  	[tilespmem:s31+$0x7420] =	vst.add.f32.msk $0xffff, v3  }
0x265: {  	[tilespmem:s31+$0x7430] =	vst.add.f32.msk $0xffff, v4  }
0x266: {  	[tilespmem:s31+$0x7440] =	vst.add.f32.msk $0xffff, v5  }
0x267: {  	[tilespmem:s31+$0x7450] =	vst.add.f32.msk $0xffff, v6  }
0x268: {  	[tilespmem:s31+$0x7460] =	vst.add.f32.msk $0xffff, v7  }
0x269: {  	[tilespmem:s31+$0x7470] =	vst.add.f32.msk $0xffff, v8  }
0x26a: {  	[tilespmem:s31+$0x7480] =	vst.add.f32.msk $0xffff, v9  }
0x26b: {  	[tilespmem:s31+$0x7490] =	vst.add.f32.msk $0xffff, v10  }
0x26c: {  	[tilespmem:s31+$0x74A0] =	vst.add.f32.msk $0xffff, v11  }
0x26d: {  	[tilespmem:s31+$0x74B0] =	vst.add.f32.msk $0xffff, v12  }
0x26e: {  	[tilespmem:s31+$0x74C0] =	vst.add.f32.msk $0xffff, v13  }
0x26f: {  	[tilespmem:s31+$0x74D0] =	vst.add.f32.msk $0xffff, v14  }
0x270: {  	[tilespmem:s31+$0x74E0] =	vst.add.f32.msk $0xffff, v15  }
0x271: {  	[tilespmem:s31+$0x74F0] =	vst.add.f32.msk $0xffff, v16  }
0x272: {  	[tilespmem:s31+$0x7500] =	vst.add.f32.msk $0xffff, v17  }
0x273: {  	[tilespmem:s31+$0x7510] =	vst.add.f32.msk $0xffff, v18  }
0x274: {  	[tilespmem:s31+$0x7520] =	vst.add.f32.msk $0xffff, v19  }
0x275: {  	[tilespmem:s31+$0x7530] =	vst.add.f32.msk $0xffff, v20  }
0x276: {  	[tilespmem:s31+$0x7540] =	vst.add.f32.msk $0xffff, v21  }
0x277: {  	[tilespmem:s31+$0x7550] =	vst.add.f32.msk $0xffff, v22  }
0x278: {  	[tilespmem:s31+$0x7560] =	vst.add.f32.msk $0xffff, v23  }
0x279: {  	[tilespmem:s31+$0x7570] =	vst.add.f32.msk $0xffff, v24  }
0x27a: {  	[tilespmem:s31+$0x7580] =	vst.add.f32.msk $0xffff, v25  }
0x27b: {  	[tilespmem:s31+$0x7590] =	vst.add.f32.msk $0xffff, v26  }
0x27c: {  	[tilespmem:s31+$0x75A0] =	vst.add.f32.msk $0xffff, v27  }
0x27d: {  	[tilespmem:s31+$0x75B0] =	vst.add.f32.msk $0xffff, v28  }
0x27e: {  	[tilespmem:s31+$0x75C0] =	vst.add.f32.msk $0xffff, v29  }
0x27f: {  	s1 =	simm.s32 $0x0;
	s16 =	simm.s32 $0x800;
	[tilespmem:s31+$0x75D0] =	vst.add.f32.msk $0xffff, v30  }
.LBB2_9:
0x280: {  	s1 =	sadd.s32 $0x8, s1;
	[tilespmem:s31+$0x75E0] =	vst.add.f32.msk $0xffff, v0;
	s31 =	sshra.s32 s16, $0x2  }
0x281: {  	v0 =	vld [tilespmem:s31+$0xF5F0];
	p2 =	slt.u32 s1, $0x78  }
0x282: {  	v1 =	vld [tilespmem:s31+$0xF400]  }
0x283: {  	v2 =	vld [tilespmem:s31+$0xF410]  }
0x284: {  	v3 =	vld [tilespmem:s31+$0xF420]  }
0x285: {  	v4 =	vld [tilespmem:s31+$0xF430]  }
0x286: {  	[tilespmem:s31+$0x75F0] =	vst.add.f32.msk $0xffff, v0  }
0x287: {  	v5 =	vld [tilespmem:s31+$0xF440]  }
0x288: {  	v6 =	vld [tilespmem:s31+$0xF450]  }
0x289: {  	v7 =	vld [tilespmem:s31+$0xF460]  }
0x28a: {  	v8 =	vld [tilespmem:s31+$0xF470]  }
0x28b: {  	v9 =	vld [tilespmem:s31+$0xF480]  }
0x28c: {  	v10 =	vld [tilespmem:s31+$0xF490]  }
0x28d: {  	v11 =	vld [tilespmem:s31+$0xF4A0]  }
0x28e: {  	v12 =	vld [tilespmem:s31+$0xF4B0]  }
0x28f: {  	v13 =	vld [tilespmem:s31+$0xF4C0]  }
0x290: {  	v14 =	vld [tilespmem:s31+$0xF4D0]  }
0x291: {  	v15 =	vld [tilespmem:s31+$0xF4E0]  }
0x292: {  	v16 =	vld [tilespmem:s31+$0xF4F0]  }
0x293: {  	v17 =	vld [tilespmem:s31+$0xF500]  }
0x294: {  	v18 =	vld [tilespmem:s31+$0xF510]  }
0x295: {  	v19 =	vld [tilespmem:s31+$0xF520]  }
0x296: {  	v20 =	vld [tilespmem:s31+$0xF530]  }
0x297: {  	v21 =	vld [tilespmem:s31+$0xF540]  }
0x298: {  	v22 =	vld [tilespmem:s31+$0xF550]  }
0x299: {  	v23 =	vld [tilespmem:s31+$0xF560]  }
0x29a: {  	v24 =	vld [tilespmem:s31+$0xF570]  }
0x29b: {  	v25 =	vld [tilespmem:s31+$0xF580]  }
0x29c: {  	v26 =	vld [tilespmem:s31+$0xF590]  }
0x29d: {  	v27 =	vld [tilespmem:s31+$0xF5A0]  }
0x29e: {  	v28 =	vld [tilespmem:s31+$0xF5B0]  }
0x29f: {  	v29 =	vld [tilespmem:s31+$0xF5C0]  }
0x2a0: {  	v30 =	vld [tilespmem:s31+$0xF5D0]  }
0x2a1: {  	v0 =	vld [tilespmem:s31+$0xF5E0]  }
0x2a2: {  	[tilespmem:s31+$0x7400] =	vst.add.f32.msk $0xffff, v1  }
0x2a3: {  	[tilespmem:s31+$0x7410] =	vst.add.f32.msk $0xffff, v2  }
0x2a4: {  	[tilespmem:s31+$0x7420] =	vst.add.f32.msk $0xffff, v3  }
0x2a5: {  	[tilespmem:s31+$0x7430] =	vst.add.f32.msk $0xffff, v4  }
0x2a6: {  	[tilespmem:s31+$0x7440] =	vst.add.f32.msk $0xffff, v5  }
0x2a7: {  	[tilespmem:s31+$0x7450] =	vst.add.f32.msk $0xffff, v6  }
0x2a8: {  	[tilespmem:s31+$0x7460] =	vst.add.f32.msk $0xffff, v7  }
0x2a9: {  	[tilespmem:s31+$0x7470] =	vst.add.f32.msk $0xffff, v8  }
0x2aa: {  	[tilespmem:s31+$0x7480] =	vst.add.f32.msk $0xffff, v9  }
0x2ab: {  	[tilespmem:s31+$0x7490] =	vst.add.f32.msk $0xffff, v10  }
0x2ac: {  	[tilespmem:s31+$0x74A0] =	vst.add.f32.msk $0xffff, v11  }
0x2ad: {  	[tilespmem:s31+$0x74B0] =	vst.add.f32.msk $0xffff, v12  }
0x2ae: {  	[tilespmem:s31+$0x74C0] =	vst.add.f32.msk $0xffff, v13  }
0x2af: {  	[tilespmem:s31+$0x74D0] =	vst.add.f32.msk $0xffff, v14  }
0x2b0: {  	[tilespmem:s31+$0x74E0] =	vst.add.f32.msk $0xffff, v15  }
0x2b1: {  	[tilespmem:s31+$0x74F0] =	vst.add.f32.msk $0xffff, v16  }
0x2b2: {  	[tilespmem:s31+$0x7500] =	vst.add.f32.msk $0xffff, v17  }
0x2b3: {  	[tilespmem:s31+$0x7510] =	vst.add.f32.msk $0xffff, v18  }
0x2b4: {  	[tilespmem:s31+$0x7520] =	vst.add.f32.msk $0xffff, v19  }
0x2b5: {  	[tilespmem:s31+$0x7530] =	vst.add.f32.msk $0xffff, v20  }
0x2b6: {  	[tilespmem:s31+$0x7540] =	vst.add.f32.msk $0xffff, v21  }
0x2b7: {  	[tilespmem:s31+$0x7550] =	vst.add.f32.msk $0xffff, v22  }
0x2b8: {  	[tilespmem:s31+$0x7560] =	vst.add.f32.msk $0xffff, v23  }
0x2b9: {  	[tilespmem:s31+$0x7570] =	vst.add.f32.msk $0xffff, v24  }
0x2ba: {  	[tilespmem:s31+$0x7580] =	vst.add.f32.msk $0xffff, v25  }
.Ltmp3:
0x2bb: {  	[tilespmem:s31+$0x7590] =	vst.add.f32.msk $0xffff, v26;
	(pc) =	sbr.rel @p2 .LBB2_9-.Ltmp3, $4  }
0x2bc: {  	[tilespmem:s31+$0x75A0] =	vst.add.f32.msk $0xffff, v27  }
0x2bd: {  	[tilespmem:s31+$0x75B0] =	vst.add.f32.msk $0xffff, v28  }
0x2be: {  	[tilespmem:s31+$0x75C0] =	vst.add.f32.msk $0xffff, v29  }
0x2bf: {  	s16 =	sadd.s32 $0x800, s16;
	[tilespmem:s31+$0x75D0] =	vst.add.f32.msk $0xffff, v30  }
.Ltmp4:
0x2c0: {  	(pc) =	sbr.rel @p1 .LBB2_12-.Ltmp4, $4  }
0x2c1: {  	_ = 	snop  }
0x2c2: {  	s1 =	sshll.u32 s30, $0xA  }
0x2c3: {  	[tilespmem:s31+$0x75E0] =	vst.add.f32.msk $0xffff, v0;
	s1 =	sadd.s32 s1, s13  }
0x2c4: {  	[hbm4b:s1+s5] =	stream.linear.scatter [tilespmem:s0], [sflag:$0xB], $0x2000, $0x38;
	[tilespmem:$0x19400] =	vst v63  }
0x2c5: {  	s1 =	sadd.s32 $0x280, s2;
	_ =	swait.ge [sflag:s25], $0x2000  }
0x2c6: {  	s2 =	sadd.s32 s11, s1;
	[sflag:s25] =	ssyncset.done $0x0  }
0x2c7: {  	s1 =	sand.u32 $0x680, s1;
	s2 =	sshrl.u32 s2, $0x7;
	[sflag:s25] =	ssyncadd.s32 $0xFFFFE000  }
0x2c8: {  	s2 =	sand.u32 $0x1FF0, s2;
	v1 =	vld [tilespmem:s1+$0x0]  }
0x2c9: {  	v0 =	vld [tilespmem:s2+$0x1000]  }
0x2ca: {  	v2 =	vld [tilespmem:s2+$0x2000]  }
0x2cb: {  	v3 =	vld [tilespmem:s1+$0x800];
	_ =	sdelay $0x3  }
0x2cc: {  	v1 =	vsub.s32 v0, v1;
	v2 =	vadd.s32 $0x7FF, v2  }
0x2cd: {  	vm0 =	vgt.s32 v1, $0x0;
	v49 =	vsub.s32 v2, v3  }
0x2ce: {  	v1 =	vnsel vm0, $0x0, v1;
	[tilespmem:$0x3280] =	vst v49  }
0x2cf: {  	[tilespmem:$0x3080] =	vst v1  }
0x2d0: {  	v1 =	vld [tilespmem:s1+$0x10]  }
0x2d1: {  	v50 =	vld [tilespmem:s1+$0x810];
	_ =	sdelay $0x3  }
0x2d2: {  	v1 =	vsub.s32 v0, v1  }
0x2d3: {  	v51 =	vsub.s32 v2, v50;
	vm9 =	vgt.s32 v1, $0x0  }
0x2d4: {  	[tilespmem:$0x3290] =	vst v51;
	v1 =	vnsel vm9, $0x0, v1  }
0x2d5: {  	[tilespmem:$0x3090] =	vst v1  }
0x2d6: {  	v1 =	vld [tilespmem:s1+$0x20]  }
0x2d7: {  	v52 =	vld [tilespmem:s1+$0x820];
	_ =	sdelay $0x3  }
0x2d8: {  	v1 =	vsub.s32 v0, v1  }
0x2d9: {  	v53 =	vsub.s32 v2, v52;
	vm10 =	vgt.s32 v1, $0x0  }
0x2da: {  	[tilespmem:$0x32A0] =	vst v53;
	v1 =	vnsel vm10, $0x0, v1  }
0x2db: {  	[tilespmem:$0x30A0] =	vst v1  }
0x2dc: {  	v1 =	vld [tilespmem:s1+$0x30]  }
0x2dd: {  	v54 =	vld [tilespmem:s1+$0x830];
	_ =	sdelay $0x3  }
0x2de: {  	v1 =	vsub.s32 v0, v1  }
0x2df: {  	v55 =	vsub.s32 v2, v54;
	vm11 =	vgt.s32 v1, $0x0  }
0x2e0: {  	[tilespmem:$0x32B0] =	vst v55;
	v1 =	vnsel vm11, $0x0, v1  }
0x2e1: {  	[tilespmem:$0x30B0] =	vst v1  }
0x2e2: {  	v1 =	vld [tilespmem:s1+$0x40]  }
0x2e3: {  	v56 =	vld [tilespmem:s1+$0x840];
	_ =	sdelay $0x3  }
0x2e4: {  	v1 =	vsub.s32 v0, v1  }
0x2e5: {  	v57 =	vsub.s32 v2, v56;
	vm12 =	vgt.s32 v1, $0x0  }
0x2e6: {  	[tilespmem:$0x32C0] =	vst v57;
	v1 =	vnsel vm12, $0x0, v1  }
0x2e7: {  	[tilespmem:$0x30C0] =	vst v1  }
0x2e8: {  	v1 =	vld [tilespmem:s1+$0x50]  }
0x2e9: {  	v58 =	vld [tilespmem:s1+$0x850];
	_ =	sdelay $0x3  }
0x2ea: {  	v1 =	vsub.s32 v0, v1  }
0x2eb: {  	v59 =	vsub.s32 v2, v58;
	vm13 =	vgt.s32 v1, $0x0  }
0x2ec: {  	[tilespmem:$0x32D0] =	vst v59;
	v1 =	vnsel vm13, $0x0, v1  }
0x2ed: {  	[tilespmem:$0x30D0] =	vst v1  }
0x2ee: {  	v1 =	vld [tilespmem:s1+$0x60]  }
0x2ef: {  	v60 =	vld [tilespmem:s1+$0x860];
	_ =	sdelay $0x3  }
0x2f0: {  	v1 =	vsub.s32 v0, v1  }
0x2f1: {  	v61 =	vsub.s32 v2, v60;
	vm14 =	vgt.s32 v1, $0x0  }
0x2f2: {  	[tilespmem:$0x32E0] =	vst v61;
	v1 =	vnsel vm14, $0x0, v1  }
0x2f3: {  	[tilespmem:$0x30E0] =	vst v1  }
0x2f4: {  	v1 =	vld [tilespmem:s1+$0x70]  }
0x2f5: {  	v62 =	vld [tilespmem:s1+$0x870];
	_ =	sdelay $0x3  }
0x2f6: {  	v0 =	vsub.s32 v0, v1  }
0x2f7: {  	v63 =	vsub.s32 v2, v62;
	vm15 =	vgt.s32 v0, $0x0  }
0x2f8: {  	[tilespmem:$0x32F0] =	vst v63;
	v0 =	vnsel vm15, $0x0, v0  }
0x2f9: {  	s16 =	simm.s32 $0x3080;
	[tilespmem:$0x30F0] =	vst v0  }
0x2fa: {  	[tilespmem:s28], [sflag:$0x2] =	stream.indirect.gather [spmem:s3], $0x40, s16, s21, $0xb8;
	[tilespmem:$0x19400] =	vst v63  }
0x2fb: {  	s30 =	simm.s32 $0x3280;
	s31 =	simm.s32 $0xD400  }
0x2fc: {  	[tilespmem:s31], [sflag:$0x6] =	stream.indirect.gather [spmem:s4], $0x40, s30, s21, $0xb8;
	[tilespmem:$0x19400] =	vst v63  }
.LBB2_12:
0x2fd: {  	_ =	swait.ge [sflag:s15], $0x2000  }
0x2fe: {  	[sflag:s15] =	ssyncset.done $0x0  }
0x2ff: {  	[sflag:s15] =	ssyncadd.s32 $0xFFFFE000  }
0x300: {  	_ =	swait.ge [sflag:s22], $0x2000  }
0x301: {  	[sflag:s22] =	ssyncset.done $0x0  }
0x302: {  	s2 =	simm.s32 $0x0;
	[sflag:s22] =	ssyncadd.s32 $0xFFFFE000  }
0x303: {  	v0 =	vld [tilespmem:s2+$0x115F0]  }
0x304: {  	v1 =	vld [tilespmem:s2+$0x11400]  }
0x305: {  	v2 =	vld [tilespmem:s2+$0x11410]  }
0x306: {  	v3 =	vld [tilespmem:s2+$0x11420]  }
0x307: {  	v4 =	vld [tilespmem:s2+$0x11430]  }
0x308: {  	v5 =	vld [tilespmem:s2+$0x11440]  }
0x309: {  	v6 =	vld [tilespmem:s2+$0x11450]  }
0x30a: {  	v7 =	vld [tilespmem:s2+$0x11460]  }
0x30b: {  	v8 =	vld [tilespmem:s2+$0x11470]  }
0x30c: {  	v9 =	vld [tilespmem:s2+$0x11480]  }
0x30d: {  	v10 =	vld [tilespmem:s2+$0x11490]  }
0x30e: {  	v11 =	vld [tilespmem:s2+$0x114A0]  }
0x30f: {  	v12 =	vld [tilespmem:s2+$0x114B0]  }
0x310: {  	v13 =	vld [tilespmem:s2+$0x114C0]  }
0x311: {  	v14 =	vld [tilespmem:s2+$0x114D0]  }
0x312: {  	v15 =	vld [tilespmem:s2+$0x114E0]  }
0x313: {  	v16 =	vld [tilespmem:s2+$0x114F0]  }
0x314: {  	v17 =	vld [tilespmem:s2+$0x11500]  }
0x315: {  	v18 =	vld [tilespmem:s2+$0x11510]  }
0x316: {  	v19 =	vld [tilespmem:s2+$0x11520]  }
0x317: {  	v20 =	vld [tilespmem:s2+$0x11530]  }
0x318: {  	v21 =	vld [tilespmem:s2+$0x11540]  }
0x319: {  	v22 =	vld [tilespmem:s2+$0x11550]  }
0x31a: {  	v23 =	vld [tilespmem:s2+$0x11560]  }
0x31b: {  	v24 =	vld [tilespmem:s2+$0x11570]  }
0x31c: {  	v25 =	vld [tilespmem:s2+$0x11580]  }
0x31d: {  	v26 =	vld [tilespmem:s2+$0x11590]  }
0x31e: {  	v27 =	vld [tilespmem:s2+$0x115A0]  }
0x31f: {  	v28 =	vld [tilespmem:s2+$0x115B0]  }
0x320: {  	v29 =	vld [tilespmem:s2+$0x115C0]  }
0x321: {  	v30 =	vld [tilespmem:s2+$0x115D0]  }
0x322: {  	[tilespmem:s2+$0x95F0] =	vst.add.f32.msk $0xffff, v0  }
0x323: {  	v0 =	vld [tilespmem:s2+$0x115E0]  }
0x324: {  	[tilespmem:s2+$0x9400] =	vst.add.f32.msk $0xffff, v1  }
0x325: {  	[tilespmem:s2+$0x9410] =	vst.add.f32.msk $0xffff, v2  }
0x326: {  	[tilespmem:s2+$0x9420] =	vst.add.f32.msk $0xffff, v3  }
0x327: {  	[tilespmem:s2+$0x9430] =	vst.add.f32.msk $0xffff, v4  }
0x328: {  	[tilespmem:s2+$0x9440] =	vst.add.f32.msk $0xffff, v5  }
0x329: {  	[tilespmem:s2+$0x9450] =	vst.add.f32.msk $0xffff, v6  }
0x32a: {  	[tilespmem:s2+$0x9460] =	vst.add.f32.msk $0xffff, v7  }
0x32b: {  	[tilespmem:s2+$0x9470] =	vst.add.f32.msk $0xffff, v8  }
0x32c: {  	[tilespmem:s2+$0x9480] =	vst.add.f32.msk $0xffff, v9  }
0x32d: {  	[tilespmem:s2+$0x9490] =	vst.add.f32.msk $0xffff, v10  }
0x32e: {  	[tilespmem:s2+$0x94A0] =	vst.add.f32.msk $0xffff, v11  }
0x32f: {  	[tilespmem:s2+$0x94B0] =	vst.add.f32.msk $0xffff, v12  }
0x330: {  	[tilespmem:s2+$0x94C0] =	vst.add.f32.msk $0xffff, v13  }
0x331: {  	[tilespmem:s2+$0x94D0] =	vst.add.f32.msk $0xffff, v14  }
0x332: {  	[tilespmem:s2+$0x94E0] =	vst.add.f32.msk $0xffff, v15  }
0x333: {  	[tilespmem:s2+$0x94F0] =	vst.add.f32.msk $0xffff, v16  }
0x334: {  	[tilespmem:s2+$0x9500] =	vst.add.f32.msk $0xffff, v17  }
0x335: {  	[tilespmem:s2+$0x9510] =	vst.add.f32.msk $0xffff, v18  }
0x336: {  	[tilespmem:s2+$0x9520] =	vst.add.f32.msk $0xffff, v19  }
0x337: {  	[tilespmem:s2+$0x9530] =	vst.add.f32.msk $0xffff, v20  }
0x338: {  	[tilespmem:s2+$0x9540] =	vst.add.f32.msk $0xffff, v21  }
0x339: {  	[tilespmem:s2+$0x9550] =	vst.add.f32.msk $0xffff, v22  }
0x33a: {  	[tilespmem:s2+$0x9560] =	vst.add.f32.msk $0xffff, v23  }
0x33b: {  	[tilespmem:s2+$0x9570] =	vst.add.f32.msk $0xffff, v24  }
0x33c: {  	[tilespmem:s2+$0x9580] =	vst.add.f32.msk $0xffff, v25  }
0x33d: {  	[tilespmem:s2+$0x9590] =	vst.add.f32.msk $0xffff, v26  }
0x33e: {  	[tilespmem:s2+$0x95A0] =	vst.add.f32.msk $0xffff, v27  }
0x33f: {  	[tilespmem:s2+$0x95B0] =	vst.add.f32.msk $0xffff, v28  }
0x340: {  	[tilespmem:s2+$0x95C0] =	vst.add.f32.msk $0xffff, v29  }
0x341: {  	s1 =	simm.s32 $0x0;
	s16 =	simm.s32 $0x800;
	[tilespmem:s2+$0x95D0] =	vst.add.f32.msk $0xffff, v30  }
.LBB2_13:
0x342: {  	s1 =	sadd.s32 $0x8, s1;
	[tilespmem:s2+$0x95E0] =	vst.add.f32.msk $0xffff, v0;
	s2 =	sshra.s32 s16, $0x2  }
0x343: {  	v0 =	vld [tilespmem:s2+$0x115F0];
	p1 =	slt.u32 s1, $0x78  }
0x344: {  	v1 =	vld [tilespmem:s2+$0x11400]  }
0x345: {  	v2 =	vld [tilespmem:s2+$0x11410]  }
0x346: {  	v3 =	vld [tilespmem:s2+$0x11420]  }
0x347: {  	v4 =	vld [tilespmem:s2+$0x11430]  }
0x348: {  	[tilespmem:s2+$0x95F0] =	vst.add.f32.msk $0xffff, v0  }
0x349: {  	v5 =	vld [tilespmem:s2+$0x11440]  }
0x34a: {  	v6 =	vld [tilespmem:s2+$0x11450]  }
0x34b: {  	v7 =	vld [tilespmem:s2+$0x11460]  }
0x34c: {  	v8 =	vld [tilespmem:s2+$0x11470]  }
0x34d: {  	v9 =	vld [tilespmem:s2+$0x11480]  }
0x34e: {  	v10 =	vld [tilespmem:s2+$0x11490]  }
0x34f: {  	v11 =	vld [tilespmem:s2+$0x114A0]  }
0x350: {  	v12 =	vld [tilespmem:s2+$0x114B0]  }
0x351: {  	v13 =	vld [tilespmem:s2+$0x114C0]  }
0x352: {  	v14 =	vld [tilespmem:s2+$0x114D0]  }
0x353: {  	v15 =	vld [tilespmem:s2+$0x114E0]  }
0x354: {  	v16 =	vld [tilespmem:s2+$0x114F0]  }
0x355: {  	v17 =	vld [tilespmem:s2+$0x11500]  }
0x356: {  	v18 =	vld [tilespmem:s2+$0x11510]  }
0x357: {  	v19 =	vld [tilespmem:s2+$0x11520]  }
0x358: {  	v20 =	vld [tilespmem:s2+$0x11530]  }
0x359: {  	v21 =	vld [tilespmem:s2+$0x11540]  }
0x35a: {  	v22 =	vld [tilespmem:s2+$0x11550]  }
0x35b: {  	v23 =	vld [tilespmem:s2+$0x11560]  }
0x35c: {  	v24 =	vld [tilespmem:s2+$0x11570]  }
0x35d: {  	v25 =	vld [tilespmem:s2+$0x11580]  }
0x35e: {  	v26 =	vld [tilespmem:s2+$0x11590]  }
0x35f: {  	v27 =	vld [tilespmem:s2+$0x115A0]  }
0x360: {  	v28 =	vld [tilespmem:s2+$0x115B0]  }
0x361: {  	v29 =	vld [tilespmem:s2+$0x115C0]  }
0x362: {  	v30 =	vld [tilespmem:s2+$0x115D0]  }
0x363: {  	v0 =	vld [tilespmem:s2+$0x115E0]  }
0x364: {  	[tilespmem:s2+$0x9400] =	vst.add.f32.msk $0xffff, v1  }
0x365: {  	[tilespmem:s2+$0x9410] =	vst.add.f32.msk $0xffff, v2  }
0x366: {  	[tilespmem:s2+$0x9420] =	vst.add.f32.msk $0xffff, v3  }
0x367: {  	[tilespmem:s2+$0x9430] =	vst.add.f32.msk $0xffff, v4  }
0x368: {  	[tilespmem:s2+$0x9440] =	vst.add.f32.msk $0xffff, v5  }
0x369: {  	[tilespmem:s2+$0x9450] =	vst.add.f32.msk $0xffff, v6  }
0x36a: {  	[tilespmem:s2+$0x9460] =	vst.add.f32.msk $0xffff, v7  }
0x36b: {  	[tilespmem:s2+$0x9470] =	vst.add.f32.msk $0xffff, v8  }
0x36c: {  	[tilespmem:s2+$0x9480] =	vst.add.f32.msk $0xffff, v9  }
0x36d: {  	[tilespmem:s2+$0x9490] =	vst.add.f32.msk $0xffff, v10  }
0x36e: {  	[tilespmem:s2+$0x94A0] =	vst.add.f32.msk $0xffff, v11  }
0x36f: {  	[tilespmem:s2+$0x94B0] =	vst.add.f32.msk $0xffff, v12  }
0x370: {  	[tilespmem:s2+$0x94C0] =	vst.add.f32.msk $0xffff, v13  }
0x371: {  	[tilespmem:s2+$0x94D0] =	vst.add.f32.msk $0xffff, v14  }
0x372: {  	[tilespmem:s2+$0x94E0] =	vst.add.f32.msk $0xffff, v15  }
0x373: {  	[tilespmem:s2+$0x94F0] =	vst.add.f32.msk $0xffff, v16  }
0x374: {  	[tilespmem:s2+$0x9500] =	vst.add.f32.msk $0xffff, v17  }
0x375: {  	[tilespmem:s2+$0x9510] =	vst.add.f32.msk $0xffff, v18  }
0x376: {  	[tilespmem:s2+$0x9520] =	vst.add.f32.msk $0xffff, v19  }
0x377: {  	[tilespmem:s2+$0x9530] =	vst.add.f32.msk $0xffff, v20  }
0x378: {  	[tilespmem:s2+$0x9540] =	vst.add.f32.msk $0xffff, v21  }
0x379: {  	[tilespmem:s2+$0x9550] =	vst.add.f32.msk $0xffff, v22  }
0x37a: {  	[tilespmem:s2+$0x9560] =	vst.add.f32.msk $0xffff, v23  }
0x37b: {  	[tilespmem:s2+$0x9570] =	vst.add.f32.msk $0xffff, v24  }
0x37c: {  	[tilespmem:s2+$0x9580] =	vst.add.f32.msk $0xffff, v25  }
.Ltmp5:
0x37d: {  	[tilespmem:s2+$0x9590] =	vst.add.f32.msk $0xffff, v26;
	(pc) =	sbr.rel @p1 .LBB2_13-.Ltmp5, $4  }
0x37e: {  	[tilespmem:s2+$0x95A0] =	vst.add.f32.msk $0xffff, v27  }
0x37f: {  	[tilespmem:s2+$0x95B0] =	vst.add.f32.msk $0xffff, v28  }
0x380: {  	[tilespmem:s2+$0x95C0] =	vst.add.f32.msk $0xffff, v29  }
0x381: {  	s16 =	sadd.s32 $0x800, s16;
	[tilespmem:s2+$0x95D0] =	vst.add.f32.msk $0xffff, v30  }
0x382: {  	s26 =	sadd.s32 $0x1, s26  }
0x383: {  	p1 =	sne.s32 s26, $0x20  }
.Ltmp6:
0x384: {  	_ = 	snop;
	(pc) =	sbr.rel @p1 .LBB2_2-.Ltmp6, $4  }
0x385: {  	_ = 	snop  }
0x386: {  	s1 =	sshll.u32 s29, $0xA  }
0x387: {  	[tilespmem:s2+$0x95E0] =	vst.add.f32.msk $0xffff, v0;
	s1 =	sadd.s32 s1, s13  }
0x388: {  	[hbm4b:s1+s5] =	stream.linear.scatter [tilespmem:s7], [sflag:$0xC], $0x2000, $0x38;
	[tilespmem:$0x19400] =	vst v63  }
0x389: {  	_ =	swait.ge [sflag:s24], $0x2000  }
0x38a: {  	[sflag:s24] =	ssyncset.done $0x0  }
0x38b: {  	[sflag:s24] =	ssyncadd.s32 $0xFFFFE000  }
0x38c: {  	_ =	swait.ge [sflag:s25], $0x2000  }
0x38d: {  	[sflag:s25] =	ssyncset.done $0x0  }
0x38e: {  	s1 =	simm.s32 $0xB;
	[sflag:s25] =	ssyncadd.s32 $0xFFFFE000  }
0x38f: {  	_ =	swait.ge [sflag:s1], $0x2000  }
0x390: {  	[sflag:s1] =	ssyncset.done $0x0  }
0x391: {  	s2 =	simm.s32 $0xC;
	[sflag:s1] =	ssyncadd.s32 $0xFFFFE000  }
0x392: {  	_ =	swait.ge [sflag:s2], $0x2000  }
0x393: {  	s16 =	rddreg [dreg:$0xe]  }
0x394: {  	s31 =	rddreg [dreg:$0xb];
	s16 =	sadd.s32 $0x1, s16  }
0x395: {  	p1 =	sne.s32 s16, s31  }
.Ltmp7:
0x396: {  	_ = 	snop;
	(pc) =	sbr.rel @p1 .LBB2_1-.Ltmp7, $3  }
0x397: {  	_ =	sdelay $0x1  }
0x398: {  	[sflag:s2] =	ssyncset.done $0x0  }
0x399: {  	[sflag:s2] =	ssyncadd.s32 $0xFFFFE000  }
0x39a: {  	_ =	sfence.sel $0x180000  }
0x39b: {  	[bflag:$0x0] =	sbarrier.arrive $0xFFFF  }
0x39c: {  	_ =	strace $0x90000047  }
0x39d: {  	[bflag:$0x2] =	sbarrier.arrive $0xFFFF  }
0x39e: {  	s0 =	rddreg [dreg:$0x5]  }
0x39f: {  	s0 =	sadd.s32 @!p0 $0x100000, s0  }
0x3a0: {  	[sflag:s0] =	ssyncadd.tile.s32 @!p0 $0x1;
	_ =	shalt  }
.Lfunc_end2:
_tile_overlayer_lowered:
.L_overlay_start_2:
0x3a1: {  	(tag) =	ssettag $0x2  }
0x3a2: {  	s0 =	rddreg [dreg:$0x0];
	s2 =	stileid.u32  }
0x3a3: {  	s1 =	rddreg [dreg:$0x1];
	p0 =	sne.s32 s2, $0x0  }
0x3a4: {  	s3 =	rddreg [dreg:$0x2];
	[bflag:$0x3] =	sbarrier.arrive $0xFFFF;
	s2 =	simm.s32 @!p0 $0x1C0D  }
0x3a5: {  	[timem:s3], [sflag:s2] =	dma.local @!p0 [hbm:s0], s1  }
0x3a6: {  	s0 =	simm.s32 @!p0 $0xD  }
0x3a7: {  	_ =	swait.ge @!p0 [sflag:s0], s1  }
0x3a8: {  	s1 =	ssub.s32 @!p0 $0x0, s1;
	[sflag:s0] =	ssyncset.done @!p0 $0x0  }
0x3a9: {  	[sflag:s0] =	ssyncadd.s32 @!p0 s1  }
0x3aa: {  	[bflag:$0x3] =	sbarrier.arrive $0xFFFF  }
0x3ab: {  	_ =	shalt  }

// kernel: sparse-core-data-format-call.cloned.1.call-start
scs
called_computation_lowered:
.L_overlay_start_0:
0x0: {  	s2 =	sld [smem:$0x3FD9]  }
0x1: {  	s3 =	sld [smem:$0x3FFE];
	_ =	sdelay $0x1  }
0x2: {  	s1 =	srdreg.scid  }
0x3: {  	s0 =	sand.u32 $0x1, s1  }
0x4: {  	s15 =	sshll.u32 s0, $0xA;
	s2 =	sadd.s32 s3, s2  }
0x5: {  	s2 =	sadd.s32 s2, s15  }
0x6: {  	[smem:$0x3FC4] =	sst s2  }
0x7: {  	_ = 	snop  }
0x8: {  	s2 =	sld [smem:$0x3FD0];
	_ =	sdelay $0x2  }
0x9: {  	s16 =	simm.s32 $0xA;
	s4 =	simm.s32 $0x10  }
0xa: {  	[smem:s4], [sflag:s16] =	dma.local [hbm:s2], $0x1  }
0xb: {  	_ =	swait.eq [sflag:s16], $0x1  }
0xc: {  	[sflag:s16] =	ssyncset.done $0x0  }
0xd: {  	[sflag:s16] =	ssyncadd.s32 $0xFFFFFFFF  }
0xe: {  	s17 =	sld [smem:$0x10];
	(tm) =	ssettm $0x1  }
0xf: {  	s18 =	sld [smem:$0x3FFB];
	_ =	sdelay $0x3  }
0x10: {  	_ =	strace s18  }
0x11: {  	s3 =	sld [smem:$0x3FFC];
	_ =	sdelay $0x3  }
0x12: {  	_ =	strace s3  }
0x13: {  	s3 =	sld [smem:$0x3FFD];
	_ =	sdelay $0x3  }
0x14: {  	_ =	strace s3  }
0x15: {  	_ =	strace $0x8FFFFFFF  }
0x16: {  	s19 =	sld [smem:$0x3FDB];
	_ =	sdelay $0x1  }
0x17: {  	s20 =	simm.s32 $_scs_section_size  }
0x18: {  	s5 =	simm.s32 $_size__tile_overlayer_lowered;
	s6 =	simm.s32 $_tile_overlayer_lowered  }
0x19: {  	s23 =	simm.s32 $0x1BFF;
	s22 =	sshll.u32 s6, $0x1;
	s3 =	sadd.s32 s20, s19  }
0x1a: {  	s7 =	simm.s32 $0x0;
	s21 =	sshll.u32 s5, $0x1;
	s5 =	sadd.s32 s22, s3  }
0x1b: {  	[timem:s7], [sflag:s23] =	dma.local [hbm:s5], s21  }
0x1c: {  	_ =	swait.ge [sflag:s23], s21  }
0x1d: {  	s4 =	ssub.s32 $0x0, s21;
	[sflag:s23] =	ssyncset.done $0x0  }
0x1e: {  	[sflag:s23] =	ssyncadd.s32 s4;
	_ =	sdelay $0x1  }
0x1f: {  	s24 =	simm.s32 $0x1B8B  }
0x20: {  	_ =	swait.ge [sflag:s24], $0x1  }
0x21: {  	[sflag:s24] =	ssyncset.done $0x0  }
0x22: {  	s26 =	simm.s32 $0x1B8E;
	s25 =	sld [smem:$0x3FFE];
	[sflag:s24] =	ssyncadd.s32 $0xFFFFFFFF  }
0x23: {  	s27 =	simm.s32 $execute0_lowered;
	[smem:$0x3FD2] =	sst s26  }
0x24: {  	s5 =	sshll.u32 s27, $0x1;
	_ =	strace $0x80000049;
	[dreg:$0x1] =	wrdreg $0xFFFFFFFF  }
0x25: {  	s28 =	simm.s32 $_size_execute0_lowered;
	s3 =	sadd.s32 s3, s5;
	[dreg:$0x0] =	wrdreg $0x0  }
0x26: {  	s5 =	sshll.u32 s28, $0x1;
	[dreg:$0x2] =	wrdreg s3  }
0x27: {  	[dreg:$0x3] =	wrdreg s5  }
0x28: {  	[dreg:$0x4] =	wrdreg $0xC0  }
0x29: {  	_ =	task [dreg:s7], $0x5FFFF  }
0x2a: {  	[dreg:$0x1] =	wrdreg $0xFFFFFFFF  }
0x2b: {  	[dreg:$0x0] =	wrdreg $0x60  }
0x2c: {  	[dreg:$0x2] =	wrdreg s25  }
0x2d: {  	[dreg:$0x3] =	wrdreg s17  }
0x2e: {  	[dreg:$0x4] =	wrdreg $0x9  }
0x2f: {  	_ =	task.clear_ibuf [dreg:s7], $0x5FFFF;
	_ =	strace $0x90000049  }
0x30: {  	s29 =	simm.s32 $0x9;
	_ =	strace $0x8000004B  }
0x31: {  	_ =	swait.ge [sflag:s29], $0x1  }
0x32: {  	[sflag:s29] =	ssyncadd.s32 $0xFFFFFFFF  }
0x33: {  	_ =	strace $0x9000004B  }
0x34: {  	_ =	sfence  }
0x35: {  	s30 =	sld [smem:$0x0];
	_ =	sdelay $0x2  }
0x36: {  	s31 =	sshll.u32 s1, $0xD;
	s1 =	sshrl.u32 s1, $0x2  }
0x37: {  	s3 =	sand.u32 $0x4000, s31;
	s1 =	sadd.s32 s1, s30  }
0x38: {  	s0 =	sor.u32 s3, s0;
	s1 =	sshll.u32 s1, $0x11  }
0x39: {  	s0 =	sor.u32 s1, s0  }
0x3a: {  	s0 =	sadd.s32 $0x8F2B, s0  }
0x3b: {  	[sflag:s0] =	ssyncadd.remote.s32 $0x1  }
0x3c: {  	_ =	sfence.sel $0xFFFF  }
0x3d: {  	[dreg:$0x0] =	wrdreg $0xFFFFFFFF;
	(pc) =	sbr.abs _section_cstart, $3  }
0x3e: {  	[dreg:$0x1] =	wrdreg $0xFFFFFFFF  }
0x3f: {  	_ =	task.clear_ibuf [dreg:s7], $0x2FFFF;
	_ =	strace $0x9FFFFFFF  }
0x40: {  	(tm) =	ssettm $0x7FFFFFFF  }
0x41: {  	_ =	shalt  }
tec
execute0_lowered:
.L_overlay_start_1:
0x0: {  	(tag) =	ssettag $0x1  }
0x1: {  	s1 =	rddreg [dreg:$0x0]  }
0x2: {  	s2 =	rddreg [dreg:$0x1]  }
0x3: {  	s0 =	rddreg [dreg:$0x2]  }
0x4: {  	s4 =	srdreg.scid;
	_ =	strace $0x8000004A;
	s6 =	simm.s32 $0x2  }
0x5: {  	s12 =	simm.s32 $0x0;
	p0 =	por $0x0, $0x0;
	s11 =	simm.s32 $0x0  }
.Ltmp0:
0x6: {  	s13 =	simm.s32 $0x0;
	s8 =	simm.s32 $0x0;
	(pc) =	sbr.rel .LBB1_1-.Ltmp0, $4  }
0x7: {  	s9 =	simm.s32 $0x0;
	s3 =	sadd.s32 $0x1200, s1;
	s4 =	sshll.u32 s4, $0x4  }
0x8: {  	s1 =	stileid.u32;
	s5 =	sand.u32 $0x10, s4;
	s4 =	simm.s32 $0x1  }
0x9: {  	s7 =	simm.s32 $0x0;
	s5 =	sor.u32 s1, s5;
	[sflag:s4] =	ssyncpa.u1 $0x0  }
0xa: {  	[sflag:s6] =	ssyncpa.u1 $0x0;
	s6 =	simm.s32 $0x800;
	s10 =	smov.u32 s5  }
.LBB1_5:
0xb: {  	s14 =	sadd.s32 $0x1, s8  }
0xc: {  	s11 =	sadd.s32 $0x80, s9;
	s15 =	smov.u32 s9;
	p2 =	sgt.s32 s14, $0x7  }
0xd: {  	s15 =	smov.u32 @p2 s11  }
0xe: {  	s17 =	smov.u32 s10;
	s11 =	sadd.s32 $0x20, s10;
	p3 =	sgt.s32 s15, $0xFF  }
0xf: {  	p1 =	slt.u32 s7, $0x2;
	s17 =	smov.u32 @p3 s11  }
0x10: {  	s7 =	sadd.s32 $0x1, s7;
	s14 =	simm.s32 @p2 $0x0;
	p2 =	sgt.s32 s17, $0xFF  }
0x11: {  	s17 =	smov.u32 @p2 s5;
	p2 =	sne.s32 s7, $0x82  }
.Ltmp1:
0x12: {  	s16 =	simm.s32 @!p1 $0x2;
	(pc) =	sbr.rel @!p2 .LBB1_6-.Ltmp1, $4  }
0x13: {  	s12 =	smov.u32 s8;
	_ =	swait.ge @!p1 [sflag:s16], $0x2000  }
0x14: {  	s13 =	smov.u32 s10;
	p0 =	por !p0, !p0;
	[sflag:s16] =	ssyncset.done @!p1 $0x0  }
0x15: {  	s8 =	smov.u32 s14;
	s15 =	simm.s32 @p3 $0x0;
	s11 =	smov.u32 s9  }
0x16: {  	[sflag:s16] =	ssyncadd.s32 @!p1 $0xFFFFE000;
	s9 =	smov.u32 s15;
	s10 =	smov.u32 s17  }
.LBB1_1:
0x17: {  	p1 =	sgt.u32 s7, $0x7F  }
0x18: {  	s14 =	sxor.u32 @!p1 $0xFFFFFFFF, s7;
	s15 =	sshll.u32 @!p1 s10, $0xF;
	s16 =	sshll.u32 @!p1 s9, $0x7  }
0x19: {  	s17 =	sshll.u32 @!p1 s8, $0x4;
	s14 =	sshll.u32 @!p1 s14, $0xD;
	s15 =	sadd.s32 @!p1 s3, s15  }
0x1a: {  	s17 =	sand.u32 @!p1 $0x70, s17;
	s14 =	sand.u32 @!p1 $0x2000, s14;
	s15 =	sadd.s32 @!p1 s16, s15  }
0x1b: {  	s16 =	simm.s32 @!p1 $0x40;
	s15 =	sadd.s32 @!p1 s17, s15;
	s17 =	simm.s32 @!p1 $0x400  }
0x1c: {  	[tilespmem:s14], [sflag:$0x1] =	stream.strided.gather @!p1 [hbm4b:s15+s16], $0x2000, s17, s16, $0x38;
	[tilespmem:$0x8080] =	vst v63  }
0x1d: {  	p1 =	seq.s32 s7, $0x0  }
0x1e: {  	p2 =	seq.s32 @!p1 s7, $0x81  }
0x1f: {  	p1 =	por p1, p2  }
.Ltmp2:
0x20: {  	_ = 	snop;
	(pc) =	sbr.rel @p1 .LBB1_5-.Ltmp2, $1  }
0x21: {  	_ =	sdelay $0x3  }
0x22: {  	s14 =	simm.s32 $0x1  }
0x23: {  	_ =	swait.ge [sflag:s4], $0x2000;
	s14 =	simm.s32 @!p0 $0x0  }
0x24: {  	[sflag:s4] =	ssyncset.done $0x0;
	s15 =	sshll.u32 s14, $0xD  }
0x25: {  	[sflag:s4] =	ssyncadd.s32 $0xFFFFE000;
	s18 =	sor.u32 $0x20, s15  }
0x26: {  	s14 =	smul.u32 $0x8100, s14;
	v3 =	vld [tilespmem:s18+$0x10]  }
0x27: {  	s30 =	sand.u32 $0x1, s7;
	v2 =	vld [tilespmem:s18+$0xFFFFFFF0]  }
0x28: {  	s15 =	smul.u32 $0x8100, s30;
	s14 =	sshrl.u32 s14, $0x2;
	v0 =	vld [tilespmem:s18+$0x0]  }
0x29: {  	v1 =	vld [tilespmem:s18+$0xFFFFFFE0];
	s16 =	sor.u32 $0x4000, s14  }
0x2a: {  	s31 =	sshrl.u32 s15, $0x2;
	s15 =	sadd.s32 $0x0, s16  }
0x2b: {  	s17 =	simm.s32 $0x4;
	s18 =	sadd.s32 $0x40, s18;
	s14 =	sor.u32 $0x4000, s31;
	[tilespmem:s15+$0x1830 ss:$0x81] =	vst.msk $0xffff, v3  }
.LBB1_3:
0x2c: {  	v3 =	vld [tilespmem:s18+$0x10];
	p1 =	sne.s32 s17, $0x1FC;
	[tilespmem:s15+$0x810 ss:$0x81] =	vst.msk $0xffff, v2;
	s19 =	smov.u32 s17;
	s17 =	sadd.s32 $0x4, s17  }
.Ltmp3:
0x2d: {  	v2 =	vld [tilespmem:s18+$0xFFFFFFF0];
	[tilespmem:s15+$0x1020 ss:$0x81] =	vst.msk $0xffff, v0;
	(pc) =	sbr.rel @p1 .LBB1_3-.Ltmp3, $4  }
0x2e: {  	v0 =	vld [tilespmem:s18+$0x0];
	[tilespmem:s15+$0x0 ss:$0x81] =	vst.msk $0xffff, v1  }
0x2f: {  	s15 =	sshra.s32 s19, $0x2;
	v1 =	vld [tilespmem:s18+$0xFFFFFFE0]  }
0x30: {  	s15 =	sadd.s32 s15, s16  }
0x31: {  	s18 =	sadd.s32 $0x40, s18;
	[tilespmem:s15+$0x1830 ss:$0x81] =	vst.msk $0xffff, v3  }
0x32: {  	s13 =	sshll.u32 s13, $0xE;
	s16 =	sand.u32 $0x780, s11  }
.Ltmp4:
0x33: {  	s12 =	sshll.u32 s12, $0xB;
	s13 =	sadd.s32 s2, s13;
	(pc) =	sbr.rel .LBB1_5-.Ltmp4, $4  }
0x34: {  	[tilespmem:s15+$0x810 ss:$0x81] =	vst.msk $0xffff, v2;
	s17 =	sshrl.u32 s11, $0x3;
	s30 =	sand.u32 $0x7, s11;
	s13 =	sadd.s32 s16, s13  }
0x35: {  	[tilespmem:s15+$0x1020 ss:$0x81] =	vst.msk $0xffff, v0;
	s31 =	sand.u32 $0xF, s17;
	s11 =	sshll.u32 s30, $0x12;
	s12 =	sadd.s32 s12, s13  }
0x36: {  	[tilespmem:s15+$0x0 ss:$0x81] =	vst.msk $0xffff, v1;
	s11 =	sor.u32 $0x400, s11;
	s12 =	sadd.s32 s31, s12  }
0x37: {  	[hbm4b:s12+s11] =	stream.strided.scatter [tilespmem:s14], [sflag:$0x2], $0x2000, s6, s11, $0x20;
	[tilespmem:$0x8080] =	vst v63  }
.LBB1_6:
0x38: {  	_ =	sfence.sel $0x180000  }
0x39: {  	s2 =	simm.s32 $0x1;
	[bflag:$0x0] =	sbarrier.arrive $0xFFFF  }
0x3a: {  	s31 =	simm.s32 $0x2;
	[sflag:s2] =	ssyncpa.u1 $0x1  }
0x3b: {  	[sflag:s31] =	ssyncpa.u1 $0x1  }
0x3c: {  	p0 =	sne.s32 s1, $0x0;
	_ =	strace $0x9000004A  }
0x3d: {  	s0 =	sadd.s32 @!p0 $0x100000, s0;
	[bflag:$0x2] =	sbarrier.arrive $0xFFFF  }
0x3e: {  	[sflag:s0] =	ssyncadd.tile.s32 @!p0 $0x1;
	_ =	shalt  }
.Lfunc_end1:
_tile_overlayer_lowered:
.L_overlay_start_2:
0x3f: {  	(tag) =	ssettag $0x2  }
0x40: {  	s0 =	rddreg [dreg:$0x0];
	s2 =	stileid.u32  }
0x41: {  	s1 =	rddreg [dreg:$0x1];
	p0 =	sne.s32 s2, $0x0  }
0x42: {  	s3 =	rddreg [dreg:$0x2];
	[bflag:$0x3] =	sbarrier.arrive $0xFFFF;
	s2 =	simm.s32 @!p0 $0x1C01  }
0x43: {  	[timem:s3], [sflag:s2] =	dma.local @!p0 [hbm:s0], s1  }
0x44: {  	s0 =	simm.s32 @!p0 $0x1  }
0x45: {  	_ =	swait.ge @!p0 [sflag:s0], s1  }
0x46: {  	s1 =	ssub.s32 @!p0 $0x0, s1;
	[sflag:s0] =	ssyncset.done @!p0 $0x0  }
0x47: {  	[sflag:s0] =	ssyncadd.s32 @!p0 s1  }
0x48: {  	[bflag:$0x3] =	sbarrier.arrive $0xFFFF  }
0x49: {  	_ =	shalt  }

</sc_bundles>
